<compile_context>
chip_gen: v7x
topology: tpu7x:2x2x1
jax: 0.10.2.dev20260603
libtpu: 0.0.44.dev20260713+nightly
codegen_flags: <defaults>
</compile_context>

<pallas_src>
import functools

import jax
import jax.numpy as jnp
from jax import lax
from jax.experimental import pallas as pl
from jax.experimental.pallas import tpu as pltpu
from jax.experimental.pallas import tpu_sc as plsc

_FIELD_DIM = 100000
_NUM_FIELDS = 26
_TOTAL_ROWS = _FIELD_DIM * _NUM_FIELDS
_PAD_ROWS = 2600960
_BATCH = 16384
_LANES = 16
_NUM_CORES = 2
_NUM_SUBCORES = 16
_NUM_WORKERS = _NUM_CORES * _NUM_SUBCORES
_B_PER_W = _BATCH // _NUM_WORKERS
_VECS = _B_PER_W // _LANES
_GATHER_N = _NUM_FIELDS * _B_PER_W


_CHUNKS = 4
_ROWS_PER_CHUNK = _B_PER_W // _CHUNKS
_CVECS = _ROWS_PER_CHUNK // _LANES
_CHUNK_N = _NUM_FIELDS * _ROWS_PER_CHUNK


def _sc_body(xt_hbm, table_hbm, bias_hbm, out_hbm, x_v, out_v, bias_v,
             idx_refs, row_refs, sems):
    core = lax.axis_index("c")
    sub = lax.axis_index("s")
    wid = sub * _NUM_CORES + core
    base = wid * _B_PER_W

    pltpu.sync_copy(xt_hbm.at[:, pl.ds(base, _B_PER_W)], x_v)
    pltpu.sync_copy(bias_hbm, bias_v)

    copies = []
    for c in range(_CHUNKS):
        idx_c = idx_refs[c]

        def build(i, _, c=c, idx_c=idx_c):
            row0 = c * _ROWS_PER_CHUNK + i * _LANES
            for f in range(_NUM_FIELDS):
                v = x_v[f, pl.ds(row0, _LANES)]
                idx_c[pl.ds(f * _ROWS_PER_CHUNK + i * _LANES, _LANES)] = (
                    v + f * _FIELD_DIM)
            return _

        lax.fori_loop(0, _CVECS, build, None)
        copies.append(
            pltpu.async_copy(table_hbm.at[idx_c], row_refs[c], sems[c]))

    bias_vec = bias_v[...]
    for c in range(_CHUNKS):
        copies[c].wait()
        rows_c = row_refs[c]

        def reduce(i, _, c=c, rows_c=rows_c):
            acc = bias_vec
            for f in range(_NUM_FIELDS):
                acc = acc + rows_c[
                    pl.ds(f * _ROWS_PER_CHUNK + i * _LANES, _LANES)]
            out_v[pl.ds(c * _ROWS_PER_CHUNK + i * _LANES, _LANES)] = acc
            return _

        lax.fori_loop(0, _CVECS, reduce, None)

    pltpu.sync_copy(out_v, out_hbm.at[pl.ds(base, _B_PER_W)])


@functools.partial(jax.jit, static_argnames=())
def kernel(x, W, bias):
    xt = x.T
    wp = lax.optimization_barrier(jnp.pad(W, ((0, _PAD_ROWS - _TOTAL_ROWS),
                                              (0, 0))))
    table = wp.reshape(_PAD_ROWS)
    bias16 = jnp.broadcast_to(bias, (_LANES,))

    mesh = plsc.VectorSubcoreMesh(core_axis_name="c", subcore_axis_name="s")
    run = pl.kernel(
        _sc_body,
        out_type=jax.ShapeDtypeStruct((_BATCH,), jnp.float32),
        mesh=mesh,
        scratch_types=[
            pltpu.VMEM((_NUM_FIELDS, _B_PER_W), jnp.int32),
            pltpu.VMEM((_B_PER_W,), jnp.float32),
            pltpu.VMEM((_LANES,), jnp.float32),
            [pltpu.VMEM((_CHUNK_N,), jnp.int32) for _ in range(_CHUNKS)],
            [pltpu.VMEM((_CHUNK_N,), jnp.float32) for _ in range(_CHUNKS)],
            [pltpu.SemaphoreType.DMA for _ in range(_CHUNKS)],
        ],
        compiler_params=pltpu.CompilerParams(),
    )
    return run(xt, table, bias16).reshape(_BATCH, 1)

# --- scband reference (transcript-rebuilt; emitter-appended) ---
"""Pipeline reference for scband-feature-linear-1529008357554 (READ-ONLY COPY).

The authoritative reference and input builder live on the scoring server;
editing this copy changes nothing except your own understanding.
"""

import jax, jax.numpy as jnp
import numpy as np

FIELD_DIMS = [100000] * 26
TOTAL_ROWS = sum(FIELD_DIMS)
OUTPUT_DIM = 1
BATCH = 16384
OFFSETS = jnp.asarray(np.concatenate([[0], np.cumsum(FIELD_DIMS[:-1])]).astype(np.int32))


def setup_inputs(seed: int = 0) -> dict:
    key = jax.random.key(seed)
    k1, k2 = jax.random.split(key, 2)
    x = jax.random.randint(k1, (BATCH, len(FIELD_DIMS)), 0, 100000, dtype=jnp.int32)
    # embedding table, matches nn.Embedding default init N(0,1)
    W = jax.random.normal(k2, (TOTAL_ROWS, OUTPUT_DIM), dtype=jnp.float32)
    bias = jnp.zeros((OUTPUT_DIM,), dtype=jnp.float32)
    return {"x": x, "W": W, "bias": bias}


def reference(x, W, bias):
    # x: int[B, F] per-field indices; add per-field offsets into shared table
    idx = x + OFFSETS[None, :]
    emb = jnp.take(W, idx, axis=0)  # [B, F, output_dim] -- SparseCore gather
    out = jnp.sum(emb, axis=1) + bias  # [B, output_dim]
    return out

if __name__ == "__main__":
    import jax
    _d = setup_inputs()
    print(jax.jit(kernel)(*tuple(_d.values())))

</pallas_src>

<mosaic_0001>
#map = affine_map<(d0, d1) -> (0, 0)>
#map1 = affine_map<(d0, d1) -> (0)>
module attributes {stable_mosaic.version = 14 : i64} {
  func.func @_sc_body(%arg0: i32, %arg1: i32, %arg2: memref<26x16384xi32, #tpu.memory_space<hbm>>, %arg3: memref<2600960xf32, #tpu.memory_space<hbm>>, %arg4: memref<16xf32, #tpu.memory_space<hbm>>, %arg5: memref<16384xf32, #tpu.memory_space<hbm>>, %arg6: memref<26x512xi32, #tpu.memory_space<vmem>>, %arg7: memref<512xf32, #tpu.memory_space<vmem>>, %arg8: memref<16xf32, #tpu.memory_space<vmem>>, %arg9: memref<3328xi32, #tpu.memory_space<vmem>>, %arg10: memref<3328xi32, #tpu.memory_space<vmem>>, %arg11: memref<3328xi32, #tpu.memory_space<vmem>>, %arg12: memref<3328xi32, #tpu.memory_space<vmem>>, %arg13: memref<3328xf32, #tpu.memory_space<vmem>>, %arg14: memref<3328xf32, #tpu.memory_space<vmem>>, %arg15: memref<3328xf32, #tpu.memory_space<vmem>>, %arg16: memref<3328xf32, #tpu.memory_space<vmem>>, %arg17: memref<!tpu.dma_semaphore, #tpu.memory_space<semaphore_mem>>, %arg18: memref<!tpu.dma_semaphore, #tpu.memory_space<semaphore_mem>>, %arg19: memref<!tpu.dma_semaphore, #tpu.memory_space<semaphore_mem>>, %arg20: memref<!tpu.dma_semaphore, #tpu.memory_space<semaphore_mem>>) attributes {dimension_semantics = [#tpu.dimension_semantics<core_parallel>, #tpu.dimension_semantics<subcore_parallel>], iteration_bounds = array<i64: 2, 16>, scalar_prefetch = 0 : i64, scratch_operands = 15 : i64, tpu.core_type = #tpu.core_type<sc_vector_subcore>, window_params = [{transform_indices = #map}, {transform_indices = #map1}, {transform_indices = #map1}, {transform_indices = #map1}]} {
    %mul3A = arith.constant 2 : i32
    %mul3A_0 = arith.muli %arg1, %mul3A : i32
    %add3A = arith.addi %mul3A_0, %arg0 : i32
    %mul3A_1 = arith.constant 512 : i32
    %mul3A_2 = arith.muli %add3A, %mul3A_1 : i32
    "tpu.region"() ({
      %run_scoped3A = tpu.sem_alloc : memref<!tpu.dma_semaphore, #tpu.memory_space<semaphore_mem>>
      %dma_start3A_58 = arith.constant 0 : i32
      %dma_start3A_59 = tpu.memref_slice %arg2[%dma_start3A_58, %mul3A_2] : memref<26x16384xi32, #tpu.memory_space<hbm>> -> memref<26x512xi32, #tpu.memory_space<hbm>>
      %dma_start3A_60 = arith.constant 0 : i32
      %dma_start3A_61 = tpu.memref_slice %arg2[%dma_start3A_60, %mul3A_2] : memref<26x16384xi32, #tpu.memory_space<hbm>> -> memref<26x512xi32, #tpu.memory_space<hbm>>
      tpu.enqueue_dma source(%dma_start3A_61 : memref<26x512xi32, #tpu.memory_space<hbm>>) target(%arg6 : memref<26x512xi32, #tpu.memory_space<vmem>>) target_semaphore(%run_scoped3A : memref<!tpu.dma_semaphore, #tpu.memory_space<semaphore_mem>>)
      %dma_wait3A_62 = arith.constant 0 : i32
      %dma_wait3A_63 = tpu.memref_slice %arg2[%dma_wait3A_62, %mul3A_2] : memref<26x16384xi32, #tpu.memory_space<hbm>> -> memref<26x512xi32, #tpu.memory_space<hbm>>
      %dma_wait3A_64 = arith.constant 0 : i32
      %dma_wait3A_65 = tpu.memref_slice %arg2[%dma_wait3A_64, %mul3A_2] : memref<26x16384xi32, #tpu.memory_space<hbm>> -> memref<26x512xi32, #tpu.memory_space<hbm>>
      tpu.wait_dma2 semaphore(%run_scoped3A : memref<!tpu.dma_semaphore, #tpu.memory_space<semaphore_mem>>) src(%dma_wait3A_65 : memref<26x512xi32, #tpu.memory_space<hbm>>) dst(%arg6 : memref<26x512xi32, #tpu.memory_space<vmem>>)
      tpu.yield
    }) : () -> ()
    "tpu.region"() ({
      %run_scoped3A = tpu.sem_alloc : memref<!tpu.dma_semaphore, #tpu.memory_space<semaphore_mem>>
      tpu.enqueue_dma source(%arg4 : memref<16xf32, #tpu.memory_space<hbm>>) target(%arg8 : memref<16xf32, #tpu.memory_space<vmem>>) target_semaphore(%run_scoped3A : memref<!tpu.dma_semaphore, #tpu.memory_space<semaphore_mem>>)
      tpu.wait_dma2 semaphore(%run_scoped3A : memref<!tpu.dma_semaphore, #tpu.memory_space<semaphore_mem>>) src(%arg4 : memref<16xf32, #tpu.memory_space<hbm>>) dst(%arg8 : memref<16xf32, #tpu.memory_space<vmem>>)
      tpu.yield
    }) : () -> ()
    %scan3A = arith.constant 0 : i32
    %scan3A_3 = arith.constant 8 : i32
    %scan3A_4 = arith.addi %scan3A, %scan3A_3 : i32
    %scan3A_5 = arith.constant 1 : i32
    scf.for %scan3A_58 = %scan3A to %scan3A_4 step %scan3A_5  : i32 {
      %mul3A_59 = arith.constant 16 : i32
      %mul3A_60 = arith.muli %scan3A_58, %mul3A_59 : i32
      %add3A_61 = arith.constant 0 : i32
      %add3A_62 = arith.addi %add3A_61, %mul3A_60 : i32
      %get3A_63 = arith.constant 0 : i32
      %get3A_64 = arith.index_cast %get3A_63 : i32 to index
      %get3A_65 = arith.index_cast %add3A_62 : i32 to index
      %get3A_66 = tpu.vector_load %arg6[%get3A_64, %get3A_65] {strides = array<i32>} : memref<26x512xi32, #tpu.memory_space<vmem>>, vector<1x16xi32>,
      %get3A_67 = vector.shape_cast %get3A_66 : vector<1x16xi32> to vector<16xi32>
      %add3A_68 = arith.constant 0 : i32
      %add3A_69 = vector.broadcast %add3A_68 : i32 to vector<16xi32>
      %add3A_70 = arith.addi %get3A_67, %add3A_69 : vector<16xi32>
      %mul3A_71 = arith.constant 16 : i32
      %mul3A_72 = arith.muli %scan3A_58, %mul3A_71 : i32
      %add3A_73 = arith.constant 0 : i32
      %add3A_74 = arith.addi %add3A_73, %mul3A_72 : i32
      %swap3A = arith.index_cast %add3A_74 : i32 to index
      %swap3A_75 = tpu.vector_load %arg9[%swap3A] {strides = array<i32>} : memref<3328xi32, #tpu.memory_space<vmem>>, vector<16xi32>,
      %swap3A_76 = vector.shape_cast %swap3A_75 : vector<16xi32> to vector<16xi32>
      %swap3A_77 = vector.shape_cast %add3A_70 : vector<16xi32> to vector<16xi32>
      tpu.vector_store %arg9[%swap3A], %swap3A_77 {strides = array<i32>} : memref<3328xi32, #tpu.memory_space<vmem>>, vector<16xi32>,
      %get3A_78 = arith.constant 1 : i32
      %get3A_79 = arith.index_cast %get3A_78 : i32 to index
      %get3A_80 = arith.index_cast %add3A_62 : i32 to index
      %get3A_81 = tpu.vector_load %arg6[%get3A_79, %get3A_80] {strides = array<i32>} : memref<26x512xi32, #tpu.memory_space<vmem>>, vector<1x16xi32>,
      %get3A_82 = vector.shape_cast %get3A_81 : vector<1x16xi32> to vector<16xi32>
      %add3A_83 = arith.constant 100000 : i32
      %add3A_84 = vector.broadcast %add3A_83 : i32 to vector<16xi32>
      %add3A_85 = arith.addi %get3A_82, %add3A_84 : vector<16xi32>
      %mul3A_86 = arith.constant 16 : i32
      %mul3A_87 = arith.muli %scan3A_58, %mul3A_86 : i32
      %add3A_88 = arith.constant 128 : i32
      %add3A_89 = arith.addi %add3A_88, %mul3A_87 : i32
      %swap3A_90 = arith.index_cast %add3A_89 : i32 to index
      %swap3A_91 = tpu.vector_load %arg9[%swap3A_90] {strides = array<i32>} : memref<3328xi32, #tpu.memory_space<vmem>>, vector<16xi32>,
      %swap3A_92 = vector.shape_cast %swap3A_91 : vector<16xi32> to vector<16xi32>
      %swap3A_93 = vector.shape_cast %add3A_85 : vector<16xi32> to vector<16xi32>
      tpu.vector_store %arg9[%swap3A_90], %swap3A_93 {strides = array<i32>} : memref<3328xi32, #tpu.memory_space<vmem>>, vector<16xi32>,
      %get3A_94 = arith.constant 2 : i32
      %get3A_95 = arith.index_cast %get3A_94 : i32 to index
      %get3A_96 = arith.index_cast %add3A_62 : i32 to index
      %get3A_97 = tpu.vector_load %arg6[%get3A_95, %get3A_96] {strides = array<i32>} : memref<26x512xi32, #tpu.memory_space<vmem>>, vector<1x16xi32>,
      %get3A_98 = vector.shape_cast %get3A_97 : vector<1x16xi32> to vector<16xi32>
      %add3A_99 = arith.constant 200000 : i32
      %add3A_100 = vector.broadcast %add3A_99 : i32 to vector<16xi32>
      %add3A_101 = arith.addi %get3A_98, %add3A_100 : vector<16xi32>
      %mul3A_102 = arith.constant 16 : i32
      %mul3A_103 = arith.muli %scan3A_58, %mul3A_102 : i32
      %add3A_104 = arith.constant 256 : i32
      %add3A_105 = arith.addi %add3A_104, %mul3A_103 : i32
      %swap3A_106 = arith.index_cast %add3A_105 : i32 to index
      %swap3A_107 = tpu.vector_load %arg9[%swap3A_106] {strides = array<i32>} : memref<3328xi32, #tpu.memory_space<vmem>>, vector<16xi32>,
      %swap3A_108 = vector.shape_cast %swap3A_107 : vector<16xi32> to vector<16xi32>
      %swap3A_109 = vector.shape_cast %add3A_101 : vector<16xi32> to vector<16xi32>
      tpu.vector_store %arg9[%swap3A_106], %swap3A_109 {strides = array<i32>} : memref<3328xi32, #tpu.memory_space<vmem>>, vector<16xi32>,
      %get3A_110 = arith.constant 3 : i32
      %get3A_111 = arith.index_cast %get3A_110 : i32 to index
      %get3A_112 = arith.index_cast %add3A_62 : i32 to index
      %get3A_113 = tpu.vector_load %arg6[%get3A_111, %get3A_112] {strides = array<i32>} : memref<26x512xi32, #tpu.memory_space<vmem>>, vector<1x16xi32>,
      %get3A_114 = vector.shape_cast %get3A_113 : vector<1x16xi32> to vector<16xi32>
      %add3A_115 = arith.constant 300000 : i32
      %add3A_116 = vector.broadcast %add3A_115 : i32 to vector<16xi32>
      %add3A_117 = arith.addi %get3A_114, %add3A_116 : vector<16xi32>
      %mul3A_118 = arith.constant 16 : i32
      %mul3A_119 = arith.muli %scan3A_58, %mul3A_118 : i32
      %add3A_120 = arith.constant 384 : i32
      %add3A_121 = arith.addi %add3A_120, %mul3A_119 : i32
      %swap3A_122 = arith.index_cast %add3A_121 : i32 to index
      %swap3A_123 = tpu.vector_load %arg9[%swap3A_122] {strides = array<i32>} : memref<3328xi32, #tpu.memory_space<vmem>>, vector<16xi32>,
      %swap3A_124 = vector.shape_cast %swap3A_123 : vector<16xi32> to vector<16xi32>
      %swap3A_125 = vector.shape_cast %add3A_117 : vector<16xi32> to vector<16xi32>
      tpu.vector_store %arg9[%swap3A_122], %swap3A_125 {strides = array<i32>} : memref<3328xi32, #tpu.memory_space<vmem>>, vector<16xi32>,
      %get3A_126 = arith.constant 4 : i32
      %get3A_127 = arith.index_cast %get3A_126 : i32 to index
      %get3A_128 = arith.index_cast %add3A_62 : i32 to index
      %get3A_129 = tpu.vector_load %arg6[%get3A_127, %get3A_128] {strides = array<i32>} : memref<26x512xi32, #tpu.memory_space<vmem>>, vector<1x16xi32>,
      %get3A_130 = vector.shape_cast %get3A_129 : vector<1x16xi32> to vector<16xi32>
      %add3A_131 = arith.constant 400000 : i32
      %add3A_132 = vector.broadcast %add3A_131 : i32 to vector<16xi32>
      %add3A_133 = arith.addi %get3A_130, %add3A_132 : vector<16xi32>
      %mul3A_134 = arith.constant 16 : i32
      %mul3A_135 = arith.muli %scan3A_58, %mul3A_134 : i32
      %add3A_136 = arith.constant 512 : i32
      %add3A_137 = arith.addi %add3A_136, %mul3A_135 : i32
      %swap3A_138 = arith.index_cast %add3A_137 : i32 to index
      %swap3A_139 = tpu.vector_load %arg9[%swap3A_138] {strides = array<i32>} : memref<3328xi32, #tpu.memory_space<vmem>>, vector<16xi32>,
      %swap3A_140 = vector.shape_cast %swap3A_139 : vector<16xi32> to vector<16xi32>
      %swap3A_141 = vector.shape_cast %add3A_133 : vector<16xi32> to vector<16xi32>
      tpu.vector_store %arg9[%swap3A_138], %swap3A_141 {strides = array<i32>} : memref<3328xi32, #tpu.memory_space<vmem>>, vector<16xi32>,
      %get3A_142 = arith.constant 5 : i32
      %get3A_143 = arith.index_cast %get3A_142 : i32 to index
      %get3A_144 = arith.index_cast %add3A_62 : i32 to index
      %get3A_145 = tpu.vector_load %arg6[%get3A_143, %get3A_144] {strides = array<i32>} : memref<26x512xi32, #tpu.memory_space<vmem>>, vector<1x16xi32>,
      %get3A_146 = vector.shape_cast %get3A_145 : vector<1x16xi32> to vector<16xi32>
      %add3A_147 = arith.constant 500000 : i32
      %add3A_148 = vector.broadcast %add3A_147 : i32 to vector<16xi32>
      %add3A_149 = arith.addi %get3A_146, %add3A_148 : vector<16xi32>
      %mul3A_150 = arith.constant 16 : i32
      %mul3A_151 = arith.muli %scan3A_58, %mul3A_150 : i32
      %add3A_152 = arith.constant 640 : i32
      %add3A_153 = arith.addi %add3A_152, %mul3A_151 : i32
      %swap3A_154 = arith.index_cast %add3A_153 : i32 to index
      %swap3A_155 = tpu.vector_load %arg9[%swap3A_154] {strides = array<i32>} : memref<3328xi32, #tpu.memory_space<vmem>>, vector<16xi32>,
      %swap3A_156 = vector.shape_cast %swap3A_155 : vector<16xi32> to vector<16xi32>
      %swap3A_157 = vector.shape_cast %add3A_149 : vector<16xi32> to vector<16xi32>
      tpu.vector_store %arg9[%swap3A_154], %swap3A_157 {strides = array<i32>} : memref<3328xi32, #tpu.memory_space<vmem>>, vector<16xi32>,
      %get3A_158 = arith.constant 6 : i32
      %get3A_159 = arith.index_cast %get3A_158 : i32 to index
      %get3A_160 = arith.index_cast %add3A_62 : i32 to index
      %get3A_161 = tpu.vector_load %arg6[%get3A_159, %get3A_160] {strides = array<i32>} : memref<26x512xi32, #tpu.memory_space<vmem>>, vector<1x16xi32>,
      %get3A_162 = vector.shape_cast %get3A_161 : vector<1x16xi32> to vector<16xi32>
      %add3A_163 = arith.constant 600000 : i32
      %add3A_164 = vector.broadcast %add3A_163 : i32 to vector<16xi32>
      %add3A_165 = arith.addi %get3A_162, %add3A_164 : vector<16xi32>
      %mul3A_166 = arith.constant 16 : i32
      %mul3A_167 = arith.muli %scan3A_58, %mul3A_166 : i32
      %add3A_168 = arith.constant 768 : i32
      %add3A_169 = arith.addi %add3A_168, %mul3A_167 : i32
      %swap3A_170 = arith.index_cast %add3A_169 : i32 to index
      %swap3A_171 = tpu.vector_load %arg9[%swap3A_170] {strides = array<i32>} : memref<3328xi32, #tpu.memory_space<vmem>>, vector<16xi32>,
      %swap3A_172 = vector.shape_cast %swap3A_171 : vector<16xi32> to vector<16xi32>
      %swap3A_173 = vector.shape_cast %add3A_165 : vector<16xi32> to vector<16xi32>
      tpu.vector_store %arg9[%swap3A_170], %swap3A_173 {strides = array<i32>} : memref<3328xi32, #tpu.memory_space<vmem>>, vector<16xi32>,
      %get3A_174 = arith.constant 7 : i32
      %get3A_175 = arith.index_cast %get3A_174 : i32 to index
      %get3A_176 = arith.index_cast %add3A_62 : i32 to index
      %get3A_177 = tpu.vector_load %arg6[%get3A_175, %get3A_176] {strides = array<i32>} : memref<26x512xi32, #tpu.memory_space<vmem>>, vector<1x16xi32>,
      %get3A_178 = vector.shape_cast %get3A_177 : vector<1x16xi32> to vector<16xi32>
      %add3A_179 = arith.constant 700000 : i32
      %add3A_180 = vector.broadcast %add3A_179 : i32 to vector<16xi32>
      %add3A_181 = arith.addi %get3A_178, %add3A_180 : vector<16xi32>
      %mul3A_182 = arith.constant 16 : i32
      %mul3A_183 = arith.muli %scan3A_58, %mul3A_182 : i32
      %add3A_184 = arith.constant 896 : i32
      %add3A_185 = arith.addi %add3A_184, %mul3A_183 : i32
      %swap3A_186 = arith.index_cast %add3A_185 : i32 to index
      %swap3A_187 = tpu.vector_load %arg9[%swap3A_186] {strides = array<i32>} : memref<3328xi32, #tpu.memory_space<vmem>>, vector<16xi32>,
      %swap3A_188 = vector.shape_cast %swap3A_187 : vector<16xi32> to vector<16xi32>
      %swap3A_189 = vector.shape_cast %add3A_181 : vector<16xi32> to vector<16xi32>
      tpu.vector_store %arg9[%swap3A_186], %swap3A_189 {strides = array<i32>} : memref<3328xi32, #tpu.memory_space<vmem>>, vector<16xi32>,
      %get3A_190 = arith.constant 8 : i32
      %get3A_191 = arith.index_cast %get3A_190 : i32 to index
      %get3A_192 = arith.index_cast %add3A_62 : i32 to index
      %get3A_193 = tpu.vector_load %arg6[%get3A_191, %get3A_192] {strides = array<i32>} : memref<26x512xi32, #tpu.memory_space<vmem>>, vector<1x16xi32>,
      %get3A_194 = vector.shape_cast %get3A_193 : vector<1x16xi32> to vector<16xi32>
      %add3A_195 = arith.constant 800000 : i32
      %add3A_196 = vector.broadcast %add3A_195 : i32 to vector<16xi32>
      %add3A_197 = arith.addi %get3A_194, %add3A_196 : vector<16xi32>
      %mul3A_198 = arith.constant 16 : i32
      %mul3A_199 = arith.muli %scan3A_58, %mul3A_198 : i32
      %add3A_200 = arith.constant 1024 : i32
      %add3A_201 = arith.addi %add3A_200, %mul3A_199 : i32
      %swap3A_202 = arith.index_cast %add3A_201 : i32 to index
      %swap3A_203 = tpu.vector_load %arg9[%swap3A_202] {strides = array<i32>} : memref<3328xi32, #tpu.memory_space<vmem>>, vector<16xi32>,
      %swap3A_204 = vector.shape_cast %swap3A_203 : vector<16xi32> to vector<16xi32>
      %swap3A_205 = vector.shape_cast %add3A_197 : vector<16xi32> to vector<16xi32>
      tpu.vector_store %arg9[%swap3A_202], %swap3A_205 {strides = array<i32>} : memref<3328xi32, #tpu.memory_space<vmem>>, vector<16xi32>,
      %get3A_206 = arith.constant 9 : i32
      %get3A_207 = arith.index_cast %get3A_206 : i32 to index
      %get3A_208 = arith.index_cast %add3A_62 : i32 to index
      %get3A_209 = tpu.vector_load %arg6[%get3A_207, %get3A_208] {strides = array<i32>} : memref<26x512xi32, #tpu.memory_space<vmem>>, vector<1x16xi32>,
      %get3A_210 = vector.shape_cast %get3A_209 : vector<1x16xi32> to vector<16xi32>
      %add3A_211 = arith.constant 900000 : i32
      %add3A_212 = vector.broadcast %add3A_211 : i32 to vector<16xi32>
      %add3A_213 = arith.addi %get3A_210, %add3A_212 : vector<16xi32>
      %mul3A_214 = arith.constant 16 : i32
      %mul3A_215 = arith.muli %scan3A_58, %mul3A_214 : i32
      %add3A_216 = arith.constant 1152 : i32
      %add3A_217 = arith.addi %add3A_216, %mul3A_215 : i32
      %swap3A_218 = arith.index_cast %add3A_217 : i32 to index
      %swap3A_219 = tpu.vector_load %arg9[%swap3A_218] {strides = array<i32>} : memref<3328xi32, #tpu.memory_space<vmem>>, vector<16xi32>,
      %swap3A_220 = vector.shape_cast %swap3A_219 : vector<16xi32> to vector<16xi32>
      %swap3A_221 = vector.shape_cast %add3A_213 : vector<16xi32> to vector<16xi32>
      tpu.vector_store %arg9[%swap3A_218], %swap3A_221 {strides = array<i32>} : memref<3328xi32, #tpu.memory_space<vmem>>, vector<16xi32>,
      %get3A_222 = arith.constant 10 : i32
      %get3A_223 = arith.index_cast %get3A_222 : i32 to index
      %get3A_224 = arith.index_cast %add3A_62 : i32 to index
      %get3A_225 = tpu.vector_load %arg6[%get3A_223, %get3A_224] {strides = array<i32>} : memref<26x512xi32, #tpu.memory_space<vmem>>, vector<1x16xi32>,
      %get3A_226 = vector.shape_cast %get3A_225 : vector<1x16xi32> to vector<16xi32>
      %add3A_227 = arith.constant 1000000 : i32
      %add3A_228 = vector.broadcast %add3A_227 : i32 to vector<16xi32>
      %add3A_229 = arith.addi %get3A_226, %add3A_228 : vector<16xi32>
      %mul3A_230 = arith.constant 16 : i32
      %mul3A_231 = arith.muli %scan3A_58, %mul3A_230 : i32
      %add3A_232 = arith.constant 1280 : i32
      %add3A_233 = arith.addi %add3A_232, %mul3A_231 : i32
      %swap3A_234 = arith.index_cast %add3A_233 : i32 to index
      %swap3A_235 = tpu.vector_load %arg9[%swap3A_234] {strides = array<i32>} : memref<3328xi32, #tpu.memory_space<vmem>>, vector<16xi32>,
      %swap3A_236 = vector.shape_cast %swap3A_235 : vector<16xi32> to vector<16xi32>
      %swap3A_237 = vector.shape_cast %add3A_229 : vector<16xi32> to vector<16xi32>
      tpu.vector_store %arg9[%swap3A_234], %swap3A_237 {strides = array<i32>} : memref<3328xi32, #tpu.memory_space<vmem>>, vector<16xi32>,
      %get3A_238 = arith.constant 11 : i32
      %get3A_239 = arith.index_cast %get3A_238 : i32 to index
      %get3A_240 = arith.index_cast %add3A_62 : i32 to index
      %get3A_241 = tpu.vector_load %arg6[%get3A_239, %get3A_240] {strides = array<i32>} : memref<26x512xi32, #tpu.memory_space<vmem>>, vector<1x16xi32>,
      %get3A_242 = vector.shape_cast %get3A_241 : vector<1x16xi32> to vector<16xi32>
      %add3A_243 = arith.constant 1100000 : i32
      %add3A_244 = vector.broadcast %add3A_243 : i32 to vector<16xi32>
      %add3A_245 = arith.addi %get3A_242, %add3A_244 : vector<16xi32>
      %mul3A_246 = arith.constant 16 : i32
      %mul3A_247 = arith.muli %scan3A_58, %mul3A_246 : i32
      %add3A_248 = arith.constant 1408 : i32
      %add3A_249 = arith.addi %add3A_248, %mul3A_247 : i32
      %swap3A_250 = arith.index_cast %add3A_249 : i32 to index
      %swap3A_251 = tpu.vector_load %arg9[%swap3A_250] {strides = array<i32>} : memref<3328xi32, #tpu.memory_space<vmem>>, vector<16xi32>,
      %swap3A_252 = vector.shape_cast %swap3A_251 : vector<16xi32> to vector<16xi32>
      %swap3A_253 = vector.shape_cast %add3A_245 : vector<16xi32> to vector<16xi32>
      tpu.vector_store %arg9[%swap3A_250], %swap3A_253 {strides = array<i32>} : memref<3328xi32, #tpu.memory_space<vmem>>, vector<16xi32>,
      %get3A_254 = arith.constant 12 : i32
      %get3A_255 = arith.index_cast %get3A_254 : i32 to index
      %get3A_256 = arith.index_cast %add3A_62 : i32 to index
      %get3A_257 = tpu.vector_load %arg6[%get3A_255, %get3A_256] {strides = array<i32>} : memref<26x512xi32, #tpu.memory_space<vmem>>, vector<1x16xi32>,
      %get3A_258 = vector.shape_cast %get3A_257 : vector<1x16xi32> to vector<16xi32>
      %add3A_259 = arith.constant 1200000 : i32
      %add3A_260 = vector.broadcast %add3A_259 : i32 to vector<16xi32>
      %add3A_261 = arith.addi %get3A_258, %add3A_260 : vector<16xi32>
      %mul3A_262 = arith.constant 16 : i32
      %mul3A_263 = arith.muli %scan3A_58, %mul3A_262 : i32
      %add3A_264 = arith.constant 1536 : i32
      %add3A_265 = arith.addi %add3A_264, %mul3A_263 : i32
      %swap3A_266 = arith.index_cast %add3A_265 : i32 to index
      %swap3A_267 = tpu.vector_load %arg9[%swap3A_266] {strides = array<i32>} : memref<3328xi32, #tpu.memory_space<vmem>>, vector<16xi32>,
      %swap3A_268 = vector.shape_cast %swap3A_267 : vector<16xi32> to vector<16xi32>
      %swap3A_269 = vector.shape_cast %add3A_261 : vector<16xi32> to vector<16xi32>
      tpu.vector_store %arg9[%swap3A_266], %swap3A_269 {strides = array<i32>} : memref<3328xi32, #tpu.memory_space<vmem>>, vector<16xi32>,
      %get3A_270 = arith.constant 13 : i32
      %get3A_271 = arith.index_cast %get3A_270 : i32 to index
      %get3A_272 = arith.index_cast %add3A_62 : i32 to index
      %get3A_273 = tpu.vector_load %arg6[%get3A_271, %get3A_272] {strides = array<i32>} : memref<26x512xi32, #tpu.memory_space<vmem>>, vector<1x16xi32>,
      %get3A_274 = vector.shape_cast %get3A_273 : vector<1x16xi32> to vector<16xi32>
      %add3A_275 = arith.constant 1300000 : i32
      %add3A_276 = vector.broadcast %add3A_275 : i32 to vector<16xi32>
      %add3A_277 = arith.addi %get3A_274, %add3A_276 : vector<16xi32>
      %mul3A_278 = arith.constant 16 : i32
      %mul3A_279 = arith.muli %scan3A_58, %mul3A_278 : i32
      %add3A_280 = arith.constant 1664 : i32
      %add3A_281 = arith.addi %add3A_280, %mul3A_279 : i32
      %swap3A_282 = arith.index_cast %add3A_281 : i32 to index
      %swap3A_283 = tpu.vector_load %arg9[%swap3A_282] {strides = array<i32>} : memref<3328xi32, #tpu.memory_space<vmem>>, vector<16xi32>,
      %swap3A_284 = vector.shape_cast %swap3A_283 : vector<16xi32> to vector<16xi32>
      %swap3A_285 = vector.shape_cast %add3A_277 : vector<16xi32> to vector<16xi32>
      tpu.vector_store %arg9[%swap3A_282], %swap3A_285 {strides = array<i32>} : memref<3328xi32, #tpu.memory_space<vmem>>, vector<16xi32>,
      %get3A_286 = arith.constant 14 : i32
      %get3A_287 = arith.index_cast %get3A_286 : i32 to index
      %get3A_288 = arith.index_cast %add3A_62 : i32 to index
      %get3A_289 = tpu.vector_load %arg6[%get3A_287, %get3A_288] {strides = array<i32>} : memref<26x512xi32, #tpu.memory_space<vmem>>, vector<1x16xi32>,
      %get3A_290 = vector.shape_cast %get3A_289 : vector<1x16xi32> to vector<16xi32>
      %add3A_291 = arith.constant 1400000 : i32
      %add3A_292 = vector.broadcast %add3A_291 : i32 to vector<16xi32>
      %add3A_293 = arith.addi %get3A_290, %add3A_292 : vector<16xi32>
      %mul3A_294 = arith.constant 16 : i32
      %mul3A_295 = arith.muli %scan3A_58, %mul3A_294 : i32
      %add3A_296 = arith.constant 1792 : i32
      %add3A_297 = arith.addi %add3A_296, %mul3A_295 : i32
      %swap3A_298 = arith.index_cast %add3A_297 : i32 to index
      %swap3A_299 = tpu.vector_load %arg9[%swap3A_298] {strides = array<i32>} : memref<3328xi32, #tpu.memory_space<vmem>>, vector<16xi32>,
      %swap3A_300 = vector.shape_cast %swap3A_299 : vector<16xi32> to vector<16xi32>
      %swap3A_301 = vector.shape_cast %add3A_293 : vector<16xi32> to vector<16xi32>
      tpu.vector_store %arg9[%swap3A_298], %swap3A_301 {strides = array<i32>} : memref<3328xi32, #tpu.memory_space<vmem>>, vector<16xi32>,
      %get3A_302 = arith.constant 15 : i32
      %get3A_303 = arith.index_cast %get3A_302 : i32 to index
      %get3A_304 = arith.index_cast %add3A_62 : i32 to index
      %get3A_305 = tpu.vector_load %arg6[%get3A_303, %get3A_304] {strides = array<i32>} : memref<26x512xi32, #tpu.memory_space<vmem>>, vector<1x16xi32>,
      %get3A_306 = vector.shape_cast %get3A_305 : vector<1x16xi32> to vector<16xi32>
      %add3A_307 = arith.constant 1500000 : i32
      %add3A_308 = vector.broadcast %add3A_307 : i32 to vector<16xi32>
      %add3A_309 = arith.addi %get3A_306, %add3A_308 : vector<16xi32>
      %mul3A_310 = arith.constant 16 : i32
      %mul3A_311 = arith.muli %scan3A_58, %mul3A_310 : i32
      %add3A_312 = arith.constant 1920 : i32
      %add3A_313 = arith.addi %add3A_312, %mul3A_311 : i32
      %swap3A_314 = arith.index_cast %add3A_313 : i32 to index
      %swap3A_315 = tpu.vector_load %arg9[%swap3A_314] {strides = array<i32>} : memref<3328xi32, #tpu.memory_space<vmem>>, vector<16xi32>,
      %swap3A_316 = vector.shape_cast %swap3A_315 : vector<16xi32> to vector<16xi32>
      %swap3A_317 = vector.shape_cast %add3A_309 : vector<16xi32> to vector<16xi32>
      tpu.vector_store %arg9[%swap3A_314], %swap3A_317 {strides = array<i32>} : memref<3328xi32, #tpu.memory_space<vmem>>, vector<16xi32>,
      %get3A_318 = arith.constant 16 : i32
      %get3A_319 = arith.index_cast %get3A_318 : i32 to index
      %get3A_320 = arith.index_cast %add3A_62 : i32 to index
      %get3A_321 = tpu.vector_load %arg6[%get3A_319, %get3A_320] {strides = array<i32>} : memref<26x512xi32, #tpu.memory_space<vmem>>, vector<1x16xi32>,
      %get3A_322 = vector.shape_cast %get3A_321 : vector<1x16xi32> to vector<16xi32>
      %add3A_323 = arith.constant 1600000 : i32
      %add3A_324 = vector.broadcast %add3A_323 : i32 to vector<16xi32>
      %add3A_325 = arith.addi %get3A_322, %add3A_324 : vector<16xi32>
      %mul3A_326 = arith.constant 16 : i32
      %mul3A_327 = arith.muli %scan3A_58, %mul3A_326 : i32
      %add3A_328 = arith.constant 2048 : i32
      %add3A_329 = arith.addi %add3A_328, %mul3A_327 : i32
      %swap3A_330 = arith.index_cast %add3A_329 : i32 to index
      %swap3A_331 = tpu.vector_load %arg9[%swap3A_330] {strides = array<i32>} : memref<3328xi32, #tpu.memory_space<vmem>>, vector<16xi32>,
      %swap3A_332 = vector.shape_cast %swap3A_331 : vector<16xi32> to vector<16xi32>
      %swap3A_333 = vector.shape_cast %add3A_325 : vector<16xi32> to vector<16xi32>
      tpu.vector_store %arg9[%swap3A_330], %swap3A_333 {strides = array<i32>} : memref<3328xi32, #tpu.memory_space<vmem>>, vector<16xi32>,
      %get3A_334 = arith.constant 17 : i32
      %get3A_335 = arith.index_cast %get3A_334 : i32 to index
      %get3A_336 = arith.index_cast %add3A_62 : i32 to index
      %get3A_337 = tpu.vector_load %arg6[%get3A_335, %get3A_336] {strides = array<i32>} : memref<26x512xi32, #tpu.memory_space<vmem>>, vector<1x16xi32>,
      %get3A_338 = vector.shape_cast %get3A_337 : vector<1x16xi32> to vector<16xi32>
      %add3A_339 = arith.constant 1700000 : i32
      %add3A_340 = vector.broadcast %add3A_339 : i32 to vector<16xi32>
      %add3A_341 = arith.addi %get3A_338, %add3A_340 : vector<16xi32>
      %mul3A_342 = arith.constant 16 : i32
      %mul3A_343 = arith.muli %scan3A_58, %mul3A_342 : i32
      %add3A_344 = arith.constant 2176 : i32
      %add3A_345 = arith.addi %add3A_344, %mul3A_343 : i32
      %swap3A_346 = arith.index_cast %add3A_345 : i32 to index
      %swap3A_347 = tpu.vector_load %arg9[%swap3A_346] {strides = array<i32>} : memref<3328xi32, #tpu.memory_space<vmem>>, vector<16xi32>,
      %swap3A_348 = vector.shape_cast %swap3A_347 : vector<16xi32> to vector<16xi32>
      %swap3A_349 = vector.shape_cast %add3A_341 : vector<16xi32> to vector<16xi32>
      tpu.vector_store %arg9[%swap3A_346], %swap3A_349 {strides = array<i32>} : memref<3328xi32, #tpu.memory_space<vmem>>, vector<16xi32>,
      %get3A_350 = arith.constant 18 : i32
      %get3A_351 = arith.index_cast %get3A_350 : i32 to index
      %get3A_352 = arith.index_cast %add3A_62 : i32 to index
      %get3A_353 = tpu.vector_load %arg6[%get3A_351, %get3A_352] {strides = array<i32>} : memref<26x512xi32, #tpu.memory_space<vmem>>, vector<1x16xi32>,
      %get3A_354 = vector.shape_cast %get3A_353 : vector<1x16xi32> to vector<16xi32>
      %add3A_355 = arith.constant 1800000 : i32
      %add3A_356 = vector.broadcast %add3A_355 : i32 to vector<16xi32>
      %add3A_357 = arith.addi %get3A_354, %add3A_356 : vector<16xi32>
      %mul3A_358 = arith.constant 16 : i32
      %mul3A_359 = arith.muli %scan3A_58, %mul3A_358 : i32
      %add3A_360 = arith.constant 2304 : i32
      %add3A_361 = arith.addi %add3A_360, %mul3A_359 : i32
      %swap3A_362 = arith.index_cast %add3A_361 : i32 to index
      %swap3A_363 = tpu.vector_load %arg9[%swap3A_362] {strides = array<i32>} : memref<3328xi32, #tpu.memory_space<vmem>>, vector<16xi32>,
      %swap3A_364 = vector.shape_cast %swap3A_363 : vector<16xi32> to vector<16xi32>
      %swap3A_365 = vector.shape_cast %add3A_357 : vector<16xi32> to vector<16xi32>
      tpu.vector_store %arg9[%swap3A_362], %swap3A_365 {strides = array<i32>} : memref<3328xi32, #tpu.memory_space<vmem>>, vector<16xi32>,
      %get3A_366 = arith.constant 19 : i32
      %get3A_367 = arith.index_cast %get3A_366 : i32 to index
      %get3A_368 = arith.index_cast %add3A_62 : i32 to index
      %get3A_369 = tpu.vector_load %arg6[%get3A_367, %get3A_368] {strides = array<i32>} : memref<26x512xi32, #tpu.memory_space<vmem>>, vector<1x16xi32>,
      %get3A_370 = vector.shape_cast %get3A_369 : vector<1x16xi32> to vector<16xi32>
      %add3A_371 = arith.constant 1900000 : i32
      %add3A_372 = vector.broadcast %add3A_371 : i32 to vector<16xi32>
      %add3A_373 = arith.addi %get3A_370, %add3A_372 : vector<16xi32>
      %mul3A_374 = arith.constant 16 : i32
      %mul3A_375 = arith.muli %scan3A_58, %mul3A_374 : i32
      %add3A_376 = arith.constant 2432 : i32
      %add3A_377 = arith.addi %add3A_376, %mul3A_375 : i32
      %swap3A_378 = arith.index_cast %add3A_377 : i32 to index
      %swap3A_379 = tpu.vector_load %arg9[%swap3A_378] {strides = array<i32>} : memref<3328xi32, #tpu.memory_space<vmem>>, vector<16xi32>,
      %swap3A_380 = vector.shape_cast %swap3A_379 : vector<16xi32> to vector<16xi32>
      %swap3A_381 = vector.shape_cast %add3A_373 : vector<16xi32> to vector<16xi32>
      tpu.vector_store %arg9[%swap3A_378], %swap3A_381 {strides = array<i32>} : memref<3328xi32, #tpu.memory_space<vmem>>, vector<16xi32>,
      %get3A_382 = arith.constant 20 : i32
      %get3A_383 = arith.index_cast %get3A_382 : i32 to index
      %get3A_384 = arith.index_cast %add3A_62 : i32 to index
      %get3A_385 = tpu.vector_load %arg6[%get3A_383, %get3A_384] {strides = array<i32>} : memref<26x512xi32, #tpu.memory_space<vmem>>, vector<1x16xi32>,
      %get3A_386 = vector.shape_cast %get3A_385 : vector<1x16xi32> to vector<16xi32>
      %add3A_387 = arith.constant 2000000 : i32
      %add3A_388 = vector.broadcast %add3A_387 : i32 to vector<16xi32>
      %add3A_389 = arith.addi %get3A_386, %add3A_388 : vector<16xi32>
      %mul3A_390 = arith.constant 16 : i32
      %mul3A_391 = arith.muli %scan3A_58, %mul3A_390 : i32
      %add3A_392 = arith.constant 2560 : i32
      %add3A_393 = arith.addi %add3A_392, %mul3A_391 : i32
      %swap3A_394 = arith.index_cast %add3A_393 : i32 to index
      %swap3A_395 = tpu.vector_load %arg9[%swap3A_394] {strides = array<i32>} : memref<3328xi32, #tpu.memory_space<vmem>>, vector<16xi32>,
      %swap3A_396 = vector.shape_cast %swap3A_395 : vector<16xi32> to vector<16xi32>
      %swap3A_397 = vector.shape_cast %add3A_389 : vector<16xi32> to vector<16xi32>
      tpu.vector_store %arg9[%swap3A_394], %swap3A_397 {strides = array<i32>} : memref<3328xi32, #tpu.memory_space<vmem>>, vector<16xi32>,
      %get3A_398 = arith.constant 21 : i32
      %get3A_399 = arith.index_cast %get3A_398 : i32 to index
      %get3A_400 = arith.index_cast %add3A_62 : i32 to index
      %get3A_401 = tpu.vector_load %arg6[%get3A_399, %get3A_400] {strides = array<i32>} : memref<26x512xi32, #tpu.memory_space<vmem>>, vector<1x16xi32>,
      %get3A_402 = vector.shape_cast %get3A_401 : vector<1x16xi32> to vector<16xi32>
      %add3A_403 = arith.constant 2100000 : i32
      %add3A_404 = vector.broadcast %add3A_403 : i32 to vector<16xi32>
      %add3A_405 = arith.addi %get3A_402, %add3A_404 : vector<16xi32>
      %mul3A_406 = arith.constant 16 : i32
      %mul3A_407 = arith.muli %scan3A_58, %mul3A_406 : i32
      %add3A_408 = arith.constant 2688 : i32
      %add3A_409 = arith.addi %add3A_408, %mul3A_407 : i32
      %swap3A_410 = arith.index_cast %add3A_409 : i32 to index
      %swap3A_411 = tpu.vector_load %arg9[%swap3A_410] {strides = array<i32>} : memref<3328xi32, #tpu.memory_space<vmem>>, vector<16xi32>,
      %swap3A_412 = vector.shape_cast %swap3A_411 : vector<16xi32> to vector<16xi32>
      %swap3A_413 = vector.shape_cast %add3A_405 : vector<16xi32> to vector<16xi32>
      tpu.vector_store %arg9[%swap3A_410], %swap3A_413 {strides = array<i32>} : memref<3328xi32, #tpu.memory_space<vmem>>, vector<16xi32>,
      %get3A_414 = arith.constant 22 : i32
      %get3A_415 = arith.index_cast %get3A_414 : i32 to index
      %get3A_416 = arith.index_cast %add3A_62 : i32 to index
      %get3A_417 = tpu.vector_load %arg6[%get3A_415, %get3A_416] {strides = array<i32>} : memref<26x512xi32, #tpu.memory_space<vmem>>, vector<1x16xi32>,
      %get3A_418 = vector.shape_cast %get3A_417 : vector<1x16xi32> to vector<16xi32>
      %add3A_419 = arith.constant 2200000 : i32
      %add3A_420 = vector.broadcast %add3A_419 : i32 to vector<16xi32>
      %add3A_421 = arith.addi %get3A_418, %add3A_420 : vector<16xi32>
      %mul3A_422 = arith.constant 16 : i32
      %mul3A_423 = arith.muli %scan3A_58, %mul3A_422 : i32
      %add3A_424 = arith.constant 2816 : i32
      %add3A_425 = arith.addi %add3A_424, %mul3A_423 : i32
      %swap3A_426 = arith.index_cast %add3A_425 : i32 to index
      %swap3A_427 = tpu.vector_load %arg9[%swap3A_426] {strides = array<i32>} : memref<3328xi32, #tpu.memory_space<vmem>>, vector<16xi32>,
      %swap3A_428 = vector.shape_cast %swap3A_427 : vector<16xi32> to vector<16xi32>
      %swap3A_429 = vector.shape_cast %add3A_421 : vector<16xi32> to vector<16xi32>
      tpu.vector_store %arg9[%swap3A_426], %swap3A_429 {strides = array<i32>} : memref<3328xi32, #tpu.memory_space<vmem>>, vector<16xi32>,
      %get3A_430 = arith.constant 23 : i32
      %get3A_431 = arith.index_cast %get3A_430 : i32 to index
      %get3A_432 = arith.index_cast %add3A_62 : i32 to index
      %get3A_433 = tpu.vector_load %arg6[%get3A_431, %get3A_432] {strides = array<i32>} : memref<26x512xi32, #tpu.memory_space<vmem>>, vector<1x16xi32>,
      %get3A_434 = vector.shape_cast %get3A_433 : vector<1x16xi32> to vector<16xi32>
      %add3A_435 = arith.constant 2300000 : i32
      %add3A_436 = vector.broadcast %add3A_435 : i32 to vector<16xi32>
      %add3A_437 = arith.addi %get3A_434, %add3A_436 : vector<16xi32>
      %mul3A_438 = arith.constant 16 : i32
      %mul3A_439 = arith.muli %scan3A_58, %mul3A_438 : i32
      %add3A_440 = arith.constant 2944 : i32
      %add3A_441 = arith.addi %add3A_440, %mul3A_439 : i32
      %swap3A_442 = arith.index_cast %add3A_441 : i32 to index
      %swap3A_443 = tpu.vector_load %arg9[%swap3A_442] {strides = array<i32>} : memref<3328xi32, #tpu.memory_space<vmem>>, vector<16xi32>,
      %swap3A_444 = vector.shape_cast %swap3A_443 : vector<16xi32> to vector<16xi32>
      %swap3A_445 = vector.shape_cast %add3A_437 : vector<16xi32> to vector<16xi32>
      tpu.vector_store %arg9[%swap3A_442], %swap3A_445 {strides = array<i32>} : memref<3328xi32, #tpu.memory_space<vmem>>, vector<16xi32>,
      %get3A_446 = arith.constant 24 : i32
      %get3A_447 = arith.index_cast %get3A_446 : i32 to index
      %get3A_448 = arith.index_cast %add3A_62 : i32 to index
      %get3A_449 = tpu.vector_load %arg6[%get3A_447, %get3A_448] {strides = array<i32>} : memref<26x512xi32, #tpu.memory_space<vmem>>, vector<1x16xi32>,
      %get3A_450 = vector.shape_cast %get3A_449 : vector<1x16xi32> to vector<16xi32>
      %add3A_451 = arith.constant 2400000 : i32
      %add3A_452 = vector.broadcast %add3A_451 : i32 to vector<16xi32>
      %add3A_453 = arith.addi %get3A_450, %add3A_452 : vector<16xi32>
      %mul3A_454 = arith.constant 16 : i32
      %mul3A_455 = arith.muli %scan3A_58, %mul3A_454 : i32
      %add3A_456 = arith.constant 3072 : i32
      %add3A_457 = arith.addi %add3A_456, %mul3A_455 : i32
      %swap3A_458 = arith.index_cast %add3A_457 : i32 to index
      %swap3A_459 = tpu.vector_load %arg9[%swap3A_458] {strides = array<i32>} : memref<3328xi32, #tpu.memory_space<vmem>>, vector<16xi32>,
      %swap3A_460 = vector.shape_cast %swap3A_459 : vector<16xi32> to vector<16xi32>
      %swap3A_461 = vector.shape_cast %add3A_453 : vector<16xi32> to vector<16xi32>
      tpu.vector_store %arg9[%swap3A_458], %swap3A_461 {strides = array<i32>} : memref<3328xi32, #tpu.memory_space<vmem>>, vector<16xi32>,
      %get3A_462 = arith.constant 25 : i32
      %get3A_463 = arith.index_cast %get3A_462 : i32 to index
      %get3A_464 = arith.index_cast %add3A_62 : i32 to index
      %get3A_465 = tpu.vector_load %arg6[%get3A_463, %get3A_464] {strides = array<i32>} : memref<26x512xi32, #tpu.memory_space<vmem>>, vector<1x16xi32>,
      %get3A_466 = vector.shape_cast %get3A_465 : vector<1x16xi32> to vector<16xi32>
      %add3A_467 = arith.constant 2500000 : i32
      %add3A_468 = vector.broadcast %add3A_467 : i32 to vector<16xi32>
      %add3A_469 = arith.addi %get3A_466, %add3A_468 : vector<16xi32>
      %mul3A_470 = arith.constant 16 : i32
      %mul3A_471 = arith.muli %scan3A_58, %mul3A_470 : i32
      %add3A_472 = arith.constant 3200 : i32
      %add3A_473 = arith.addi %add3A_472, %mul3A_471 : i32
      %swap3A_474 = arith.index_cast %add3A_473 : i32 to index
      %swap3A_475 = tpu.vector_load %arg9[%swap3A_474] {strides = array<i32>} : memref<3328xi32, #tpu.memory_space<vmem>>, vector<16xi32>,
      %swap3A_476 = vector.shape_cast %swap3A_475 : vector<16xi32> to vector<16xi32>
      %swap3A_477 = vector.shape_cast %add3A_469 : vector<16xi32> to vector<16xi32>
      tpu.vector_store %arg9[%swap3A_474], %swap3A_477 {strides = array<i32>} : memref<3328xi32, #tpu.memory_space<vmem>>, vector<16xi32>,
    }
    %scan3A_6 = arith.constant 8 : i32
    %dma_start3A = arith.constant 0 : i32
    %dma_start3A_7 = tpu.memref_slice %arg3[%dma_start3A] : memref<2600960xf32, #tpu.memory_space<hbm>> -> memref<2600960xf32, #tpu.memory_space<hbm>>
    tpu.enqueue_indirect_dma source(%dma_start3A_7 : memref<2600960xf32, #tpu.memory_space<hbm>>) target(%arg13 : memref<3328xf32, #tpu.memory_space<vmem>>) offsets(%arg9 : memref<3328xi32, #tpu.memory_space<vmem>>) semaphore(%arg17 : memref<!tpu.dma_semaphore, #tpu.memory_space<semaphore_mem>>)
    %scan3A_8 = arith.constant 0 : i32
    %scan3A_9 = arith.constant 8 : i32
    %scan3A_10 = arith.addi %scan3A_8, %scan3A_9 : i32
    %scan3A_11 = arith.constant 1 : i32
    scf.for %scan3A_58 = %scan3A_8 to %scan3A_10 step %scan3A_11  : i32 {
      %mul3A_59 = arith.constant 16 : i32
      %mul3A_60 = arith.muli %scan3A_58, %mul3A_59 : i32
      %add3A_61 = arith.constant 128 : i32
      %add3A_62 = arith.addi %add3A_61, %mul3A_60 : i32
      %get3A_63 = arith.constant 0 : i32
      %get3A_64 = arith.index_cast %get3A_63 : i32 to index
      %get3A_65 = arith.index_cast %add3A_62 : i32 to index
      %get3A_66 = tpu.vector_load %arg6[%get3A_64, %get3A_65] {strides = array<i32>} : memref<26x512xi32, #tpu.memory_space<vmem>>, vector<1x16xi32>,
      %get3A_67 = vector.shape_cast %get3A_66 : vector<1x16xi32> to vector<16xi32>
      %add3A_68 = arith.constant 0 : i32
      %add3A_69 = vector.broadcast %add3A_68 : i32 to vector<16xi32>
      %add3A_70 = arith.addi %get3A_67, %add3A_69 : vector<16xi32>
      %mul3A_71 = arith.constant 16 : i32
      %mul3A_72 = arith.muli %scan3A_58, %mul3A_71 : i32
      %add3A_73 = arith.constant 0 : i32
      %add3A_74 = arith.addi %add3A_73, %mul3A_72 : i32
      %swap3A = arith.index_cast %add3A_74 : i32 to index
      %swap3A_75 = tpu.vector_load %arg10[%swap3A] {strides = array<i32>} : memref<3328xi32, #tpu.memory_space<vmem>>, vector<16xi32>,
      %swap3A_76 = vector.shape_cast %swap3A_75 : vector<16xi32> to vector<16xi32>
      %swap3A_77 = vector.shape_cast %add3A_70 : vector<16xi32> to vector<16xi32>
      tpu.vector_store %arg10[%swap3A], %swap3A_77 {strides = array<i32>} : memref<3328xi32, #tpu.memory_space<vmem>>, vector<16xi32>,
      %get3A_78 = arith.constant 1 : i32
      %get3A_79 = arith.index_cast %get3A_78 : i32 to index
      %get3A_80 = arith.index_cast %add3A_62 : i32 to index
      %get3A_81 = tpu.vector_load %arg6[%get3A_79, %get3A_80] {strides = array<i32>} : memref<26x512xi32, #tpu.memory_space<vmem>>, vector<1x16xi32>,
      %get3A_82 = vector.shape_cast %get3A_81 : vector<1x16xi32> to vector<16xi32>
      %add3A_83 = arith.constant 100000 : i32
      %add3A_84 = vector.broadcast %add3A_83 : i32 to vector<16xi32>
      %add3A_85 = arith.addi %get3A_82, %add3A_84 : vector<16xi32>
      %mul3A_86 = arith.constant 16 : i32
      %mul3A_87 = arith.muli %scan3A_58, %mul3A_86 : i32
      %add3A_88 = arith.constant 128 : i32
      %add3A_89 = arith.addi %add3A_88, %mul3A_87 : i32
      %swap3A_90 = arith.index_cast %add3A_89 : i32 to index
      %swap3A_91 = tpu.vector_load %arg10[%swap3A_90] {strides = array<i32>} : memref<3328xi32, #tpu.memory_space<vmem>>, vector<16xi32>,
      %swap3A_92 = vector.shape_cast %swap3A_91 : vector<16xi32> to vector<16xi32>
      %swap3A_93 = vector.shape_cast %add3A_85 : vector<16xi32> to vector<16xi32>
      tpu.vector_store %arg10[%swap3A_90], %swap3A_93 {strides = array<i32>} : memref<3328xi32, #tpu.memory_space<vmem>>, vector<16xi32>,
      %get3A_94 = arith.constant 2 : i32
      %get3A_95 = arith.index_cast %get3A_94 : i32 to index
      %get3A_96 = arith.index_cast %add3A_62 : i32 to index
      %get3A_97 = tpu.vector_load %arg6[%get3A_95, %get3A_96] {strides = array<i32>} : memref<26x512xi32, #tpu.memory_space<vmem>>, vector<1x16xi32>,
      %get3A_98 = vector.shape_cast %get3A_97 : vector<1x16xi32> to vector<16xi32>
      %add3A_99 = arith.constant 200000 : i32
      %add3A_100 = vector.broadcast %add3A_99 : i32 to vector<16xi32>
      %add3A_101 = arith.addi %get3A_98, %add3A_100 : vector<16xi32>
      %mul3A_102 = arith.constant 16 : i32
      %mul3A_103 = arith.muli %scan3A_58, %mul3A_102 : i32
      %add3A_104 = arith.constant 256 : i32
      %add3A_105 = arith.addi %add3A_104, %mul3A_103 : i32
      %swap3A_106 = arith.index_cast %add3A_105 : i32 to index
      %swap3A_107 = tpu.vector_load %arg10[%swap3A_106] {strides = array<i32>} : memref<3328xi32, #tpu.memory_space<vmem>>, vector<16xi32>,
      %swap3A_108 = vector.shape_cast %swap3A_107 : vector<16xi32> to vector<16xi32>
      %swap3A_109 = vector.shape_cast %add3A_101 : vector<16xi32> to vector<16xi32>
      tpu.vector_store %arg10[%swap3A_106], %swap3A_109 {strides = array<i32>} : memref<3328xi32, #tpu.memory_space<vmem>>, vector<16xi32>,
      %get3A_110 = arith.constant 3 : i32
      %get3A_111 = arith.index_cast %get3A_110 : i32 to index
      %get3A_112 = arith.index_cast %add3A_62 : i32 to index
      %get3A_113 = tpu.vector_load %arg6[%get3A_111, %get3A_112] {strides = array<i32>} : memref<26x512xi32, #tpu.memory_space<vmem>>, vector<1x16xi32>,
      %get3A_114 = vector.shape_cast %get3A_113 : vector<1x16xi32> to vector<16xi32>
      %add3A_115 = arith.constant 300000 : i32
      %add3A_116 = vector.broadcast %add3A_115 : i32 to vector<16xi32>
      %add3A_117 = arith.addi %get3A_114, %add3A_116 : vector<16xi32>
      %mul3A_118 = arith.constant 16 : i32
      %mul3A_119 = arith.muli %scan3A_58, %mul3A_118 : i32
      %add3A_120 = arith.constant 384 : i32
      %add3A_121 = arith.addi %add3A_120, %mul3A_119 : i32
      %swap3A_122 = arith.index_cast %add3A_121 : i32 to index
      %swap3A_123 = tpu.vector_load %arg10[%swap3A_122] {strides = array<i32>} : memref<3328xi32, #tpu.memory_space<vmem>>, vector<16xi32>,
      %swap3A_124 = vector.shape_cast %swap3A_123 : vector<16xi32> to vector<16xi32>
      %swap3A_125 = vector.shape_cast %add3A_117 : vector<16xi32> to vector<16xi32>
      tpu.vector_store %arg10[%swap3A_122], %swap3A_125 {strides = array<i32>} : memref<3328xi32, #tpu.memory_space<vmem>>, vector<16xi32>,
      %get3A_126 = arith.constant 4 : i32
      %get3A_127 = arith.index_cast %get3A_126 : i32 to index
      %get3A_128 = arith.index_cast %add3A_62 : i32 to index
      %get3A_129 = tpu.vector_load %arg6[%get3A_127, %get3A_128] {strides = array<i32>} : memref<26x512xi32, #tpu.memory_space<vmem>>, vector<1x16xi32>,
      %get3A_130 = vector.shape_cast %get3A_129 : vector<1x16xi32> to vector<16xi32>
      %add3A_131 = arith.constant 400000 : i32
      %add3A_132 = vector.broadcast %add3A_131 : i32 to vector<16xi32>
      %add3A_133 = arith.addi %get3A_130, %add3A_132 : vector<16xi32>
      %mul3A_134 = arith.constant 16 : i32
      %mul3A_135 = arith.muli %scan3A_58, %mul3A_134 : i32
      %add3A_136 = arith.constant 512 : i32
      %add3A_137 = arith.addi %add3A_136, %mul3A_135 : i32
      %swap3A_138 = arith.index_cast %add3A_137 : i32 to index
      %swap3A_139 = tpu.vector_load %arg10[%swap3A_138] {strides = array<i32>} : memref<3328xi32, #tpu.memory_space<vmem>>, vector<16xi32>,
      %swap3A_140 = vector.shape_cast %swap3A_139 : vector<16xi32> to vector<16xi32>
      %swap3A_141 = vector.shape_cast %add3A_133 : vector<16xi32> to vector<16xi32>
      tpu.vector_store %arg10[%swap3A_138], %swap3A_141 {strides = array<i32>} : memref<3328xi32, #tpu.memory_space<vmem>>, vector<16xi32>,
      %get3A_142 = arith.constant 5 : i32
      %get3A_143 = arith.index_cast %get3A_142 : i32 to index
      %get3A_144 = arith.index_cast %add3A_62 : i32 to index
      %get3A_145 = tpu.vector_load %arg6[%get3A_143, %get3A_144] {strides = array<i32>} : memref<26x512xi32, #tpu.memory_space<vmem>>, vector<1x16xi32>,
      %get3A_146 = vector.shape_cast %get3A_145 : vector<1x16xi32> to vector<16xi32>
      %add3A_147 = arith.constant 500000 : i32
      %add3A_148 = vector.broadcast %add3A_147 : i32 to vector<16xi32>
      %add3A_149 = arith.addi %get3A_146, %add3A_148 : vector<16xi32>
      %mul3A_150 = arith.constant 16 : i32
      %mul3A_151 = arith.muli %scan3A_58, %mul3A_150 : i32
      %add3A_152 = arith.constant 640 : i32
      %add3A_153 = arith.addi %add3A_152, %mul3A_151 : i32
      %swap3A_154 = arith.index_cast %add3A_153 : i32 to index
      %swap3A_155 = tpu.vector_load %arg10[%swap3A_154] {strides = array<i32>} : memref<3328xi32, #tpu.memory_space<vmem>>, vector<16xi32>,
      %swap3A_156 = vector.shape_cast %swap3A_155 : vector<16xi32> to vector<16xi32>
      %swap3A_157 = vector.shape_cast %add3A_149 : vector<16xi32> to vector<16xi32>
      tpu.vector_store %arg10[%swap3A_154], %swap3A_157 {strides = array<i32>} : memref<3328xi32, #tpu.memory_space<vmem>>, vector<16xi32>,
      %get3A_158 = arith.constant 6 : i32
      %get3A_159 = arith.index_cast %get3A_158 : i32 to index
      %get3A_160 = arith.index_cast %add3A_62 : i32 to index
      %get3A_161 = tpu.vector_load %arg6[%get3A_159, %get3A_160] {strides = array<i32>} : memref<26x512xi32, #tpu.memory_space<vmem>>, vector<1x16xi32>,
      %get3A_162 = vector.shape_cast %get3A_161 : vector<1x16xi32> to vector<16xi32>
      %add3A_163 = arith.constant 600000 : i32
      %add3A_164 = vector.broadcast %add3A_163 : i32 to vector<16xi32>
      %add3A_165 = arith.addi %get3A_162, %add3A_164 : vector<16xi32>
      %mul3A_166 = arith.constant 16 : i32
      %mul3A_167 = arith.muli %scan3A_58, %mul3A_166 : i32
      %add3A_168 = arith.constant 768 : i32
      %add3A_169 = arith.addi %add3A_168, %mul3A_167 : i32
      %swap3A_170 = arith.index_cast %add3A_169 : i32 to index
      %swap3A_171 = tpu.vector_load %arg10[%swap3A_170] {strides = array<i32>} : memref<3328xi32, #tpu.memory_space<vmem>>, vector<16xi32>,
      %swap3A_172 = vector.shape_cast %swap3A_171 : vector<16xi32> to vector<16xi32>
      %swap3A_173 = vector.shape_cast %add3A_165 : vector<16xi32> to vector<16xi32>
      tpu.vector_store %arg10[%swap3A_170], %swap3A_173 {strides = array<i32>} : memref<3328xi32, #tpu.memory_space<vmem>>, vector<16xi32>,
      %get3A_174 = arith.constant 7 : i32
      %get3A_175 = arith.index_cast %get3A_174 : i32 to index
      %get3A_176 = arith.index_cast %add3A_62 : i32 to index
      %get3A_177 = tpu.vector_load %arg6[%get3A_175, %get3A_176] {strides = array<i32>} : memref<26x512xi32, #tpu.memory_space<vmem>>, vector<1x16xi32>,
      %get3A_178 = vector.shape_cast %get3A_177 : vector<1x16xi32> to vector<16xi32>
      %add3A_179 = arith.constant 700000 : i32
      %add3A_180 = vector.broadcast %add3A_179 : i32 to vector<16xi32>
      %add3A_181 = arith.addi %get3A_178, %add3A_180 : vector<16xi32>
      %mul3A_182 = arith.constant 16 : i32
      %mul3A_183 = arith.muli %scan3A_58, %mul3A_182 : i32
      %add3A_184 = arith.constant 896 : i32
      %add3A_185 = arith.addi %add3A_184, %mul3A_183 : i32
      %swap3A_186 = arith.index_cast %add3A_185 : i32 to index
      %swap3A_187 = tpu.vector_load %arg10[%swap3A_186] {strides = array<i32>} : memref<3328xi32, #tpu.memory_space<vmem>>, vector<16xi32>,
      %swap3A_188 = vector.shape_cast %swap3A_187 : vector<16xi32> to vector<16xi32>
      %swap3A_189 = vector.shape_cast %add3A_181 : vector<16xi32> to vector<16xi32>
      tpu.vector_store %arg10[%swap3A_186], %swap3A_189 {strides = array<i32>} : memref<3328xi32, #tpu.memory_space<vmem>>, vector<16xi32>,
      %get3A_190 = arith.constant 8 : i32
      %get3A_191 = arith.index_cast %get3A_190 : i32 to index
      %get3A_192 = arith.index_cast %add3A_62 : i32 to index
      %get3A_193 = tpu.vector_load %arg6[%get3A_191, %get3A_192] {strides = array<i32>} : memref<26x512xi32, #tpu.memory_space<vmem>>, vector<1x16xi32>,
      %get3A_194 = vector.shape_cast %get3A_193 : vector<1x16xi32> to vector<16xi32>
      %add3A_195 = arith.constant 800000 : i32
      %add3A_196 = vector.broadcast %add3A_195 : i32 to vector<16xi32>
      %add3A_197 = arith.addi %get3A_194, %add3A_196 : vector<16xi32>
      %mul3A_198 = arith.constant 16 : i32
      %mul3A_199 = arith.muli %scan3A_58, %mul3A_198 : i32
      %add3A_200 = arith.constant 1024 : i32
      %add3A_201 = arith.addi %add3A_200, %mul3A_199 : i32
      %swap3A_202 = arith.index_cast %add3A_201 : i32 to index
      %swap3A_203 = tpu.vector_load %arg10[%swap3A_202] {strides = array<i32>} : memref<3328xi32, #tpu.memory_space<vmem>>, vector<16xi32>,
      %swap3A_204 = vector.shape_cast %swap3A_203 : vector<16xi32> to vector<16xi32>
      %swap3A_205 = vector.shape_cast %add3A_197 : vector<16xi32> to vector<16xi32>
      tpu.vector_store %arg10[%swap3A_202], %swap3A_205 {strides = array<i32>} : memref<3328xi32, #tpu.memory_space<vmem>>, vector<16xi32>,
      %get3A_206 = arith.constant 9 : i32
      %get3A_207 = arith.index_cast %get3A_206 : i32 to index
      %get3A_208 = arith.index_cast %add3A_62 : i32 to index
      %get3A_209 = tpu.vector_load %arg6[%get3A_207, %get3A_208] {strides = array<i32>} : memref<26x512xi32, #tpu.memory_space<vmem>>, vector<1x16xi32>,
      %get3A_210 = vector.shape_cast %get3A_209 : vector<1x16xi32> to vector<16xi32>
      %add3A_211 = arith.constant 900000 : i32
      %add3A_212 = vector.broadcast %add3A_211 : i32 to vector<16xi32>
      %add3A_213 = arith.addi %get3A_210, %add3A_212 : vector<16xi32>
      %mul3A_214 = arith.constant 16 : i32
      %mul3A_215 = arith.muli %scan3A_58, %mul3A_214 : i32
      %add3A_216 = arith.constant 1152 : i32
      %add3A_217 = arith.addi %add3A_216, %mul3A_215 : i32
      %swap3A_218 = arith.index_cast %add3A_217 : i32 to index
      %swap3A_219 = tpu.vector_load %arg10[%swap3A_218] {strides = array<i32>} : memref<3328xi32, #tpu.memory_space<vmem>>, vector<16xi32>,
      %swap3A_220 = vector.shape_cast %swap3A_219 : vector<16xi32> to vector<16xi32>
      %swap3A_221 = vector.shape_cast %add3A_213 : vector<16xi32> to vector<16xi32>
      tpu.vector_store %arg10[%swap3A_218], %swap3A_221 {strides = array<i32>} : memref<3328xi32, #tpu.memory_space<vmem>>, vector<16xi32>,
      %get3A_222 = arith.constant 10 : i32
      %get3A_223 = arith.index_cast %get3A_222 : i32 to index
      %get3A_224 = arith.index_cast %add3A_62 : i32 to index
      %get3A_225 = tpu.vector_load %arg6[%get3A_223, %get3A_224] {strides = array<i32>} : memref<26x512xi32, #tpu.memory_space<vmem>>, vector<1x16xi32>,
      %get3A_226 = vector.shape_cast %get3A_225 : vector<1x16xi32> to vector<16xi32>
      %add3A_227 = arith.constant 1000000 : i32
      %add3A_228 = vector.broadcast %add3A_227 : i32 to vector<16xi32>
      %add3A_229 = arith.addi %get3A_226, %add3A_228 : vector<16xi32>
      %mul3A_230 = arith.constant 16 : i32
      %mul3A_231 = arith.muli %scan3A_58, %mul3A_230 : i32
      %add3A_232 = arith.constant 1280 : i32
      %add3A_233 = arith.addi %add3A_232, %mul3A_231 : i32
      %swap3A_234 = arith.index_cast %add3A_233 : i32 to index
      %swap3A_235 = tpu.vector_load %arg10[%swap3A_234] {strides = array<i32>} : memref<3328xi32, #tpu.memory_space<vmem>>, vector<16xi32>,
      %swap3A_236 = vector.shape_cast %swap3A_235 : vector<16xi32> to vector<16xi32>
      %swap3A_237 = vector.shape_cast %add3A_229 : vector<16xi32> to vector<16xi32>
      tpu.vector_store %arg10[%swap3A_234], %swap3A_237 {strides = array<i32>} : memref<3328xi32, #tpu.memory_space<vmem>>, vector<16xi32>,
      %get3A_238 = arith.constant 11 : i32
      %get3A_239 = arith.index_cast %get3A_238 : i32 to index
      %get3A_240 = arith.index_cast %add3A_62 : i32 to index
      %get3A_241 = tpu.vector_load %arg6[%get3A_239, %get3A_240] {strides = array<i32>} : memref<26x512xi32, #tpu.memory_space<vmem>>, vector<1x16xi32>,
      %get3A_242 = vector.shape_cast %get3A_241 : vector<1x16xi32> to vector<16xi32>
      %add3A_243 = arith.constant 1100000 : i32
      %add3A_244 = vector.broadcast %add3A_243 : i32 to vector<16xi32>
      %add3A_245 = arith.addi %get3A_242, %add3A_244 : vector<16xi32>
      %mul3A_246 = arith.constant 16 : i32
      %mul3A_247 = arith.muli %scan3A_58, %mul3A_246 : i32
      %add3A_248 = arith.constant 1408 : i32
      %add3A_249 = arith.addi %add3A_248, %mul3A_247 : i32
      %swap3A_250 = arith.index_cast %add3A_249 : i32 to index
      %swap3A_251 = tpu.vector_load %arg10[%swap3A_250] {strides = array<i32>} : memref<3328xi32, #tpu.memory_space<vmem>>, vector<16xi32>,
      %swap3A_252 = vector.shape_cast %swap3A_251 : vector<16xi32> to vector<16xi32>
      %swap3A_253 = vector.shape_cast %add3A_245 : vector<16xi32> to vector<16xi32>
      tpu.vector_store %arg10[%swap3A_250], %swap3A_253 {strides = array<i32>} : memref<3328xi32, #tpu.memory_space<vmem>>, vector<16xi32>,
      %get3A_254 = arith.constant 12 : i32
      %get3A_255 = arith.index_cast %get3A_254 : i32 to index
      %get3A_256 = arith.index_cast %add3A_62 : i32 to index
      %get3A_257 = tpu.vector_load %arg6[%get3A_255, %get3A_256] {strides = array<i32>} : memref<26x512xi32, #tpu.memory_space<vmem>>, vector<1x16xi32>,
      %get3A_258 = vector.shape_cast %get3A_257 : vector<1x16xi32> to vector<16xi32>
      %add3A_259 = arith.constant 1200000 : i32
      %add3A_260 = vector.broadcast %add3A_259 : i32 to vector<16xi32>
      %add3A_261 = arith.addi %get3A_258, %add3A_260 : vector<16xi32>
      %mul3A_262 = arith.constant 16 : i32
      %mul3A_263 = arith.muli %scan3A_58, %mul3A_262 : i32
      %add3A_264 = arith.constant 1536 : i32
      %add3A_265 = arith.addi %add3A_264, %mul3A_263 : i32
      %swap3A_266 = arith.index_cast %add3A_265 : i32 to index
      %swap3A_267 = tpu.vector_load %arg10[%swap3A_266] {strides = array<i32>} : memref<3328xi32, #tpu.memory_space<vmem>>, vector<16xi32>,
      %swap3A_268 = vector.shape_cast %swap3A_267 : vector<16xi32> to vector<16xi32>
      %swap3A_269 = vector.shape_cast %add3A_261 : vector<16xi32> to vector<16xi32>
      tpu.vector_store %arg10[%swap3A_266], %swap3A_269 {strides = array<i32>} : memref<3328xi32, #tpu.memory_space<vmem>>, vector<16xi32>,
      %get3A_270 = arith.constant 13 : i32
      %get3A_271 = arith.index_cast %get3A_270 : i32 to index
      %get3A_272 = arith.index_cast %add3A_62 : i32 to index
      %get3A_273 = tpu.vector_load %arg6[%get3A_271, %get3A_272] {strides = array<i32>} : memref<26x512xi32, #tpu.memory_space<vmem>>, vector<1x16xi32>,
      %get3A_274 = vector.shape_cast %get3A_273 : vector<1x16xi32> to vector<16xi32>
      %add3A_275 = arith.constant 1300000 : i32
      %add3A_276 = vector.broadcast %add3A_275 : i32 to vector<16xi32>
      %add3A_277 = arith.addi %get3A_274, %add3A_276 : vector<16xi32>
      %mul3A_278 = arith.constant 16 : i32
      %mul3A_279 = arith.muli %scan3A_58, %mul3A_278 : i32
      %add3A_280 = arith.constant 1664 : i32
      %add3A_281 = arith.addi %add3A_280, %mul3A_279 : i32
      %swap3A_282 = arith.index_cast %add3A_281 : i32 to index
      %swap3A_283 = tpu.vector_load %arg10[%swap3A_282] {strides = array<i32>} : memref<3328xi32, #tpu.memory_space<vmem>>, vector<16xi32>,
      %swap3A_284 = vector.shape_cast %swap3A_283 : vector<16xi32> to vector<16xi32>
      %swap3A_285 = vector.shape_cast %add3A_277 : vector<16xi32> to vector<16xi32>
      tpu.vector_store %arg10[%swap3A_282], %swap3A_285 {strides = array<i32>} : memref<3328xi32, #tpu.memory_space<vmem>>, vector<16xi32>,
      %get3A_286 = arith.constant 14 : i32
      %get3A_287 = arith.index_cast %get3A_286 : i32 to index
      %get3A_288 = arith.index_cast %add3A_62 : i32 to index
      %get3A_289 = tpu.vector_load %arg6[%get3A_287, %get3A_288] {strides = array<i32>} : memref<26x512xi32, #tpu.memory_space<vmem>>, vector<1x16xi32>,
      %get3A_290 = vector.shape_cast %get3A_289 : vector<1x16xi32> to vector<16xi32>
      %add3A_291 = arith.constant 1400000 : i32
      %add3A_292 = vector.broadcast %add3A_291 : i32 to vector<16xi32>
      %add3A_293 = arith.addi %get3A_290, %add3A_292 : vector<16xi32>
      %mul3A_294 = arith.constant 16 : i32
      %mul3A_295 = arith.muli %scan3A_58, %mul3A_294 : i32
      %add3A_296 = arith.constant 1792 : i32
      %add3A_297 = arith.addi %add3A_296, %mul3A_295 : i32
      %swap3A_298 = arith.index_cast %add3A_297 : i32 to index
      %swap3A_299 = tpu.vector_load %arg10[%swap3A_298] {strides = array<i32>} : memref<3328xi32, #tpu.memory_space<vmem>>, vector<16xi32>,
      %swap3A_300 = vector.shape_cast %swap3A_299 : vector<16xi32> to vector<16xi32>
      %swap3A_301 = vector.shape_cast %add3A_293 : vector<16xi32> to vector<16xi32>
      tpu.vector_store %arg10[%swap3A_298], %swap3A_301 {strides = array<i32>} : memref<3328xi32, #tpu.memory_space<vmem>>, vector<16xi32>,
      %get3A_302 = arith.constant 15 : i32
      %get3A_303 = arith.index_cast %get3A_302 : i32 to index
      %get3A_304 = arith.index_cast %add3A_62 : i32 to index
      %get3A_305 = tpu.vector_load %arg6[%get3A_303, %get3A_304] {strides = array<i32>} : memref<26x512xi32, #tpu.memory_space<vmem>>, vector<1x16xi32>,
      %get3A_306 = vector.shape_cast %get3A_305 : vector<1x16xi32> to vector<16xi32>
      %add3A_307 = arith.constant 1500000 : i32
      %add3A_308 = vector.broadcast %add3A_307 : i32 to vector<16xi32>
      %add3A_309 = arith.addi %get3A_306, %add3A_308 : vector<16xi32>
      %mul3A_310 = arith.constant 16 : i32
      %mul3A_311 = arith.muli %scan3A_58, %mul3A_310 : i32
      %add3A_312 = arith.constant 1920 : i32
      %add3A_313 = arith.addi %add3A_312, %mul3A_311 : i32
      %swap3A_314 = arith.index_cast %add3A_313 : i32 to index
      %swap3A_315 = tpu.vector_load %arg10[%swap3A_314] {strides = array<i32>} : memref<3328xi32, #tpu.memory_space<vmem>>, vector<16xi32>,
      %swap3A_316 = vector.shape_cast %swap3A_315 : vector<16xi32> to vector<16xi32>
      %swap3A_317 = vector.shape_cast %add3A_309 : vector<16xi32> to vector<16xi32>
      tpu.vector_store %arg10[%swap3A_314], %swap3A_317 {strides = array<i32>} : memref<3328xi32, #tpu.memory_space<vmem>>, vector<16xi32>,
      %get3A_318 = arith.constant 16 : i32
      %get3A_319 = arith.index_cast %get3A_318 : i32 to index
      %get3A_320 = arith.index_cast %add3A_62 : i32 to index
      %get3A_321 = tpu.vector_load %arg6[%get3A_319, %get3A_320] {strides = array<i32>} : memref<26x512xi32, #tpu.memory_space<vmem>>, vector<1x16xi32>,
      %get3A_322 = vector.shape_cast %get3A_321 : vector<1x16xi32> to vector<16xi32>
      %add3A_323 = arith.constant 1600000 : i32
      %add3A_324 = vector.broadcast %add3A_323 : i32 to vector<16xi32>
      %add3A_325 = arith.addi %get3A_322, %add3A_324 : vector<16xi32>
      %mul3A_326 = arith.constant 16 : i32
      %mul3A_327 = arith.muli %scan3A_58, %mul3A_326 : i32
      %add3A_328 = arith.constant 2048 : i32
      %add3A_329 = arith.addi %add3A_328, %mul3A_327 : i32
      %swap3A_330 = arith.index_cast %add3A_329 : i32 to index
      %swap3A_331 = tpu.vector_load %arg10[%swap3A_330] {strides = array<i32>} : memref<3328xi32, #tpu.memory_space<vmem>>, vector<16xi32>,
      %swap3A_332 = vector.shape_cast %swap3A_331 : vector<16xi32> to vector<16xi32>
      %swap3A_333 = vector.shape_cast %add3A_325 : vector<16xi32> to vector<16xi32>
      tpu.vector_store %arg10[%swap3A_330], %swap3A_333 {strides = array<i32>} : memref<3328xi32, #tpu.memory_space<vmem>>, vector<16xi32>,
      %get3A_334 = arith.constant 17 : i32
      %get3A_335 = arith.index_cast %get3A_334 : i32 to index
      %get3A_336 = arith.index_cast %add3A_62 : i32 to index
      %get3A_337 = tpu.vector_load %arg6[%get3A_335, %get3A_336] {strides = array<i32>} : memref<26x512xi32, #tpu.memory_space<vmem>>, vector<1x16xi32>,
      %get3A_338 = vector.shape_cast %get3A_337 : vector<1x16xi32> to vector<16xi32>
      %add3A_339 = arith.constant 1700000 : i32
      %add3A_340 = vector.broadcast %add3A_339 : i32 to vector<16xi32>
      %add3A_341 = arith.addi %get3A_338, %add3A_340 : vector<16xi32>
      %mul3A_342 = arith.constant 16 : i32
      %mul3A_343 = arith.muli %scan3A_58, %mul3A_342 : i32
      %add3A_344 = arith.constant 2176 : i32
      %add3A_345 = arith.addi %add3A_344, %mul3A_343 : i32
      %swap3A_346 = arith.index_cast %add3A_345 : i32 to index
      %swap3A_347 = tpu.vector_load %arg10[%swap3A_346] {strides = array<i32>} : memref<3328xi32, #tpu.memory_space<vmem>>, vector<16xi32>,
      %swap3A_348 = vector.shape_cast %swap3A_347 : vector<16xi32> to vector<16xi32>
      %swap3A_349 = vector.shape_cast %add3A_341 : vector<16xi32> to vector<16xi32>
      tpu.vector_store %arg10[%swap3A_346], %swap3A_349 {strides = array<i32>} : memref<3328xi32, #tpu.memory_space<vmem>>, vector<16xi32>,
      %get3A_350 = arith.constant 18 : i32
      %get3A_351 = arith.index_cast %get3A_350 : i32 to index
      %get3A_352 = arith.index_cast %add3A_62 : i32 to index
      %get3A_353 = tpu.vector_load %arg6[%get3A_351, %get3A_352] {strides = array<i32>} : memref<26x512xi32, #tpu.memory_space<vmem>>, vector<1x16xi32>,
      %get3A_354 = vector.shape_cast %get3A_353 : vector<1x16xi32> to vector<16xi32>
      %add3A_355 = arith.constant 1800000 : i32
      %add3A_356 = vector.broadcast %add3A_355 : i32 to vector<16xi32>
      %add3A_357 = arith.addi %get3A_354, %add3A_356 : vector<16xi32>
      %mul3A_358 = arith.constant 16 : i32
      %mul3A_359 = arith.muli %scan3A_58, %mul3A_358 : i32
      %add3A_360 = arith.constant 2304 : i32
      %add3A_361 = arith.addi %add3A_360, %mul3A_359 : i32
      %swap3A_362 = arith.index_cast %add3A_361 : i32 to index
      %swap3A_363 = tpu.vector_load %arg10[%swap3A_362] {strides = array<i32>} : memref<3328xi32, #tpu.memory_space<vmem>>, vector<16xi32>,
      %swap3A_364 = vector.shape_cast %swap3A_363 : vector<16xi32> to vector<16xi32>
      %swap3A_365 = vector.shape_cast %add3A_357 : vector<16xi32> to vector<16xi32>
      tpu.vector_store %arg10[%swap3A_362], %swap3A_365 {strides = array<i32>} : memref<3328xi32, #tpu.memory_space<vmem>>, vector<16xi32>,
      %get3A_366 = arith.constant 19 : i32
      %get3A_367 = arith.index_cast %get3A_366 : i32 to index
      %get3A_368 = arith.index_cast %add3A_62 : i32 to index
      %get3A_369 = tpu.vector_load %arg6[%get3A_367, %get3A_368] {strides = array<i32>} : memref<26x512xi32, #tpu.memory_space<vmem>>, vector<1x16xi32>,
      %get3A_370 = vector.shape_cast %get3A_369 : vector<1x16xi32> to vector<16xi32>
      %add3A_371 = arith.constant 1900000 : i32
      %add3A_372 = vector.broadcast %add3A_371 : i32 to vector<16xi32>
      %add3A_373 = arith.addi %get3A_370, %add3A_372 : vector<16xi32>
      %mul3A_374 = arith.constant 16 : i32
      %mul3A_375 = arith.muli %scan3A_58, %mul3A_374 : i32
      %add3A_376 = arith.constant 2432 : i32
      %add3A_377 = arith.addi %add3A_376, %mul3A_375 : i32
      %swap3A_378 = arith.index_cast %add3A_377 : i32 to index
      %swap3A_379 = tpu.vector_load %arg10[%swap3A_378] {strides = array<i32>} : memref<3328xi32, #tpu.memory_space<vmem>>, vector<16xi32>,
      %swap3A_380 = vector.shape_cast %swap3A_379 : vector<16xi32> to vector<16xi32>
      %swap3A_381 = vector.shape_cast %add3A_373 : vector<16xi32> to vector<16xi32>
      tpu.vector_store %arg10[%swap3A_378], %swap3A_381 {strides = array<i32>} : memref<3328xi32, #tpu.memory_space<vmem>>, vector<16xi32>,
      %get3A_382 = arith.constant 20 : i32
      %get3A_383 = arith.index_cast %get3A_382 : i32 to index
      %get3A_384 = arith.index_cast %add3A_62 : i32 to index
      %get3A_385 = tpu.vector_load %arg6[%get3A_383, %get3A_384] {strides = array<i32>} : memref<26x512xi32, #tpu.memory_space<vmem>>, vector<1x16xi32>,
      %get3A_386 = vector.shape_cast %get3A_385 : vector<1x16xi32> to vector<16xi32>
      %add3A_387 = arith.constant 2000000 : i32
      %add3A_388 = vector.broadcast %add3A_387 : i32 to vector<16xi32>
      %add3A_389 = arith.addi %get3A_386, %add3A_388 : vector<16xi32>
      %mul3A_390 = arith.constant 16 : i32
      %mul3A_391 = arith.muli %scan3A_58, %mul3A_390 : i32
      %add3A_392 = arith.constant 2560 : i32
      %add3A_393 = arith.addi %add3A_392, %mul3A_391 : i32
      %swap3A_394 = arith.index_cast %add3A_393 : i32 to index
      %swap3A_395 = tpu.vector_load %arg10[%swap3A_394] {strides = array<i32>} : memref<3328xi32, #tpu.memory_space<vmem>>, vector<16xi32>,
      %swap3A_396 = vector.shape_cast %swap3A_395 : vector<16xi32> to vector<16xi32>
      %swap3A_397 = vector.shape_cast %add3A_389 : vector<16xi32> to vector<16xi32>
      tpu.vector_store %arg10[%swap3A_394], %swap3A_397 {strides = array<i32>} : memref<3328xi32, #tpu.memory_space<vmem>>, vector<16xi32>,
      %get3A_398 = arith.constant 21 : i32
      %get3A_399 = arith.index_cast %get3A_398 : i32 to index
      %get3A_400 = arith.index_cast %add3A_62 : i32 to index
      %get3A_401 = tpu.vector_load %arg6[%get3A_399, %get3A_400] {strides = array<i32>} : memref<26x512xi32, #tpu.memory_space<vmem>>, vector<1x16xi32>,
      %get3A_402 = vector.shape_cast %get3A_401 : vector<1x16xi32> to vector<16xi32>
      %add3A_403 = arith.constant 2100000 : i32
      %add3A_404 = vector.broadcast %add3A_403 : i32 to vector<16xi32>
      %add3A_405 = arith.addi %get3A_402, %add3A_404 : vector<16xi32>
      %mul3A_406 = arith.constant 16 : i32
      %mul3A_407 = arith.muli %scan3A_58, %mul3A_406 : i32
      %add3A_408 = arith.constant 2688 : i32
      %add3A_409 = arith.addi %add3A_408, %mul3A_407 : i32
      %swap3A_410 = arith.index_cast %add3A_409 : i32 to index
      %swap3A_411 = tpu.vector_load %arg10[%swap3A_410] {strides = array<i32>} : memref<3328xi32, #tpu.memory_space<vmem>>, vector<16xi32>,
      %swap3A_412 = vector.shape_cast %swap3A_411 : vector<16xi32> to vector<16xi32>
      %swap3A_413 = vector.shape_cast %add3A_405 : vector<16xi32> to vector<16xi32>
      tpu.vector_store %arg10[%swap3A_410], %swap3A_413 {strides = array<i32>} : memref<3328xi32, #tpu.memory_space<vmem>>, vector<16xi32>,
      %get3A_414 = arith.constant 22 : i32
      %get3A_415 = arith.index_cast %get3A_414 : i32 to index
      %get3A_416 = arith.index_cast %add3A_62 : i32 to index
      %get3A_417 = tpu.vector_load %arg6[%get3A_415, %get3A_416] {strides = array<i32>} : memref<26x512xi32, #tpu.memory_space<vmem>>, vector<1x16xi32>,
      %get3A_418 = vector.shape_cast %get3A_417 : vector<1x16xi32> to vector<16xi32>
      %add3A_419 = arith.constant 2200000 : i32
      %add3A_420 = vector.broadcast %add3A_419 : i32 to vector<16xi32>
      %add3A_421 = arith.addi %get3A_418, %add3A_420 : vector<16xi32>
      %mul3A_422 = arith.constant 16 : i32
      %mul3A_423 = arith.muli %scan3A_58, %mul3A_422 : i32
      %add3A_424 = arith.constant 2816 : i32
      %add3A_425 = arith.addi %add3A_424, %mul3A_423 : i32
      %swap3A_426 = arith.index_cast %add3A_425 : i32 to index
      %swap3A_427 = tpu.vector_load %arg10[%swap3A_426] {strides = array<i32>} : memref<3328xi32, #tpu.memory_space<vmem>>, vector<16xi32>,
      %swap3A_428 = vector.shape_cast %swap3A_427 : vector<16xi32> to vector<16xi32>
      %swap3A_429 = vector.shape_cast %add3A_421 : vector<16xi32> to vector<16xi32>
      tpu.vector_store %arg10[%swap3A_426], %swap3A_429 {strides = array<i32>} : memref<3328xi32, #tpu.memory_space<vmem>>, vector<16xi32>,
      %get3A_430 = arith.constant 23 : i32
      %get3A_431 = arith.index_cast %get3A_430 : i32 to index
      %get3A_432 = arith.index_cast %add3A_62 : i32 to index
      %get3A_433 = tpu.vector_load %arg6[%get3A_431, %get3A_432] {strides = array<i32>} : memref<26x512xi32, #tpu.memory_space<vmem>>, vector<1x16xi32>,
      %get3A_434 = vector.shape_cast %get3A_433 : vector<1x16xi32> to vector<16xi32>
      %add3A_435 = arith.constant 2300000 : i32
      %add3A_436 = vector.broadcast %add3A_435 : i32 to vector<16xi32>
      %add3A_437 = arith.addi %get3A_434, %add3A_436 : vector<16xi32>
      %mul3A_438 = arith.constant 16 : i32
      %mul3A_439 = arith.muli %scan3A_58, %mul3A_438 : i32
      %add3A_440 = arith.constant 2944 : i32
      %add3A_441 = arith.addi %add3A_440, %mul3A_439 : i32
      %swap3A_442 = arith.index_cast %add3A_441 : i32 to index
      %swap3A_443 = tpu.vector_load %arg10[%swap3A_442] {strides = array<i32>} : memref<3328xi32, #tpu.memory_space<vmem>>, vector<16xi32>,
      %swap3A_444 = vector.shape_cast %swap3A_443 : vector<16xi32> to vector<16xi32>
      %swap3A_445 = vector.shape_cast %add3A_437 : vector<16xi32> to vector<16xi32>
      tpu.vector_store %arg10[%swap3A_442], %swap3A_445 {strides = array<i32>} : memref<3328xi32, #tpu.memory_space<vmem>>, vector<16xi32>,
      %get3A_446 = arith.constant 24 : i32
      %get3A_447 = arith.index_cast %get3A_446 : i32 to index
      %get3A_448 = arith.index_cast %add3A_62 : i32 to index
      %get3A_449 = tpu.vector_load %arg6[%get3A_447, %get3A_448] {strides = array<i32>} : memref<26x512xi32, #tpu.memory_space<vmem>>, vector<1x16xi32>,
      %get3A_450 = vector.shape_cast %get3A_449 : vector<1x16xi32> to vector<16xi32>
      %add3A_451 = arith.constant 2400000 : i32
      %add3A_452 = vector.broadcast %add3A_451 : i32 to vector<16xi32>
      %add3A_453 = arith.addi %get3A_450, %add3A_452 : vector<16xi32>
      %mul3A_454 = arith.constant 16 : i32
      %mul3A_455 = arith.muli %scan3A_58, %mul3A_454 : i32
      %add3A_456 = arith.constant 3072 : i32
      %add3A_457 = arith.addi %add3A_456, %mul3A_455 : i32
      %swap3A_458 = arith.index_cast %add3A_457 : i32 to index
      %swap3A_459 = tpu.vector_load %arg10[%swap3A_458] {strides = array<i32>} : memref<3328xi32, #tpu.memory_space<vmem>>, vector<16xi32>,
      %swap3A_460 = vector.shape_cast %swap3A_459 : vector<16xi32> to vector<16xi32>
      %swap3A_461 = vector.shape_cast %add3A_453 : vector<16xi32> to vector<16xi32>
      tpu.vector_store %arg10[%swap3A_458], %swap3A_461 {strides = array<i32>} : memref<3328xi32, #tpu.memory_space<vmem>>, vector<16xi32>,
      %get3A_462 = arith.constant 25 : i32
      %get3A_463 = arith.index_cast %get3A_462 : i32 to index
      %get3A_464 = arith.index_cast %add3A_62 : i32 to index
      %get3A_465 = tpu.vector_load %arg6[%get3A_463, %get3A_464] {strides = array<i32>} : memref<26x512xi32, #tpu.memory_space<vmem>>, vector<1x16xi32>,
      %get3A_466 = vector.shape_cast %get3A_465 : vector<1x16xi32> to vector<16xi32>
      %add3A_467 = arith.constant 2500000 : i32
      %add3A_468 = vector.broadcast %add3A_467 : i32 to vector<16xi32>
      %add3A_469 = arith.addi %get3A_466, %add3A_468 : vector<16xi32>
      %mul3A_470 = arith.constant 16 : i32
      %mul3A_471 = arith.muli %scan3A_58, %mul3A_470 : i32
      %add3A_472 = arith.constant 3200 : i32
      %add3A_473 = arith.addi %add3A_472, %mul3A_471 : i32
      %swap3A_474 = arith.index_cast %add3A_473 : i32 to index
      %swap3A_475 = tpu.vector_load %arg10[%swap3A_474] {strides = array<i32>} : memref<3328xi32, #tpu.memory_space<vmem>>, vector<16xi32>,
      %swap3A_476 = vector.shape_cast %swap3A_475 : vector<16xi32> to vector<16xi32>
      %swap3A_477 = vector.shape_cast %add3A_469 : vector<16xi32> to vector<16xi32>
      tpu.vector_store %arg10[%swap3A_474], %swap3A_477 {strides = array<i32>} : memref<3328xi32, #tpu.memory_space<vmem>>, vector<16xi32>,
    }
    %scan3A_12 = arith.constant 8 : i32
    %dma_start3A_13 = arith.constant 0 : i32
    %dma_start3A_14 = tpu.memref_slice %arg3[%dma_start3A_13] : memref<2600960xf32, #tpu.memory_space<hbm>> -> memref<2600960xf32, #tpu.memory_space<hbm>>
    tpu.enqueue_indirect_dma source(%dma_start3A_14 : memref<2600960xf32, #tpu.memory_space<hbm>>) target(%arg14 : memref<3328xf32, #tpu.memory_space<vmem>>) offsets(%arg10 : memref<3328xi32, #tpu.memory_space<vmem>>) semaphore(%arg18 : memref<!tpu.dma_semaphore, #tpu.memory_space<semaphore_mem>>)
    %scan3A_15 = arith.constant 0 : i32
    %scan3A_16 = arith.constant 8 : i32
    %scan3A_17 = arith.addi %scan3A_15, %scan3A_16 : i32
    %scan3A_18 = arith.constant 1 : i32
    scf.for %scan3A_58 = %scan3A_15 to %scan3A_17 step %scan3A_18  : i32 {
      %mul3A_59 = arith.constant 16 : i32
      %mul3A_60 = arith.muli %scan3A_58, %mul3A_59 : i32
      %add3A_61 = arith.constant 256 : i32
      %add3A_62 = arith.addi %add3A_61, %mul3A_60 : i32
      %get3A_63 = arith.constant 0 : i32
      %get3A_64 = arith.index_cast %get3A_63 : i32 to index
      %get3A_65 = arith.index_cast %add3A_62 : i32 to index
      %get3A_66 = tpu.vector_load %arg6[%get3A_64, %get3A_65] {strides = array<i32>} : memref<26x512xi32, #tpu.memory_space<vmem>>, vector<1x16xi32>,
      %get3A_67 = vector.shape_cast %get3A_66 : vector<1x16xi32> to vector<16xi32>
      %add3A_68 = arith.constant 0 : i32
      %add3A_69 = vector.broadcast %add3A_68 : i32 to vector<16xi32>
      %add3A_70 = arith.addi %get3A_67, %add3A_69 : vector<16xi32>
      %mul3A_71 = arith.constant 16 : i32
      %mul3A_72 = arith.muli %scan3A_58, %mul3A_71 : i32
      %add3A_73 = arith.constant 0 : i32
      %add3A_74 = arith.addi %add3A_73, %mul3A_72 : i32
      %swap3A = arith.index_cast %add3A_74 : i32 to index
      %swap3A_75 = tpu.vector_load %arg11[%swap3A] {strides = array<i32>} : memref<3328xi32, #tpu.memory_space<vmem>>, vector<16xi32>,
      %swap3A_76 = vector.shape_cast %swap3A_75 : vector<16xi32> to vector<16xi32>
      %swap3A_77 = vector.shape_cast %add3A_70 : vector<16xi32> to vector<16xi32>
      tpu.vector_store %arg11[%swap3A], %swap3A_77 {strides = array<i32>} : memref<3328xi32, #tpu.memory_space<vmem>>, vector<16xi32>,
      %get3A_78 = arith.constant 1 : i32
      %get3A_79 = arith.index_cast %get3A_78 : i32 to index
      %get3A_80 = arith.index_cast %add3A_62 : i32 to index
      %get3A_81 = tpu.vector_load %arg6[%get3A_79, %get3A_80] {strides = array<i32>} : memref<26x512xi32, #tpu.memory_space<vmem>>, vector<1x16xi32>,
      %get3A_82 = vector.shape_cast %get3A_81 : vector<1x16xi32> to vector<16xi32>
      %add3A_83 = arith.constant 100000 : i32
      %add3A_84 = vector.broadcast %add3A_83 : i32 to vector<16xi32>
      %add3A_85 = arith.addi %get3A_82, %add3A_84 : vector<16xi32>
      %mul3A_86 = arith.constant 16 : i32
      %mul3A_87 = arith.muli %scan3A_58, %mul3A_86 : i32
      %add3A_88 = arith.constant 128 : i32
      %add3A_89 = arith.addi %add3A_88, %mul3A_87 : i32
      %swap3A_90 = arith.index_cast %add3A_89 : i32 to index
      %swap3A_91 = tpu.vector_load %arg11[%swap3A_90] {strides = array<i32>} : memref<3328xi32, #tpu.memory_space<vmem>>, vector<16xi32>,
      %swap3A_92 = vector.shape_cast %swap3A_91 : vector<16xi32> to vector<16xi32>
      %swap3A_93 = vector.shape_cast %add3A_85 : vector<16xi32> to vector<16xi32>
      tpu.vector_store %arg11[%swap3A_90], %swap3A_93 {strides = array<i32>} : memref<3328xi32, #tpu.memory_space<vmem>>, vector<16xi32>,
      %get3A_94 = arith.constant 2 : i32
      %get3A_95 = arith.index_cast %get3A_94 : i32 to index
      %get3A_96 = arith.index_cast %add3A_62 : i32 to index
      %get3A_97 = tpu.vector_load %arg6[%get3A_95, %get3A_96] {strides = array<i32>} : memref<26x512xi32, #tpu.memory_space<vmem>>, vector<1x16xi32>,
      %get3A_98 = vector.shape_cast %get3A_97 : vector<1x16xi32> to vector<16xi32>
      %add3A_99 = arith.constant 200000 : i32
      %add3A_100 = vector.broadcast %add3A_99 : i32 to vector<16xi32>
      %add3A_101 = arith.addi %get3A_98, %add3A_100 : vector<16xi32>
      %mul3A_102 = arith.constant 16 : i32
      %mul3A_103 = arith.muli %scan3A_58, %mul3A_102 : i32
      %add3A_104 = arith.constant 256 : i32
      %add3A_105 = arith.addi %add3A_104, %mul3A_103 : i32
      %swap3A_106 = arith.index_cast %add3A_105 : i32 to index
      %swap3A_107 = tpu.vector_load %arg11[%swap3A_106] {strides = array<i32>} : memref<3328xi32, #tpu.memory_space<vmem>>, vector<16xi32>,
      %swap3A_108 = vector.shape_cast %swap3A_107 : vector<16xi32> to vector<16xi32>
      %swap3A_109 = vector.shape_cast %add3A_101 : vector<16xi32> to vector<16xi32>
      tpu.vector_store %arg11[%swap3A_106], %swap3A_109 {strides = array<i32>} : memref<3328xi32, #tpu.memory_space<vmem>>, vector<16xi32>,
      %get3A_110 = arith.constant 3 : i32
      %get3A_111 = arith.index_cast %get3A_110 : i32 to index
      %get3A_112 = arith.index_cast %add3A_62 : i32 to index
      %get3A_113 = tpu.vector_load %arg6[%get3A_111, %get3A_112] {strides = array<i32>} : memref<26x512xi32, #tpu.memory_space<vmem>>, vector<1x16xi32>,
      %get3A_114 = vector.shape_cast %get3A_113 : vector<1x16xi32> to vector<16xi32>
      %add3A_115 = arith.constant 300000 : i32
      %add3A_116 = vector.broadcast %add3A_115 : i32 to vector<16xi32>
      %add3A_117 = arith.addi %get3A_114, %add3A_116 : vector<16xi32>
      %mul3A_118 = arith.constant 16 : i32
      %mul3A_119 = arith.muli %scan3A_58, %mul3A_118 : i32
      %add3A_120 = arith.constant 384 : i32
      %add3A_121 = arith.addi %add3A_120, %mul3A_119 : i32
      %swap3A_122 = arith.index_cast %add3A_121 : i32 to index
      %swap3A_123 = tpu.vector_load %arg11[%swap3A_122] {strides = array<i32>} : memref<3328xi32, #tpu.memory_space<vmem>>, vector<16xi32>,
      %swap3A_124 = vector.shape_cast %swap3A_123 : vector<16xi32> to vector<16xi32>
      %swap3A_125 = vector.shape_cast %add3A_117 : vector<16xi32> to vector<16xi32>
      tpu.vector_store %arg11[%swap3A_122], %swap3A_125 {strides = array<i32>} : memref<3328xi32, #tpu.memory_space<vmem>>, vector<16xi32>,
      %get3A_126 = arith.constant 4 : i32
      %get3A_127 = arith.index_cast %get3A_126 : i32 to index
      %get3A_128 = arith.index_cast %add3A_62 : i32 to index
      %get3A_129 = tpu.vector_load %arg6[%get3A_127, %get3A_128] {strides = array<i32>} : memref<26x512xi32, #tpu.memory_space<vmem>>, vector<1x16xi32>,
      %get3A_130 = vector.shape_cast %get3A_129 : vector<1x16xi32> to vector<16xi32>
      %add3A_131 = arith.constant 400000 : i32
      %add3A_132 = vector.broadcast %add3A_131 : i32 to vector<16xi32>
      %add3A_133 = arith.addi %get3A_130, %add3A_132 : vector<16xi32>
      %mul3A_134 = arith.constant 16 : i32
      %mul3A_135 = arith.muli %scan3A_58, %mul3A_134 : i32
      %add3A_136 = arith.constant 512 : i32
      %add3A_137 = arith.addi %add3A_136, %mul3A_135 : i32
      %swap3A_138 = arith.index_cast %add3A_137 : i32 to index
      %swap3A_139 = tpu.vector_load %arg11[%swap3A_138] {strides = array<i32>} : memref<3328xi32, #tpu.memory_space<vmem>>, vector<16xi32>,
      %swap3A_140 = vector.shape_cast %swap3A_139 : vector<16xi32> to vector<16xi32>
      %swap3A_141 = vector.shape_cast %add3A_133 : vector<16xi32> to vector<16xi32>
      tpu.vector_store %arg11[%swap3A_138], %swap3A_141 {strides = array<i32>} : memref<3328xi32, #tpu.memory_space<vmem>>, vector<16xi32>,
      %get3A_142 = arith.constant 5 : i32
      %get3A_143 = arith.index_cast %get3A_142 : i32 to index
      %get3A_144 = arith.index_cast %add3A_62 : i32 to index
      %get3A_145 = tpu.vector_load %arg6[%get3A_143, %get3A_144] {strides = array<i32>} : memref<26x512xi32, #tpu.memory_space<vmem>>, vector<1x16xi32>,
      %get3A_146 = vector.shape_cast %get3A_145 : vector<1x16xi32> to vector<16xi32>
      %add3A_147 = arith.constant 500000 : i32
      %add3A_148 = vector.broadcast %add3A_147 : i32 to vector<16xi32>
      %add3A_149 = arith.addi %get3A_146, %add3A_148 : vector<16xi32>
      %mul3A_150 = arith.constant 16 : i32
      %mul3A_151 = arith.muli %scan3A_58, %mul3A_150 : i32
      %add3A_152 = arith.constant 640 : i32
      %add3A_153 = arith.addi %add3A_152, %mul3A_151 : i32
      %swap3A_154 = arith.index_cast %add3A_153 : i32 to index
      %swap3A_155 = tpu.vector_load %arg11[%swap3A_154] {strides = array<i32>} : memref<3328xi32, #tpu.memory_space<vmem>>, vector<16xi32>,
      %swap3A_156 = vector.shape_cast %swap3A_155 : vector<16xi32> to vector<16xi32>
      %swap3A_157 = vector.shape_cast %add3A_149 : vector<16xi32> to vector<16xi32>
      tpu.vector_store %arg11[%swap3A_154], %swap3A_157 {strides = array<i32>} : memref<3328xi32, #tpu.memory_space<vmem>>, vector<16xi32>,
      %get3A_158 = arith.constant 6 : i32
      %get3A_159 = arith.index_cast %get3A_158 : i32 to index
      %get3A_160 = arith.index_cast %add3A_62 : i32 to index
      %get3A_161 = tpu.vector_load %arg6[%get3A_159, %get3A_160] {strides = array<i32>} : memref<26x512xi32, #tpu.memory_space<vmem>>, vector<1x16xi32>,
      %get3A_162 = vector.shape_cast %get3A_161 : vector<1x16xi32> to vector<16xi32>
      %add3A_163 = arith.constant 600000 : i32
      %add3A_164 = vector.broadcast %add3A_163 : i32 to vector<16xi32>
      %add3A_165 = arith.addi %get3A_162, %add3A_164 : vector<16xi32>
      %mul3A_166 = arith.constant 16 : i32
      %mul3A_167 = arith.muli %scan3A_58, %mul3A_166 : i32
      %add3A_168 = arith.constant 768 : i32
      %add3A_169 = arith.addi %add3A_168, %mul3A_167 : i32
      %swap3A_170 = arith.index_cast %add3A_169 : i32 to index
      %swap3A_171 = tpu.vector_load %arg11[%swap3A_170] {strides = array<i32>} : memref<3328xi32, #tpu.memory_space<vmem>>, vector<16xi32>,
      %swap3A_172 = vector.shape_cast %swap3A_171 : vector<16xi32> to vector<16xi32>
      %swap3A_173 = vector.shape_cast %add3A_165 : vector<16xi32> to vector<16xi32>
      tpu.vector_store %arg11[%swap3A_170], %swap3A_173 {strides = array<i32>} : memref<3328xi32, #tpu.memory_space<vmem>>, vector<16xi32>,
      %get3A_174 = arith.constant 7 : i32
      %get3A_175 = arith.index_cast %get3A_174 : i32 to index
      %get3A_176 = arith.index_cast %add3A_62 : i32 to index
      %get3A_177 = tpu.vector_load %arg6[%get3A_175, %get3A_176] {strides = array<i32>} : memref<26x512xi32, #tpu.memory_space<vmem>>, vector<1x16xi32>,
      %get3A_178 = vector.shape_cast %get3A_177 : vector<1x16xi32> to vector<16xi32>
      %add3A_179 = arith.constant 700000 : i32
      %add3A_180 = vector.broadcast %add3A_179 : i32 to vector<16xi32>
      %add3A_181 = arith.addi %get3A_178, %add3A_180 : vector<16xi32>
      %mul3A_182 = arith.constant 16 : i32
      %mul3A_183 = arith.muli %scan3A_58, %mul3A_182 : i32
      %add3A_184 = arith.constant 896 : i32
      %add3A_185 = arith.addi %add3A_184, %mul3A_183 : i32
      %swap3A_186 = arith.index_cast %add3A_185 : i32 to index
      %swap3A_187 = tpu.vector_load %arg11[%swap3A_186] {strides = array<i32>} : memref<3328xi32, #tpu.memory_space<vmem>>, vector<16xi32>,
      %swap3A_188 = vector.shape_cast %swap3A_187 : vector<16xi32> to vector<16xi32>
      %swap3A_189 = vector.shape_cast %add3A_181 : vector<16xi32> to vector<16xi32>
      tpu.vector_store %arg11[%swap3A_186], %swap3A_189 {strides = array<i32>} : memref<3328xi32, #tpu.memory_space<vmem>>, vector<16xi32>,
      %get3A_190 = arith.constant 8 : i32
      %get3A_191 = arith.index_cast %get3A_190 : i32 to index
      %get3A_192 = arith.index_cast %add3A_62 : i32 to index
      %get3A_193 = tpu.vector_load %arg6[%get3A_191, %get3A_192] {strides = array<i32>} : memref<26x512xi32, #tpu.memory_space<vmem>>, vector<1x16xi32>,
      %get3A_194 = vector.shape_cast %get3A_193 : vector<1x16xi32> to vector<16xi32>
      %add3A_195 = arith.constant 800000 : i32
      %add3A_196 = vector.broadcast %add3A_195 : i32 to vector<16xi32>
      %add3A_197 = arith.addi %get3A_194, %add3A_196 : vector<16xi32>
      %mul3A_198 = arith.constant 16 : i32
      %mul3A_199 = arith.muli %scan3A_58, %mul3A_198 : i32
      %add3A_200 = arith.constant 1024 : i32
      %add3A_201 = arith.addi %add3A_200, %mul3A_199 : i32
      %swap3A_202 = arith.index_cast %add3A_201 : i32 to index
      %swap3A_203 = tpu.vector_load %arg11[%swap3A_202] {strides = array<i32>} : memref<3328xi32, #tpu.memory_space<vmem>>, vector<16xi32>,
      %swap3A_204 = vector.shape_cast %swap3A_203 : vector<16xi32> to vector<16xi32>
      %swap3A_205 = vector.shape_cast %add3A_197 : vector<16xi32> to vector<16xi32>
      tpu.vector_store %arg11[%swap3A_202], %swap3A_205 {strides = array<i32>} : memref<3328xi32, #tpu.memory_space<vmem>>, vector<16xi32>,
      %get3A_206 = arith.constant 9 : i32
      %get3A_207 = arith.index_cast %get3A_206 : i32 to index
      %get3A_208 = arith.index_cast %add3A_62 : i32 to index
      %get3A_209 = tpu.vector_load %arg6[%get3A_207, %get3A_208] {strides = array<i32>} : memref<26x512xi32, #tpu.memory_space<vmem>>, vector<1x16xi32>,
      %get3A_210 = vector.shape_cast %get3A_209 : vector<1x16xi32> to vector<16xi32>
      %add3A_211 = arith.constant 900000 : i32
      %add3A_212 = vector.broadcast %add3A_211 : i32 to vector<16xi32>
      %add3A_213 = arith.addi %get3A_210, %add3A_212 : vector<16xi32>
      %mul3A_214 = arith.constant 16 : i32
      %mul3A_215 = arith.muli %scan3A_58, %mul3A_214 : i32
      %add3A_216 = arith.constant 1152 : i32
      %add3A_217 = arith.addi %add3A_216, %mul3A_215 : i32
      %swap3A_218 = arith.index_cast %add3A_217 : i32 to index
      %swap3A_219 = tpu.vector_load %arg11[%swap3A_218] {strides = array<i32>} : memref<3328xi32, #tpu.memory_space<vmem>>, vector<16xi32>,
      %swap3A_220 = vector.shape_cast %swap3A_219 : vector<16xi32> to vector<16xi32>
      %swap3A_221 = vector.shape_cast %add3A_213 : vector<16xi32> to vector<16xi32>
      tpu.vector_store %arg11[%swap3A_218], %swap3A_221 {strides = array<i32>} : memref<3328xi32, #tpu.memory_space<vmem>>, vector<16xi32>,
      %get3A_222 = arith.constant 10 : i32
      %get3A_223 = arith.index_cast %get3A_222 : i32 to index
      %get3A_224 = arith.index_cast %add3A_62 : i32 to index
      %get3A_225 = tpu.vector_load %arg6[%get3A_223, %get3A_224] {strides = array<i32>} : memref<26x512xi32, #tpu.memory_space<vmem>>, vector<1x16xi32>,
      %get3A_226 = vector.shape_cast %get3A_225 : vector<1x16xi32> to vector<16xi32>
      %add3A_227 = arith.constant 1000000 : i32
      %add3A_228 = vector.broadcast %add3A_227 : i32 to vector<16xi32>
      %add3A_229 = arith.addi %get3A_226, %add3A_228 : vector<16xi32>
      %mul3A_230 = arith.constant 16 : i32
      %mul3A_231 = arith.muli %scan3A_58, %mul3A_230 : i32
      %add3A_232 = arith.constant 1280 : i32
      %add3A_233 = arith.addi %add3A_232, %mul3A_231 : i32
      %swap3A_234 = arith.index_cast %add3A_233 : i32 to index
      %swap3A_235 = tpu.vector_load %arg11[%swap3A_234] {strides = array<i32>} : memref<3328xi32, #tpu.memory_space<vmem>>, vector<16xi32>,
      %swap3A_236 = vector.shape_cast %swap3A_235 : vector<16xi32> to vector<16xi32>
      %swap3A_237 = vector.shape_cast %add3A_229 : vector<16xi32> to vector<16xi32>
      tpu.vector_store %arg11[%swap3A_234], %swap3A_237 {strides = array<i32>} : memref<3328xi32, #tpu.memory_space<vmem>>, vector<16xi32>,
      %get3A_238 = arith.constant 11 : i32
      %get3A_239 = arith.index_cast %get3A_238 : i32 to index
      %get3A_240 = arith.index_cast %add3A_62 : i32 to index
      %get3A_241 = tpu.vector_load %arg6[%get3A_239, %get3A_240] {strides = array<i32>} : memref<26x512xi32, #tpu.memory_space<vmem>>, vector<1x16xi32>,
      %get3A_242 = vector.shape_cast %get3A_241 : vector<1x16xi32> to vector<16xi32>
      %add3A_243 = arith.constant 1100000 : i32
      %add3A_244 = vector.broadcast %add3A_243 : i32 to vector<16xi32>
      %add3A_245 = arith.addi %get3A_242, %add3A_244 : vector<16xi32>
      %mul3A_246 = arith.constant 16 : i32
      %mul3A_247 = arith.muli %scan3A_58, %mul3A_246 : i32
      %add3A_248 = arith.constant 1408 : i32
      %add3A_249 = arith.addi %add3A_248, %mul3A_247 : i32
      %swap3A_250 = arith.index_cast %add3A_249 : i32 to index
      %swap3A_251 = tpu.vector_load %arg11[%swap3A_250] {strides = array<i32>} : memref<3328xi32, #tpu.memory_space<vmem>>, vector<16xi32>,
      %swap3A_252 = vector.shape_cast %swap3A_251 : vector<16xi32> to vector<16xi32>
      %swap3A_253 = vector.shape_cast %add3A_245 : vector<16xi32> to vector<16xi32>
      tpu.vector_store %arg11[%swap3A_250], %swap3A_253 {strides = array<i32>} : memref<3328xi32, #tpu.memory_space<vmem>>, vector<16xi32>,
      %get3A_254 = arith.constant 12 : i32
      %get3A_255 = arith.index_cast %get3A_254 : i32 to index
      %get3A_256 = arith.index_cast %add3A_62 : i32 to index
      %get3A_257 = tpu.vector_load %arg6[%get3A_255, %get3A_256] {strides = array<i32>} : memref<26x512xi32, #tpu.memory_space<vmem>>, vector<1x16xi32>,
      %get3A_258 = vector.shape_cast %get3A_257 : vector<1x16xi32> to vector<16xi32>
      %add3A_259 = arith.constant 1200000 : i32
      %add3A_260 = vector.broadcast %add3A_259 : i32 to vector<16xi32>
      %add3A_261 = arith.addi %get3A_258, %add3A_260 : vector<16xi32>
      %mul3A_262 = arith.constant 16 : i32
      %mul3A_263 = arith.muli %scan3A_58, %mul3A_262 : i32
      %add3A_264 = arith.constant 1536 : i32
      %add3A_265 = arith.addi %add3A_264, %mul3A_263 : i32
      %swap3A_266 = arith.index_cast %add3A_265 : i32 to index
      %swap3A_267 = tpu.vector_load %arg11[%swap3A_266] {strides = array<i32>} : memref<3328xi32, #tpu.memory_space<vmem>>, vector<16xi32>,
      %swap3A_268 = vector.shape_cast %swap3A_267 : vector<16xi32> to vector<16xi32>
      %swap3A_269 = vector.shape_cast %add3A_261 : vector<16xi32> to vector<16xi32>
      tpu.vector_store %arg11[%swap3A_266], %swap3A_269 {strides = array<i32>} : memref<3328xi32, #tpu.memory_space<vmem>>, vector<16xi32>,
      %get3A_270 = arith.constant 13 : i32
      %get3A_271 = arith.index_cast %get3A_270 : i32 to index
      %get3A_272 = arith.index_cast %add3A_62 : i32 to index
      %get3A_273 = tpu.vector_load %arg6[%get3A_271, %get3A_272] {strides = array<i32>} : memref<26x512xi32, #tpu.memory_space<vmem>>, vector<1x16xi32>,
      %get3A_274 = vector.shape_cast %get3A_273 : vector<1x16xi32> to vector<16xi32>
      %add3A_275 = arith.constant 1300000 : i32
      %add3A_276 = vector.broadcast %add3A_275 : i32 to vector<16xi32>
      %add3A_277 = arith.addi %get3A_274, %add3A_276 : vector<16xi32>
      %mul3A_278 = arith.constant 16 : i32
      %mul3A_279 = arith.muli %scan3A_58, %mul3A_278 : i32
      %add3A_280 = arith.constant 1664 : i32
      %add3A_281 = arith.addi %add3A_280, %mul3A_279 : i32
      %swap3A_282 = arith.index_cast %add3A_281 : i32 to index
      %swap3A_283 = tpu.vector_load %arg11[%swap3A_282] {strides = array<i32>} : memref<3328xi32, #tpu.memory_space<vmem>>, vector<16xi32>,
      %swap3A_284 = vector.shape_cast %swap3A_283 : vector<16xi32> to vector<16xi32>
      %swap3A_285 = vector.shape_cast %add3A_277 : vector<16xi32> to vector<16xi32>
      tpu.vector_store %arg11[%swap3A_282], %swap3A_285 {strides = array<i32>} : memref<3328xi32, #tpu.memory_space<vmem>>, vector<16xi32>,
      %get3A_286 = arith.constant 14 : i32
      %get3A_287 = arith.index_cast %get3A_286 : i32 to index
      %get3A_288 = arith.index_cast %add3A_62 : i32 to index
      %get3A_289 = tpu.vector_load %arg6[%get3A_287, %get3A_288] {strides = array<i32>} : memref<26x512xi32, #tpu.memory_space<vmem>>, vector<1x16xi32>,
      %get3A_290 = vector.shape_cast %get3A_289 : vector<1x16xi32> to vector<16xi32>
      %add3A_291 = arith.constant 1400000 : i32
      %add3A_292 = vector.broadcast %add3A_291 : i32 to vector<16xi32>
      %add3A_293 = arith.addi %get3A_290, %add3A_292 : vector<16xi32>
      %mul3A_294 = arith.constant 16 : i32
      %mul3A_295 = arith.muli %scan3A_58, %mul3A_294 : i32
      %add3A_296 = arith.constant 1792 : i32
      %add3A_297 = arith.addi %add3A_296, %mul3A_295 : i32
      %swap3A_298 = arith.index_cast %add3A_297 : i32 to index
      %swap3A_299 = tpu.vector_load %arg11[%swap3A_298] {strides = array<i32>} : memref<3328xi32, #tpu.memory_space<vmem>>, vector<16xi32>,
      %swap3A_300 = vector.shape_cast %swap3A_299 : vector<16xi32> to vector<16xi32>
      %swap3A_301 = vector.shape_cast %add3A_293 : vector<16xi32> to vector<16xi32>
      tpu.vector_store %arg11[%swap3A_298], %swap3A_301 {strides = array<i32>} : memref<3328xi32, #tpu.memory_space<vmem>>, vector<16xi32>,
      %get3A_302 = arith.constant 15 : i32
      %get3A_303 = arith.index_cast %get3A_302 : i32 to index
      %get3A_304 = arith.index_cast %add3A_62 : i32 to index
      %get3A_305 = tpu.vector_load %arg6[%get3A_303, %get3A_304] {strides = array<i32>} : memref<26x512xi32, #tpu.memory_space<vmem>>, vector<1x16xi32>,
      %get3A_306 = vector.shape_cast %get3A_305 : vector<1x16xi32> to vector<16xi32>
      %add3A_307 = arith.constant 1500000 : i32
      %add3A_308 = vector.broadcast %add3A_307 : i32 to vector<16xi32>
      %add3A_309 = arith.addi %get3A_306, %add3A_308 : vector<16xi32>
      %mul3A_310 = arith.constant 16 : i32
      %mul3A_311 = arith.muli %scan3A_58, %mul3A_310 : i32
      %add3A_312 = arith.constant 1920 : i32
      %add3A_313 = arith.addi %add3A_312, %mul3A_311 : i32
      %swap3A_314 = arith.index_cast %add3A_313 : i32 to index
      %swap3A_315 = tpu.vector_load %arg11[%swap3A_314] {strides = array<i32>} : memref<3328xi32, #tpu.memory_space<vmem>>, vector<16xi32>,
      %swap3A_316 = vector.shape_cast %swap3A_315 : vector<16xi32> to vector<16xi32>
      %swap3A_317 = vector.shape_cast %add3A_309 : vector<16xi32> to vector<16xi32>
      tpu.vector_store %arg11[%swap3A_314], %swap3A_317 {strides = array<i32>} : memref<3328xi32, #tpu.memory_space<vmem>>, vector<16xi32>,
      %get3A_318 = arith.constant 16 : i32
      %get3A_319 = arith.index_cast %get3A_318 : i32 to index
      %get3A_320 = arith.index_cast %add3A_62 : i32 to index
      %get3A_321 = tpu.vector_load %arg6[%get3A_319, %get3A_320] {strides = array<i32>} : memref<26x512xi32, #tpu.memory_space<vmem>>, vector<1x16xi32>,
      %get3A_322 = vector.shape_cast %get3A_321 : vector<1x16xi32> to vector<16xi32>
      %add3A_323 = arith.constant 1600000 : i32
      %add3A_324 = vector.broadcast %add3A_323 : i32 to vector<16xi32>
      %add3A_325 = arith.addi %get3A_322, %add3A_324 : vector<16xi32>
      %mul3A_326 = arith.constant 16 : i32
      %mul3A_327 = arith.muli %scan3A_58, %mul3A_326 : i32
      %add3A_328 = arith.constant 2048 : i32
      %add3A_329 = arith.addi %add3A_328, %mul3A_327 : i32
      %swap3A_330 = arith.index_cast %add3A_329 : i32 to index
      %swap3A_331 = tpu.vector_load %arg11[%swap3A_330] {strides = array<i32>} : memref<3328xi32, #tpu.memory_space<vmem>>, vector<16xi32>,
      %swap3A_332 = vector.shape_cast %swap3A_331 : vector<16xi32> to vector<16xi32>
      %swap3A_333 = vector.shape_cast %add3A_325 : vector<16xi32> to vector<16xi32>
      tpu.vector_store %arg11[%swap3A_330], %swap3A_333 {strides = array<i32>} : memref<3328xi32, #tpu.memory_space<vmem>>, vector<16xi32>,
      %get3A_334 = arith.constant 17 : i32
      %get3A_335 = arith.index_cast %get3A_334 : i32 to index
      %get3A_336 = arith.index_cast %add3A_62 : i32 to index
      %get3A_337 = tpu.vector_load %arg6[%get3A_335, %get3A_336] {strides = array<i32>} : memref<26x512xi32, #tpu.memory_space<vmem>>, vector<1x16xi32>,
      %get3A_338 = vector.shape_cast %get3A_337 : vector<1x16xi32> to vector<16xi32>
      %add3A_339 = arith.constant 1700000 : i32
      %add3A_340 = vector.broadcast %add3A_339 : i32 to vector<16xi32>
      %add3A_341 = arith.addi %get3A_338, %add3A_340 : vector<16xi32>
      %mul3A_342 = arith.constant 16 : i32
      %mul3A_343 = arith.muli %scan3A_58, %mul3A_342 : i32
      %add3A_344 = arith.constant 2176 : i32
      %add3A_345 = arith.addi %add3A_344, %mul3A_343 : i32
      %swap3A_346 = arith.index_cast %add3A_345 : i32 to index
      %swap3A_347 = tpu.vector_load %arg11[%swap3A_346] {strides = array<i32>} : memref<3328xi32, #tpu.memory_space<vmem>>, vector<16xi32>,
      %swap3A_348 = vector.shape_cast %swap3A_347 : vector<16xi32> to vector<16xi32>
      %swap3A_349 = vector.shape_cast %add3A_341 : vector<16xi32> to vector<16xi32>
      tpu.vector_store %arg11[%swap3A_346], %swap3A_349 {strides = array<i32>} : memref<3328xi32, #tpu.memory_space<vmem>>, vector<16xi32>,
      %get3A_350 = arith.constant 18 : i32
      %get3A_351 = arith.index_cast %get3A_350 : i32 to index
      %get3A_352 = arith.index_cast %add3A_62 : i32 to index
      %get3A_353 = tpu.vector_load %arg6[%get3A_351, %get3A_352] {strides = array<i32>} : memref<26x512xi32, #tpu.memory_space<vmem>>, vector<1x16xi32>,
      %get3A_354 = vector.shape_cast %get3A_353 : vector<1x16xi32> to vector<16xi32>
      %add3A_355 = arith.constant 1800000 : i32
      %add3A_356 = vector.broadcast %add3A_355 : i32 to vector<16xi32>
      %add3A_357 = arith.addi %get3A_354, %add3A_356 : vector<16xi32>
      %mul3A_358 = arith.constant 16 : i32
      %mul3A_359 = arith.muli %scan3A_58, %mul3A_358 : i32
      %add3A_360 = arith.constant 2304 : i32
      %add3A_361 = arith.addi %add3A_360, %mul3A_359 : i32
      %swap3A_362 = arith.index_cast %add3A_361 : i32 to index
      %swap3A_363 = tpu.vector_load %arg11[%swap3A_362] {strides = array<i32>} : memref<3328xi32, #tpu.memory_space<vmem>>, vector<16xi32>,
      %swap3A_364 = vector.shape_cast %swap3A_363 : vector<16xi32> to vector<16xi32>
      %swap3A_365 = vector.shape_cast %add3A_357 : vector<16xi32> to vector<16xi32>
      tpu.vector_store %arg11[%swap3A_362], %swap3A_365 {strides = array<i32>} : memref<3328xi32, #tpu.memory_space<vmem>>, vector<16xi32>,
      %get3A_366 = arith.constant 19 : i32
      %get3A_367 = arith.index_cast %get3A_366 : i32 to index
      %get3A_368 = arith.index_cast %add3A_62 : i32 to index
      %get3A_369 = tpu.vector_load %arg6[%get3A_367, %get3A_368] {strides = array<i32>} : memref<26x512xi32, #tpu.memory_space<vmem>>, vector<1x16xi32>,
      %get3A_370 = vector.shape_cast %get3A_369 : vector<1x16xi32> to vector<16xi32>
      %add3A_371 = arith.constant 1900000 : i32
      %add3A_372 = vector.broadcast %add3A_371 : i32 to vector<16xi32>
      %add3A_373 = arith.addi %get3A_370, %add3A_372 : vector<16xi32>
      %mul3A_374 = arith.constant 16 : i32
      %mul3A_375 = arith.muli %scan3A_58, %mul3A_374 : i32
      %add3A_376 = arith.constant 2432 : i32
      %add3A_377 = arith.addi %add3A_376, %mul3A_375 : i32
      %swap3A_378 = arith.index_cast %add3A_377 : i32 to index
      %swap3A_379 = tpu.vector_load %arg11[%swap3A_378] {strides = array<i32>} : memref<3328xi32, #tpu.memory_space<vmem>>, vector<16xi32>,
      %swap3A_380 = vector.shape_cast %swap3A_379 : vector<16xi32> to vector<16xi32>
      %swap3A_381 = vector.shape_cast %add3A_373 : vector<16xi32> to vector<16xi32>
      tpu.vector_store %arg11[%swap3A_378], %swap3A_381 {strides = array<i32>} : memref<3328xi32, #tpu.memory_space<vmem>>, vector<16xi32>,
      %get3A_382 = arith.constant 20 : i32
      %get3A_383 = arith.index_cast %get3A_382 : i32 to index
      %get3A_384 = arith.index_cast %add3A_62 : i32 to index
      %get3A_385 = tpu.vector_load %arg6[%get3A_383, %get3A_384] {strides = array<i32>} : memref<26x512xi32, #tpu.memory_space<vmem>>, vector<1x16xi32>,
      %get3A_386 = vector.shape_cast %get3A_385 : vector<1x16xi32> to vector<16xi32>
      %add3A_387 = arith.constant 2000000 : i32
      %add3A_388 = vector.broadcast %add3A_387 : i32 to vector<16xi32>
      %add3A_389 = arith.addi %get3A_386, %add3A_388 : vector<16xi32>
      %mul3A_390 = arith.constant 16 : i32
      %mul3A_391 = arith.muli %scan3A_58, %mul3A_390 : i32
      %add3A_392 = arith.constant 2560 : i32
      %add3A_393 = arith.addi %add3A_392, %mul3A_391 : i32
      %swap3A_394 = arith.index_cast %add3A_393 : i32 to index
      %swap3A_395 = tpu.vector_load %arg11[%swap3A_394] {strides = array<i32>} : memref<3328xi32, #tpu.memory_space<vmem>>, vector<16xi32>,
      %swap3A_396 = vector.shape_cast %swap3A_395 : vector<16xi32> to vector<16xi32>
      %swap3A_397 = vector.shape_cast %add3A_389 : vector<16xi32> to vector<16xi32>
      tpu.vector_store %arg11[%swap3A_394], %swap3A_397 {strides = array<i32>} : memref<3328xi32, #tpu.memory_space<vmem>>, vector<16xi32>,
      %get3A_398 = arith.constant 21 : i32
      %get3A_399 = arith.index_cast %get3A_398 : i32 to index
      %get3A_400 = arith.index_cast %add3A_62 : i32 to index
      %get3A_401 = tpu.vector_load %arg6[%get3A_399, %get3A_400] {strides = array<i32>} : memref<26x512xi32, #tpu.memory_space<vmem>>, vector<1x16xi32>,
      %get3A_402 = vector.shape_cast %get3A_401 : vector<1x16xi32> to vector<16xi32>
      %add3A_403 = arith.constant 2100000 : i32
      %add3A_404 = vector.broadcast %add3A_403 : i32 to vector<16xi32>
      %add3A_405 = arith.addi %get3A_402, %add3A_404 : vector<16xi32>
      %mul3A_406 = arith.constant 16 : i32
      %mul3A_407 = arith.muli %scan3A_58, %mul3A_406 : i32
      %add3A_408 = arith.constant 2688 : i32
      %add3A_409 = arith.addi %add3A_408, %mul3A_407 : i32
      %swap3A_410 = arith.index_cast %add3A_409 : i32 to index
      %swap3A_411 = tpu.vector_load %arg11[%swap3A_410] {strides = array<i32>} : memref<3328xi32, #tpu.memory_space<vmem>>, vector<16xi32>,
      %swap3A_412 = vector.shape_cast %swap3A_411 : vector<16xi32> to vector<16xi32>
      %swap3A_413 = vector.shape_cast %add3A_405 : vector<16xi32> to vector<16xi32>
      tpu.vector_store %arg11[%swap3A_410], %swap3A_413 {strides = array<i32>} : memref<3328xi32, #tpu.memory_space<vmem>>, vector<16xi32>,
      %get3A_414 = arith.constant 22 : i32
      %get3A_415 = arith.index_cast %get3A_414 : i32 to index
      %get3A_416 = arith.index_cast %add3A_62 : i32 to index
      %get3A_417 = tpu.vector_load %arg6[%get3A_415, %get3A_416] {strides = array<i32>} : memref<26x512xi32, #tpu.memory_space<vmem>>, vector<1x16xi32>,
      %get3A_418 = vector.shape_cast %get3A_417 : vector<1x16xi32> to vector<16xi32>
      %add3A_419 = arith.constant 2200000 : i32
      %add3A_420 = vector.broadcast %add3A_419 : i32 to vector<16xi32>
      %add3A_421 = arith.addi %get3A_418, %add3A_420 : vector<16xi32>
      %mul3A_422 = arith.constant 16 : i32
      %mul3A_423 = arith.muli %scan3A_58, %mul3A_422 : i32
      %add3A_424 = arith.constant 2816 : i32
      %add3A_425 = arith.addi %add3A_424, %mul3A_423 : i32
      %swap3A_426 = arith.index_cast %add3A_425 : i32 to index
      %swap3A_427 = tpu.vector_load %arg11[%swap3A_426] {strides = array<i32>} : memref<3328xi32, #tpu.memory_space<vmem>>, vector<16xi32>,
      %swap3A_428 = vector.shape_cast %swap3A_427 : vector<16xi32> to vector<16xi32>
      %swap3A_429 = vector.shape_cast %add3A_421 : vector<16xi32> to vector<16xi32>
      tpu.vector_store %arg11[%swap3A_426], %swap3A_429 {strides = array<i32>} : memref<3328xi32, #tpu.memory_space<vmem>>, vector<16xi32>,
      %get3A_430 = arith.constant 23 : i32
      %get3A_431 = arith.index_cast %get3A_430 : i32 to index
      %get3A_432 = arith.index_cast %add3A_62 : i32 to index
      %get3A_433 = tpu.vector_load %arg6[%get3A_431, %get3A_432] {strides = array<i32>} : memref<26x512xi32, #tpu.memory_space<vmem>>, vector<1x16xi32>,
      %get3A_434 = vector.shape_cast %get3A_433 : vector<1x16xi32> to vector<16xi32>
      %add3A_435 = arith.constant 2300000 : i32
      %add3A_436 = vector.broadcast %add3A_435 : i32 to vector<16xi32>
      %add3A_437 = arith.addi %get3A_434, %add3A_436 : vector<16xi32>
      %mul3A_438 = arith.constant 16 : i32
      %mul3A_439 = arith.muli %scan3A_58, %mul3A_438 : i32
      %add3A_440 = arith.constant 2944 : i32
      %add3A_441 = arith.addi %add3A_440, %mul3A_439 : i32
      %swap3A_442 = arith.index_cast %add3A_441 : i32 to index
      %swap3A_443 = tpu.vector_load %arg11[%swap3A_442] {strides = array<i32>} : memref<3328xi32, #tpu.memory_space<vmem>>, vector<16xi32>,
      %swap3A_444 = vector.shape_cast %swap3A_443 : vector<16xi32> to vector<16xi32>
      %swap3A_445 = vector.shape_cast %add3A_437 : vector<16xi32> to vector<16xi32>
      tpu.vector_store %arg11[%swap3A_442], %swap3A_445 {strides = array<i32>} : memref<3328xi32, #tpu.memory_space<vmem>>, vector<16xi32>,
      %get3A_446 = arith.constant 24 : i32
      %get3A_447 = arith.index_cast %get3A_446 : i32 to index
      %get3A_448 = arith.index_cast %add3A_62 : i32 to index
      %get3A_449 = tpu.vector_load %arg6[%get3A_447, %get3A_448] {strides = array<i32>} : memref<26x512xi32, #tpu.memory_space<vmem>>, vector<1x16xi32>,
      %get3A_450 = vector.shape_cast %get3A_449 : vector<1x16xi32> to vector<16xi32>
      %add3A_451 = arith.constant 2400000 : i32
      %add3A_452 = vector.broadcast %add3A_451 : i32 to vector<16xi32>
      %add3A_453 = arith.addi %get3A_450, %add3A_452 : vector<16xi32>
      %mul3A_454 = arith.constant 16 : i32
      %mul3A_455 = arith.muli %scan3A_58, %mul3A_454 : i32
      %add3A_456 = arith.constant 3072 : i32
      %add3A_457 = arith.addi %add3A_456, %mul3A_455 : i32
      %swap3A_458 = arith.index_cast %add3A_457 : i32 to index
      %swap3A_459 = tpu.vector_load %arg11[%swap3A_458] {strides = array<i32>} : memref<3328xi32, #tpu.memory_space<vmem>>, vector<16xi32>,
      %swap3A_460 = vector.shape_cast %swap3A_459 : vector<16xi32> to vector<16xi32>
      %swap3A_461 = vector.shape_cast %add3A_453 : vector<16xi32> to vector<16xi32>
      tpu.vector_store %arg11[%swap3A_458], %swap3A_461 {strides = array<i32>} : memref<3328xi32, #tpu.memory_space<vmem>>, vector<16xi32>,
      %get3A_462 = arith.constant 25 : i32
      %get3A_463 = arith.index_cast %get3A_462 : i32 to index
      %get3A_464 = arith.index_cast %add3A_62 : i32 to index
      %get3A_465 = tpu.vector_load %arg6[%get3A_463, %get3A_464] {strides = array<i32>} : memref<26x512xi32, #tpu.memory_space<vmem>>, vector<1x16xi32>,
      %get3A_466 = vector.shape_cast %get3A_465 : vector<1x16xi32> to vector<16xi32>
      %add3A_467 = arith.constant 2500000 : i32
      %add3A_468 = vector.broadcast %add3A_467 : i32 to vector<16xi32>
      %add3A_469 = arith.addi %get3A_466, %add3A_468 : vector<16xi32>
      %mul3A_470 = arith.constant 16 : i32
      %mul3A_471 = arith.muli %scan3A_58, %mul3A_470 : i32
      %add3A_472 = arith.constant 3200 : i32
      %add3A_473 = arith.addi %add3A_472, %mul3A_471 : i32
      %swap3A_474 = arith.index_cast %add3A_473 : i32 to index
      %swap3A_475 = tpu.vector_load %arg11[%swap3A_474] {strides = array<i32>} : memref<3328xi32, #tpu.memory_space<vmem>>, vector<16xi32>,
      %swap3A_476 = vector.shape_cast %swap3A_475 : vector<16xi32> to vector<16xi32>
      %swap3A_477 = vector.shape_cast %add3A_469 : vector<16xi32> to vector<16xi32>
      tpu.vector_store %arg11[%swap3A_474], %swap3A_477 {strides = array<i32>} : memref<3328xi32, #tpu.memory_space<vmem>>, vector<16xi32>,
    }
    %scan3A_19 = arith.constant 8 : i32
    %dma_start3A_20 = arith.constant 0 : i32
    %dma_start3A_21 = tpu.memref_slice %arg3[%dma_start3A_20] : memref<2600960xf32, #tpu.memory_space<hbm>> -> memref<2600960xf32, #tpu.memory_space<hbm>>
    tpu.enqueue_indirect_dma source(%dma_start3A_21 : memref<2600960xf32, #tpu.memory_space<hbm>>) target(%arg15 : memref<3328xf32, #tpu.memory_space<vmem>>) offsets(%arg11 : memref<3328xi32, #tpu.memory_space<vmem>>) semaphore(%arg19 : memref<!tpu.dma_semaphore, #tpu.memory_space<semaphore_mem>>)
    %scan3A_22 = arith.constant 0 : i32
    %scan3A_23 = arith.constant 8 : i32
    %scan3A_24 = arith.addi %scan3A_22, %scan3A_23 : i32
    %scan3A_25 = arith.constant 1 : i32
    scf.for %scan3A_58 = %scan3A_22 to %scan3A_24 step %scan3A_25  : i32 {
      %mul3A_59 = arith.constant 16 : i32
      %mul3A_60 = arith.muli %scan3A_58, %mul3A_59 : i32
      %add3A_61 = arith.constant 384 : i32
      %add3A_62 = arith.addi %add3A_61, %mul3A_60 : i32
      %get3A_63 = arith.constant 0 : i32
      %get3A_64 = arith.index_cast %get3A_63 : i32 to index
      %get3A_65 = arith.index_cast %add3A_62 : i32 to index
      %get3A_66 = tpu.vector_load %arg6[%get3A_64, %get3A_65] {strides = array<i32>} : memref<26x512xi32, #tpu.memory_space<vmem>>, vector<1x16xi32>,
      %get3A_67 = vector.shape_cast %get3A_66 : vector<1x16xi32> to vector<16xi32>
      %add3A_68 = arith.constant 0 : i32
      %add3A_69 = vector.broadcast %add3A_68 : i32 to vector<16xi32>
      %add3A_70 = arith.addi %get3A_67, %add3A_69 : vector<16xi32>
      %mul3A_71 = arith.constant 16 : i32
      %mul3A_72 = arith.muli %scan3A_58, %mul3A_71 : i32
      %add3A_73 = arith.constant 0 : i32
      %add3A_74 = arith.addi %add3A_73, %mul3A_72 : i32
      %swap3A = arith.index_cast %add3A_74 : i32 to index
      %swap3A_75 = tpu.vector_load %arg12[%swap3A] {strides = array<i32>} : memref<3328xi32, #tpu.memory_space<vmem>>, vector<16xi32>,
      %swap3A_76 = vector.shape_cast %swap3A_75 : vector<16xi32> to vector<16xi32>
      %swap3A_77 = vector.shape_cast %add3A_70 : vector<16xi32> to vector<16xi32>
      tpu.vector_store %arg12[%swap3A], %swap3A_77 {strides = array<i32>} : memref<3328xi32, #tpu.memory_space<vmem>>, vector<16xi32>,
      %get3A_78 = arith.constant 1 : i32
      %get3A_79 = arith.index_cast %get3A_78 : i32 to index
      %get3A_80 = arith.index_cast %add3A_62 : i32 to index
      %get3A_81 = tpu.vector_load %arg6[%get3A_79, %get3A_80] {strides = array<i32>} : memref<26x512xi32, #tpu.memory_space<vmem>>, vector<1x16xi32>,
      %get3A_82 = vector.shape_cast %get3A_81 : vector<1x16xi32> to vector<16xi32>
      %add3A_83 = arith.constant 100000 : i32
      %add3A_84 = vector.broadcast %add3A_83 : i32 to vector<16xi32>
      %add3A_85 = arith.addi %get3A_82, %add3A_84 : vector<16xi32>
      %mul3A_86 = arith.constant 16 : i32
      %mul3A_87 = arith.muli %scan3A_58, %mul3A_86 : i32
      %add3A_88 = arith.constant 128 : i32
      %add3A_89 = arith.addi %add3A_88, %mul3A_87 : i32
      %swap3A_90 = arith.index_cast %add3A_89 : i32 to index
      %swap3A_91 = tpu.vector_load %arg12[%swap3A_90] {strides = array<i32>} : memref<3328xi32, #tpu.memory_space<vmem>>, vector<16xi32>,
      %swap3A_92 = vector.shape_cast %swap3A_91 : vector<16xi32> to vector<16xi32>
      %swap3A_93 = vector.shape_cast %add3A_85 : vector<16xi32> to vector<16xi32>
      tpu.vector_store %arg12[%swap3A_90], %swap3A_93 {strides = array<i32>} : memref<3328xi32, #tpu.memory_space<vmem>>, vector<16xi32>,
      %get3A_94 = arith.constant 2 : i32
      %get3A_95 = arith.index_cast %get3A_94 : i32 to index
      %get3A_96 = arith.index_cast %add3A_62 : i32 to index
      %get3A_97 = tpu.vector_load %arg6[%get3A_95, %get3A_96] {strides = array<i32>} : memref<26x512xi32, #tpu.memory_space<vmem>>, vector<1x16xi32>,
      %get3A_98 = vector.shape_cast %get3A_97 : vector<1x16xi32> to vector<16xi32>
      %add3A_99 = arith.constant 200000 : i32
      %add3A_100 = vector.broadcast %add3A_99 : i32 to vector<16xi32>
      %add3A_101 = arith.addi %get3A_98, %add3A_100 : vector<16xi32>
      %mul3A_102 = arith.constant 16 : i32
      %mul3A_103 = arith.muli %scan3A_58, %mul3A_102 : i32
      %add3A_104 = arith.constant 256 : i32
      %add3A_105 = arith.addi %add3A_104, %mul3A_103 : i32
      %swap3A_106 = arith.index_cast %add3A_105 : i32 to index
      %swap3A_107 = tpu.vector_load %arg12[%swap3A_106] {strides = array<i32>} : memref<3328xi32, #tpu.memory_space<vmem>>, vector<16xi32>,
      %swap3A_108 = vector.shape_cast %swap3A_107 : vector<16xi32> to vector<16xi32>
      %swap3A_109 = vector.shape_cast %add3A_101 : vector<16xi32> to vector<16xi32>
      tpu.vector_store %arg12[%swap3A_106], %swap3A_109 {strides = array<i32>} : memref<3328xi32, #tpu.memory_space<vmem>>, vector<16xi32>,
      %get3A_110 = arith.constant 3 : i32
      %get3A_111 = arith.index_cast %get3A_110 : i32 to index
      %get3A_112 = arith.index_cast %add3A_62 : i32 to index
      %get3A_113 = tpu.vector_load %arg6[%get3A_111, %get3A_112] {strides = array<i32>} : memref<26x512xi32, #tpu.memory_space<vmem>>, vector<1x16xi32>,
      %get3A_114 = vector.shape_cast %get3A_113 : vector<1x16xi32> to vector<16xi32>
      %add3A_115 = arith.constant 300000 : i32
      %add3A_116 = vector.broadcast %add3A_115 : i32 to vector<16xi32>
      %add3A_117 = arith.addi %get3A_114, %add3A_116 : vector<16xi32>
      %mul3A_118 = arith.constant 16 : i32
      %mul3A_119 = arith.muli %scan3A_58, %mul3A_118 : i32
      %add3A_120 = arith.constant 384 : i32
      %add3A_121 = arith.addi %add3A_120, %mul3A_119 : i32
      %swap3A_122 = arith.index_cast %add3A_121 : i32 to index
      %swap3A_123 = tpu.vector_load %arg12[%swap3A_122] {strides = array<i32>} : memref<3328xi32, #tpu.memory_space<vmem>>, vector<16xi32>,
      %swap3A_124 = vector.shape_cast %swap3A_123 : vector<16xi32> to vector<16xi32>
      %swap3A_125 = vector.shape_cast %add3A_117 : vector<16xi32> to vector<16xi32>
      tpu.vector_store %arg12[%swap3A_122], %swap3A_125 {strides = array<i32>} : memref<3328xi32, #tpu.memory_space<vmem>>, vector<16xi32>,
      %get3A_126 = arith.constant 4 : i32
      %get3A_127 = arith.index_cast %get3A_126 : i32 to index
      %get3A_128 = arith.index_cast %add3A_62 : i32 to index
      %get3A_129 = tpu.vector_load %arg6[%get3A_127, %get3A_128] {strides = array<i32>} : memref<26x512xi32, #tpu.memory_space<vmem>>, vector<1x16xi32>,
      %get3A_130 = vector.shape_cast %get3A_129 : vector<1x16xi32> to vector<16xi32>
      %add3A_131 = arith.constant 400000 : i32
      %add3A_132 = vector.broadcast %add3A_131 : i32 to vector<16xi32>
      %add3A_133 = arith.addi %get3A_130, %add3A_132 : vector<16xi32>
      %mul3A_134 = arith.constant 16 : i32
      %mul3A_135 = arith.muli %scan3A_58, %mul3A_134 : i32
      %add3A_136 = arith.constant 512 : i32
      %add3A_137 = arith.addi %add3A_136, %mul3A_135 : i32
      %swap3A_138 = arith.index_cast %add3A_137 : i32 to index
      %swap3A_139 = tpu.vector_load %arg12[%swap3A_138] {strides = array<i32>} : memref<3328xi32, #tpu.memory_space<vmem>>, vector<16xi32>,
      %swap3A_140 = vector.shape_cast %swap3A_139 : vector<16xi32> to vector<16xi32>
      %swap3A_141 = vector.shape_cast %add3A_133 : vector<16xi32> to vector<16xi32>
      tpu.vector_store %arg12[%swap3A_138], %swap3A_141 {strides = array<i32>} : memref<3328xi32, #tpu.memory_space<vmem>>, vector<16xi32>,
      %get3A_142 = arith.constant 5 : i32
      %get3A_143 = arith.index_cast %get3A_142 : i32 to index
      %get3A_144 = arith.index_cast %add3A_62 : i32 to index
      %get3A_145 = tpu.vector_load %arg6[%get3A_143, %get3A_144] {strides = array<i32>} : memref<26x512xi32, #tpu.memory_space<vmem>>, vector<1x16xi32>,
      %get3A_146 = vector.shape_cast %get3A_145 : vector<1x16xi32> to vector<16xi32>
      %add3A_147 = arith.constant 500000 : i32
      %add3A_148 = vector.broadcast %add3A_147 : i32 to vector<16xi32>
      %add3A_149 = arith.addi %get3A_146, %add3A_148 : vector<16xi32>
      %mul3A_150 = arith.constant 16 : i32
      %mul3A_151 = arith.muli %scan3A_58, %mul3A_150 : i32
      %add3A_152 = arith.constant 640 : i32
      %add3A_153 = arith.addi %add3A_152, %mul3A_151 : i32
      %swap3A_154 = arith.index_cast %add3A_153 : i32 to index
      %swap3A_155 = tpu.vector_load %arg12[%swap3A_154] {strides = array<i32>} : memref<3328xi32, #tpu.memory_space<vmem>>, vector<16xi32>,
      %swap3A_156 = vector.shape_cast %swap3A_155 : vector<16xi32> to vector<16xi32>
      %swap3A_157 = vector.shape_cast %add3A_149 : vector<16xi32> to vector<16xi32>
      tpu.vector_store %arg12[%swap3A_154], %swap3A_157 {strides = array<i32>} : memref<3328xi32, #tpu.memory_space<vmem>>, vector<16xi32>,
      %get3A_158 = arith.constant 6 : i32
      %get3A_159 = arith.index_cast %get3A_158 : i32 to index
      %get3A_160 = arith.index_cast %add3A_62 : i32 to index
      %get3A_161 = tpu.vector_load %arg6[%get3A_159, %get3A_160] {strides = array<i32>} : memref<26x512xi32, #tpu.memory_space<vmem>>, vector<1x16xi32>,
      %get3A_162 = vector.shape_cast %get3A_161 : vector<1x16xi32> to vector<16xi32>
      %add3A_163 = arith.constant 600000 : i32
      %add3A_164 = vector.broadcast %add3A_163 : i32 to vector<16xi32>
      %add3A_165 = arith.addi %get3A_162, %add3A_164 : vector<16xi32>
      %mul3A_166 = arith.constant 16 : i32
      %mul3A_167 = arith.muli %scan3A_58, %mul3A_166 : i32
      %add3A_168 = arith.constant 768 : i32
      %add3A_169 = arith.addi %add3A_168, %mul3A_167 : i32
      %swap3A_170 = arith.index_cast %add3A_169 : i32 to index
      %swap3A_171 = tpu.vector_load %arg12[%swap3A_170] {strides = array<i32>} : memref<3328xi32, #tpu.memory_space<vmem>>, vector<16xi32>,
      %swap3A_172 = vector.shape_cast %swap3A_171 : vector<16xi32> to vector<16xi32>
      %swap3A_173 = vector.shape_cast %add3A_165 : vector<16xi32> to vector<16xi32>
      tpu.vector_store %arg12[%swap3A_170], %swap3A_173 {strides = array<i32>} : memref<3328xi32, #tpu.memory_space<vmem>>, vector<16xi32>,
      %get3A_174 = arith.constant 7 : i32
      %get3A_175 = arith.index_cast %get3A_174 : i32 to index
      %get3A_176 = arith.index_cast %add3A_62 : i32 to index
      %get3A_177 = tpu.vector_load %arg6[%get3A_175, %get3A_176] {strides = array<i32>} : memref<26x512xi32, #tpu.memory_space<vmem>>, vector<1x16xi32>,
      %get3A_178 = vector.shape_cast %get3A_177 : vector<1x16xi32> to vector<16xi32>
      %add3A_179 = arith.constant 700000 : i32
      %add3A_180 = vector.broadcast %add3A_179 : i32 to vector<16xi32>
      %add3A_181 = arith.addi %get3A_178, %add3A_180 : vector<16xi32>
      %mul3A_182 = arith.constant 16 : i32
      %mul3A_183 = arith.muli %scan3A_58, %mul3A_182 : i32
      %add3A_184 = arith.constant 896 : i32
      %add3A_185 = arith.addi %add3A_184, %mul3A_183 : i32
      %swap3A_186 = arith.index_cast %add3A_185 : i32 to index
      %swap3A_187 = tpu.vector_load %arg12[%swap3A_186] {strides = array<i32>} : memref<3328xi32, #tpu.memory_space<vmem>>, vector<16xi32>,
      %swap3A_188 = vector.shape_cast %swap3A_187 : vector<16xi32> to vector<16xi32>
      %swap3A_189 = vector.shape_cast %add3A_181 : vector<16xi32> to vector<16xi32>
      tpu.vector_store %arg12[%swap3A_186], %swap3A_189 {strides = array<i32>} : memref<3328xi32, #tpu.memory_space<vmem>>, vector<16xi32>,
      %get3A_190 = arith.constant 8 : i32
      %get3A_191 = arith.index_cast %get3A_190 : i32 to index
      %get3A_192 = arith.index_cast %add3A_62 : i32 to index
      %get3A_193 = tpu.vector_load %arg6[%get3A_191, %get3A_192] {strides = array<i32>} : memref<26x512xi32, #tpu.memory_space<vmem>>, vector<1x16xi32>,
      %get3A_194 = vector.shape_cast %get3A_193 : vector<1x16xi32> to vector<16xi32>
      %add3A_195 = arith.constant 800000 : i32
      %add3A_196 = vector.broadcast %add3A_195 : i32 to vector<16xi32>
      %add3A_197 = arith.addi %get3A_194, %add3A_196 : vector<16xi32>
      %mul3A_198 = arith.constant 16 : i32
      %mul3A_199 = arith.muli %scan3A_58, %mul3A_198 : i32
      %add3A_200 = arith.constant 1024 : i32
      %add3A_201 = arith.addi %add3A_200, %mul3A_199 : i32
      %swap3A_202 = arith.index_cast %add3A_201 : i32 to index
      %swap3A_203 = tpu.vector_load %arg12[%swap3A_202] {strides = array<i32>} : memref<3328xi32, #tpu.memory_space<vmem>>, vector<16xi32>,
      %swap3A_204 = vector.shape_cast %swap3A_203 : vector<16xi32> to vector<16xi32>
      %swap3A_205 = vector.shape_cast %add3A_197 : vector<16xi32> to vector<16xi32>
      tpu.vector_store %arg12[%swap3A_202], %swap3A_205 {strides = array<i32>} : memref<3328xi32, #tpu.memory_space<vmem>>, vector<16xi32>,
      %get3A_206 = arith.constant 9 : i32
      %get3A_207 = arith.index_cast %get3A_206 : i32 to index
      %get3A_208 = arith.index_cast %add3A_62 : i32 to index
      %get3A_209 = tpu.vector_load %arg6[%get3A_207, %get3A_208] {strides = array<i32>} : memref<26x512xi32, #tpu.memory_space<vmem>>, vector<1x16xi32>,
      %get3A_210 = vector.shape_cast %get3A_209 : vector<1x16xi32> to vector<16xi32>
      %add3A_211 = arith.constant 900000 : i32
      %add3A_212 = vector.broadcast %add3A_211 : i32 to vector<16xi32>
      %add3A_213 = arith.addi %get3A_210, %add3A_212 : vector<16xi32>
      %mul3A_214 = arith.constant 16 : i32
      %mul3A_215 = arith.muli %scan3A_58, %mul3A_214 : i32
      %add3A_216 = arith.constant 1152 : i32
      %add3A_217 = arith.addi %add3A_216, %mul3A_215 : i32
      %swap3A_218 = arith.index_cast %add3A_217 : i32 to index
      %swap3A_219 = tpu.vector_load %arg12[%swap3A_218] {strides = array<i32>} : memref<3328xi32, #tpu.memory_space<vmem>>, vector<16xi32>,
      %swap3A_220 = vector.shape_cast %swap3A_219 : vector<16xi32> to vector<16xi32>
      %swap3A_221 = vector.shape_cast %add3A_213 : vector<16xi32> to vector<16xi32>
      tpu.vector_store %arg12[%swap3A_218], %swap3A_221 {strides = array<i32>} : memref<3328xi32, #tpu.memory_space<vmem>>, vector<16xi32>,
      %get3A_222 = arith.constant 10 : i32
      %get3A_223 = arith.index_cast %get3A_222 : i32 to index
      %get3A_224 = arith.index_cast %add3A_62 : i32 to index
      %get3A_225 = tpu.vector_load %arg6[%get3A_223, %get3A_224] {strides = array<i32>} : memref<26x512xi32, #tpu.memory_space<vmem>>, vector<1x16xi32>,
      %get3A_226 = vector.shape_cast %get3A_225 : vector<1x16xi32> to vector<16xi32>
      %add3A_227 = arith.constant 1000000 : i32
      %add3A_228 = vector.broadcast %add3A_227 : i32 to vector<16xi32>
      %add3A_229 = arith.addi %get3A_226, %add3A_228 : vector<16xi32>
      %mul3A_230 = arith.constant 16 : i32
      %mul3A_231 = arith.muli %scan3A_58, %mul3A_230 : i32
      %add3A_232 = arith.constant 1280 : i32
      %add3A_233 = arith.addi %add3A_232, %mul3A_231 : i32
      %swap3A_234 = arith.index_cast %add3A_233 : i32 to index
      %swap3A_235 = tpu.vector_load %arg12[%swap3A_234] {strides = array<i32>} : memref<3328xi32, #tpu.memory_space<vmem>>, vector<16xi32>,
      %swap3A_236 = vector.shape_cast %swap3A_235 : vector<16xi32> to vector<16xi32>
      %swap3A_237 = vector.shape_cast %add3A_229 : vector<16xi32> to vector<16xi32>
      tpu.vector_store %arg12[%swap3A_234], %swap3A_237 {strides = array<i32>} : memref<3328xi32, #tpu.memory_space<vmem>>, vector<16xi32>,
      %get3A_238 = arith.constant 11 : i32
      %get3A_239 = arith.index_cast %get3A_238 : i32 to index
      %get3A_240 = arith.index_cast %add3A_62 : i32 to index
      %get3A_241 = tpu.vector_load %arg6[%get3A_239, %get3A_240] {strides = array<i32>} : memref<26x512xi32, #tpu.memory_space<vmem>>, vector<1x16xi32>,
      %get3A_242 = vector.shape_cast %get3A_241 : vector<1x16xi32> to vector<16xi32>
      %add3A_243 = arith.constant 1100000 : i32
      %add3A_244 = vector.broadcast %add3A_243 : i32 to vector<16xi32>
      %add3A_245 = arith.addi %get3A_242, %add3A_244 : vector<16xi32>
      %mul3A_246 = arith.constant 16 : i32
      %mul3A_247 = arith.muli %scan3A_58, %mul3A_246 : i32
      %add3A_248 = arith.constant 1408 : i32
      %add3A_249 = arith.addi %add3A_248, %mul3A_247 : i32
      %swap3A_250 = arith.index_cast %add3A_249 : i32 to index
      %swap3A_251 = tpu.vector_load %arg12[%swap3A_250] {strides = array<i32>} : memref<3328xi32, #tpu.memory_space<vmem>>, vector<16xi32>,
      %swap3A_252 = vector.shape_cast %swap3A_251 : vector<16xi32> to vector<16xi32>
      %swap3A_253 = vector.shape_cast %add3A_245 : vector<16xi32> to vector<16xi32>
      tpu.vector_store %arg12[%swap3A_250], %swap3A_253 {strides = array<i32>} : memref<3328xi32, #tpu.memory_space<vmem>>, vector<16xi32>,
      %get3A_254 = arith.constant 12 : i32
      %get3A_255 = arith.index_cast %get3A_254 : i32 to index
      %get3A_256 = arith.index_cast %add3A_62 : i32 to index
      %get3A_257 = tpu.vector_load %arg6[%get3A_255, %get3A_256] {strides = array<i32>} : memref<26x512xi32, #tpu.memory_space<vmem>>, vector<1x16xi32>,
      %get3A_258 = vector.shape_cast %get3A_257 : vector<1x16xi32> to vector<16xi32>
      %add3A_259 = arith.constant 1200000 : i32
      %add3A_260 = vector.broadcast %add3A_259 : i32 to vector<16xi32>
      %add3A_261 = arith.addi %get3A_258, %add3A_260 : vector<16xi32>
      %mul3A_262 = arith.constant 16 : i32
      %mul3A_263 = arith.muli %scan3A_58, %mul3A_262 : i32
      %add3A_264 = arith.constant 1536 : i32
      %add3A_265 = arith.addi %add3A_264, %mul3A_263 : i32
      %swap3A_266 = arith.index_cast %add3A_265 : i32 to index
      %swap3A_267 = tpu.vector_load %arg12[%swap3A_266] {strides = array<i32>} : memref<3328xi32, #tpu.memory_space<vmem>>, vector<16xi32>,
      %swap3A_268 = vector.shape_cast %swap3A_267 : vector<16xi32> to vector<16xi32>
      %swap3A_269 = vector.shape_cast %add3A_261 : vector<16xi32> to vector<16xi32>
      tpu.vector_store %arg12[%swap3A_266], %swap3A_269 {strides = array<i32>} : memref<3328xi32, #tpu.memory_space<vmem>>, vector<16xi32>,
      %get3A_270 = arith.constant 13 : i32
      %get3A_271 = arith.index_cast %get3A_270 : i32 to index
      %get3A_272 = arith.index_cast %add3A_62 : i32 to index
      %get3A_273 = tpu.vector_load %arg6[%get3A_271, %get3A_272] {strides = array<i32>} : memref<26x512xi32, #tpu.memory_space<vmem>>, vector<1x16xi32>,
      %get3A_274 = vector.shape_cast %get3A_273 : vector<1x16xi32> to vector<16xi32>
      %add3A_275 = arith.constant 1300000 : i32
      %add3A_276 = vector.broadcast %add3A_275 : i32 to vector<16xi32>
      %add3A_277 = arith.addi %get3A_274, %add3A_276 : vector<16xi32>
      %mul3A_278 = arith.constant 16 : i32
      %mul3A_279 = arith.muli %scan3A_58, %mul3A_278 : i32
      %add3A_280 = arith.constant 1664 : i32
      %add3A_281 = arith.addi %add3A_280, %mul3A_279 : i32
      %swap3A_282 = arith.index_cast %add3A_281 : i32 to index
      %swap3A_283 = tpu.vector_load %arg12[%swap3A_282] {strides = array<i32>} : memref<3328xi32, #tpu.memory_space<vmem>>, vector<16xi32>,
      %swap3A_284 = vector.shape_cast %swap3A_283 : vector<16xi32> to vector<16xi32>
      %swap3A_285 = vector.shape_cast %add3A_277 : vector<16xi32> to vector<16xi32>
      tpu.vector_store %arg12[%swap3A_282], %swap3A_285 {strides = array<i32>} : memref<3328xi32, #tpu.memory_space<vmem>>, vector<16xi32>,
      %get3A_286 = arith.constant 14 : i32
      %get3A_287 = arith.index_cast %get3A_286 : i32 to index
      %get3A_288 = arith.index_cast %add3A_62 : i32 to index
      %get3A_289 = tpu.vector_load %arg6[%get3A_287, %get3A_288] {strides = array<i32>} : memref<26x512xi32, #tpu.memory_space<vmem>>, vector<1x16xi32>,
      %get3A_290 = vector.shape_cast %get3A_289 : vector<1x16xi32> to vector<16xi32>
      %add3A_291 = arith.constant 1400000 : i32
      %add3A_292 = vector.broadcast %add3A_291 : i32 to vector<16xi32>
      %add3A_293 = arith.addi %get3A_290, %add3A_292 : vector<16xi32>
      %mul3A_294 = arith.constant 16 : i32
      %mul3A_295 = arith.muli %scan3A_58, %mul3A_294 : i32
      %add3A_296 = arith.constant 1792 : i32
      %add3A_297 = arith.addi %add3A_296, %mul3A_295 : i32
      %swap3A_298 = arith.index_cast %add3A_297 : i32 to index
      %swap3A_299 = tpu.vector_load %arg12[%swap3A_298] {strides = array<i32>} : memref<3328xi32, #tpu.memory_space<vmem>>, vector<16xi32>,
      %swap3A_300 = vector.shape_cast %swap3A_299 : vector<16xi32> to vector<16xi32>
      %swap3A_301 = vector.shape_cast %add3A_293 : vector<16xi32> to vector<16xi32>
      tpu.vector_store %arg12[%swap3A_298], %swap3A_301 {strides = array<i32>} : memref<3328xi32, #tpu.memory_space<vmem>>, vector<16xi32>,
      %get3A_302 = arith.constant 15 : i32
      %get3A_303 = arith.index_cast %get3A_302 : i32 to index
      %get3A_304 = arith.index_cast %add3A_62 : i32 to index
      %get3A_305 = tpu.vector_load %arg6[%get3A_303, %get3A_304] {strides = array<i32>} : memref<26x512xi32, #tpu.memory_space<vmem>>, vector<1x16xi32>,
      %get3A_306 = vector.shape_cast %get3A_305 : vector<1x16xi32> to vector<16xi32>
      %add3A_307 = arith.constant 1500000 : i32
      %add3A_308 = vector.broadcast %add3A_307 : i32 to vector<16xi32>
      %add3A_309 = arith.addi %get3A_306, %add3A_308 : vector<16xi32>
      %mul3A_310 = arith.constant 16 : i32
      %mul3A_311 = arith.muli %scan3A_58, %mul3A_310 : i32
      %add3A_312 = arith.constant 1920 : i32
      %add3A_313 = arith.addi %add3A_312, %mul3A_311 : i32
      %swap3A_314 = arith.index_cast %add3A_313 : i32 to index
      %swap3A_315 = tpu.vector_load %arg12[%swap3A_314] {strides = array<i32>} : memref<3328xi32, #tpu.memory_space<vmem>>, vector<16xi32>,
      %swap3A_316 = vector.shape_cast %swap3A_315 : vector<16xi32> to vector<16xi32>
      %swap3A_317 = vector.shape_cast %add3A_309 : vector<16xi32> to vector<16xi32>
      tpu.vector_store %arg12[%swap3A_314], %swap3A_317 {strides = array<i32>} : memref<3328xi32, #tpu.memory_space<vmem>>, vector<16xi32>,
      %get3A_318 = arith.constant 16 : i32
      %get3A_319 = arith.index_cast %get3A_318 : i32 to index
      %get3A_320 = arith.index_cast %add3A_62 : i32 to index
      %get3A_321 = tpu.vector_load %arg6[%get3A_319, %get3A_320] {strides = array<i32>} : memref<26x512xi32, #tpu.memory_space<vmem>>, vector<1x16xi32>,
      %get3A_322 = vector.shape_cast %get3A_321 : vector<1x16xi32> to vector<16xi32>
      %add3A_323 = arith.constant 1600000 : i32
      %add3A_324 = vector.broadcast %add3A_323 : i32 to vector<16xi32>
      %add3A_325 = arith.addi %get3A_322, %add3A_324 : vector<16xi32>
      %mul3A_326 = arith.constant 16 : i32
      %mul3A_327 = arith.muli %scan3A_58, %mul3A_326 : i32
      %add3A_328 = arith.constant 2048 : i32
      %add3A_329 = arith.addi %add3A_328, %mul3A_327 : i32
      %swap3A_330 = arith.index_cast %add3A_329 : i32 to index
      %swap3A_331 = tpu.vector_load %arg12[%swap3A_330] {strides = array<i32>} : memref<3328xi32, #tpu.memory_space<vmem>>, vector<16xi32>,
      %swap3A_332 = vector.shape_cast %swap3A_331 : vector<16xi32> to vector<16xi32>
      %swap3A_333 = vector.shape_cast %add3A_325 : vector<16xi32> to vector<16xi32>
      tpu.vector_store %arg12[%swap3A_330], %swap3A_333 {strides = array<i32>} : memref<3328xi32, #tpu.memory_space<vmem>>, vector<16xi32>,
      %get3A_334 = arith.constant 17 : i32
      %get3A_335 = arith.index_cast %get3A_334 : i32 to index
      %get3A_336 = arith.index_cast %add3A_62 : i32 to index
      %get3A_337 = tpu.vector_load %arg6[%get3A_335, %get3A_336] {strides = array<i32>} : memref<26x512xi32, #tpu.memory_space<vmem>>, vector<1x16xi32>,
      %get3A_338 = vector.shape_cast %get3A_337 : vector<1x16xi32> to vector<16xi32>
      %add3A_339 = arith.constant 1700000 : i32
      %add3A_340 = vector.broadcast %add3A_339 : i32 to vector<16xi32>
      %add3A_341 = arith.addi %get3A_338, %add3A_340 : vector<16xi32>
      %mul3A_342 = arith.constant 16 : i32
      %mul3A_343 = arith.muli %scan3A_58, %mul3A_342 : i32
      %add3A_344 = arith.constant 2176 : i32
      %add3A_345 = arith.addi %add3A_344, %mul3A_343 : i32
      %swap3A_346 = arith.index_cast %add3A_345 : i32 to index
      %swap3A_347 = tpu.vector_load %arg12[%swap3A_346] {strides = array<i32>} : memref<3328xi32, #tpu.memory_space<vmem>>, vector<16xi32>,
      %swap3A_348 = vector.shape_cast %swap3A_347 : vector<16xi32> to vector<16xi32>
      %swap3A_349 = vector.shape_cast %add3A_341 : vector<16xi32> to vector<16xi32>
      tpu.vector_store %arg12[%swap3A_346], %swap3A_349 {strides = array<i32>} : memref<3328xi32, #tpu.memory_space<vmem>>, vector<16xi32>,
      %get3A_350 = arith.constant 18 : i32
      %get3A_351 = arith.index_cast %get3A_350 : i32 to index
      %get3A_352 = arith.index_cast %add3A_62 : i32 to index
      %get3A_353 = tpu.vector_load %arg6[%get3A_351, %get3A_352] {strides = array<i32>} : memref<26x512xi32, #tpu.memory_space<vmem>>, vector<1x16xi32>,
      %get3A_354 = vector.shape_cast %get3A_353 : vector<1x16xi32> to vector<16xi32>
      %add3A_355 = arith.constant 1800000 : i32
      %add3A_356 = vector.broadcast %add3A_355 : i32 to vector<16xi32>
      %add3A_357 = arith.addi %get3A_354, %add3A_356 : vector<16xi32>
      %mul3A_358 = arith.constant 16 : i32
      %mul3A_359 = arith.muli %scan3A_58, %mul3A_358 : i32
      %add3A_360 = arith.constant 2304 : i32
      %add3A_361 = arith.addi %add3A_360, %mul3A_359 : i32
      %swap3A_362 = arith.index_cast %add3A_361 : i32 to index
      %swap3A_363 = tpu.vector_load %arg12[%swap3A_362] {strides = array<i32>} : memref<3328xi32, #tpu.memory_space<vmem>>, vector<16xi32>,
      %swap3A_364 = vector.shape_cast %swap3A_363 : vector<16xi32> to vector<16xi32>
      %swap3A_365 = vector.shape_cast %add3A_357 : vector<16xi32> to vector<16xi32>
      tpu.vector_store %arg12[%swap3A_362], %swap3A_365 {strides = array<i32>} : memref<3328xi32, #tpu.memory_space<vmem>>, vector<16xi32>,
      %get3A_366 = arith.constant 19 : i32
      %get3A_367 = arith.index_cast %get3A_366 : i32 to index
      %get3A_368 = arith.index_cast %add3A_62 : i32 to index
      %get3A_369 = tpu.vector_load %arg6[%get3A_367, %get3A_368] {strides = array<i32>} : memref<26x512xi32, #tpu.memory_space<vmem>>, vector<1x16xi32>,
      %get3A_370 = vector.shape_cast %get3A_369 : vector<1x16xi32> to vector<16xi32>
      %add3A_371 = arith.constant 1900000 : i32
      %add3A_372 = vector.broadcast %add3A_371 : i32 to vector<16xi32>
      %add3A_373 = arith.addi %get3A_370, %add3A_372 : vector<16xi32>
      %mul3A_374 = arith.constant 16 : i32
      %mul3A_375 = arith.muli %scan3A_58, %mul3A_374 : i32
      %add3A_376 = arith.constant 2432 : i32
      %add3A_377 = arith.addi %add3A_376, %mul3A_375 : i32
      %swap3A_378 = arith.index_cast %add3A_377 : i32 to index
      %swap3A_379 = tpu.vector_load %arg12[%swap3A_378] {strides = array<i32>} : memref<3328xi32, #tpu.memory_space<vmem>>, vector<16xi32>,
      %swap3A_380 = vector.shape_cast %swap3A_379 : vector<16xi32> to vector<16xi32>
      %swap3A_381 = vector.shape_cast %add3A_373 : vector<16xi32> to vector<16xi32>
      tpu.vector_store %arg12[%swap3A_378], %swap3A_381 {strides = array<i32>} : memref<3328xi32, #tpu.memory_space<vmem>>, vector<16xi32>,
      %get3A_382 = arith.constant 20 : i32
      %get3A_383 = arith.index_cast %get3A_382 : i32 to index
      %get3A_384 = arith.index_cast %add3A_62 : i32 to index
      %get3A_385 = tpu.vector_load %arg6[%get3A_383, %get3A_384] {strides = array<i32>} : memref<26x512xi32, #tpu.memory_space<vmem>>, vector<1x16xi32>,
      %get3A_386 = vector.shape_cast %get3A_385 : vector<1x16xi32> to vector<16xi32>
      %add3A_387 = arith.constant 2000000 : i32
      %add3A_388 = vector.broadcast %add3A_387 : i32 to vector<16xi32>
      %add3A_389 = arith.addi %get3A_386, %add3A_388 : vector<16xi32>
      %mul3A_390 = arith.constant 16 : i32
      %mul3A_391 = arith.muli %scan3A_58, %mul3A_390 : i32
      %add3A_392 = arith.constant 2560 : i32
      %add3A_393 = arith.addi %add3A_392, %mul3A_391 : i32
      %swap3A_394 = arith.index_cast %add3A_393 : i32 to index
      %swap3A_395 = tpu.vector_load %arg12[%swap3A_394] {strides = array<i32>} : memref<3328xi32, #tpu.memory_space<vmem>>, vector<16xi32>,
      %swap3A_396 = vector.shape_cast %swap3A_395 : vector<16xi32> to vector<16xi32>
      %swap3A_397 = vector.shape_cast %add3A_389 : vector<16xi32> to vector<16xi32>
      tpu.vector_store %arg12[%swap3A_394], %swap3A_397 {strides = array<i32>} : memref<3328xi32, #tpu.memory_space<vmem>>, vector<16xi32>,
      %get3A_398 = arith.constant 21 : i32
      %get3A_399 = arith.index_cast %get3A_398 : i32 to index
      %get3A_400 = arith.index_cast %add3A_62 : i32 to index
      %get3A_401 = tpu.vector_load %arg6[%get3A_399, %get3A_400] {strides = array<i32>} : memref<26x512xi32, #tpu.memory_space<vmem>>, vector<1x16xi32>,
      %get3A_402 = vector.shape_cast %get3A_401 : vector<1x16xi32> to vector<16xi32>
      %add3A_403 = arith.constant 2100000 : i32
      %add3A_404 = vector.broadcast %add3A_403 : i32 to vector<16xi32>
      %add3A_405 = arith.addi %get3A_402, %add3A_404 : vector<16xi32>
      %mul3A_406 = arith.constant 16 : i32
      %mul3A_407 = arith.muli %scan3A_58, %mul3A_406 : i32
      %add3A_408 = arith.constant 2688 : i32
      %add3A_409 = arith.addi %add3A_408, %mul3A_407 : i32
      %swap3A_410 = arith.index_cast %add3A_409 : i32 to index
      %swap3A_411 = tpu.vector_load %arg12[%swap3A_410] {strides = array<i32>} : memref<3328xi32, #tpu.memory_space<vmem>>, vector<16xi32>,
      %swap3A_412 = vector.shape_cast %swap3A_411 : vector<16xi32> to vector<16xi32>
      %swap3A_413 = vector.shape_cast %add3A_405 : vector<16xi32> to vector<16xi32>
      tpu.vector_store %arg12[%swap3A_410], %swap3A_413 {strides = array<i32>} : memref<3328xi32, #tpu.memory_space<vmem>>, vector<16xi32>,
      %get3A_414 = arith.constant 22 : i32
      %get3A_415 = arith.index_cast %get3A_414 : i32 to index
      %get3A_416 = arith.index_cast %add3A_62 : i32 to index
      %get3A_417 = tpu.vector_load %arg6[%get3A_415, %get3A_416] {strides = array<i32>} : memref<26x512xi32, #tpu.memory_space<vmem>>, vector<1x16xi32>,
      %get3A_418 = vector.shape_cast %get3A_417 : vector<1x16xi32> to vector<16xi32>
      %add3A_419 = arith.constant 2200000 : i32
      %add3A_420 = vector.broadcast %add3A_419 : i32 to vector<16xi32>
      %add3A_421 = arith.addi %get3A_418, %add3A_420 : vector<16xi32>
      %mul3A_422 = arith.constant 16 : i32
      %mul3A_423 = arith.muli %scan3A_58, %mul3A_422 : i32
      %add3A_424 = arith.constant 2816 : i32
      %add3A_425 = arith.addi %add3A_424, %mul3A_423 : i32
      %swap3A_426 = arith.index_cast %add3A_425 : i32 to index
      %swap3A_427 = tpu.vector_load %arg12[%swap3A_426] {strides = array<i32>} : memref<3328xi32, #tpu.memory_space<vmem>>, vector<16xi32>,
      %swap3A_428 = vector.shape_cast %swap3A_427 : vector<16xi32> to vector<16xi32>
      %swap3A_429 = vector.shape_cast %add3A_421 : vector<16xi32> to vector<16xi32>
      tpu.vector_store %arg12[%swap3A_426], %swap3A_429 {strides = array<i32>} : memref<3328xi32, #tpu.memory_space<vmem>>, vector<16xi32>,
      %get3A_430 = arith.constant 23 : i32
      %get3A_431 = arith.index_cast %get3A_430 : i32 to index
      %get3A_432 = arith.index_cast %add3A_62 : i32 to index
      %get3A_433 = tpu.vector_load %arg6[%get3A_431, %get3A_432] {strides = array<i32>} : memref<26x512xi32, #tpu.memory_space<vmem>>, vector<1x16xi32>,
      %get3A_434 = vector.shape_cast %get3A_433 : vector<1x16xi32> to vector<16xi32>
      %add3A_435 = arith.constant 2300000 : i32
      %add3A_436 = vector.broadcast %add3A_435 : i32 to vector<16xi32>
      %add3A_437 = arith.addi %get3A_434, %add3A_436 : vector<16xi32>
      %mul3A_438 = arith.constant 16 : i32
      %mul3A_439 = arith.muli %scan3A_58, %mul3A_438 : i32
      %add3A_440 = arith.constant 2944 : i32
      %add3A_441 = arith.addi %add3A_440, %mul3A_439 : i32
      %swap3A_442 = arith.index_cast %add3A_441 : i32 to index
      %swap3A_443 = tpu.vector_load %arg12[%swap3A_442] {strides = array<i32>} : memref<3328xi32, #tpu.memory_space<vmem>>, vector<16xi32>,
      %swap3A_444 = vector.shape_cast %swap3A_443 : vector<16xi32> to vector<16xi32>
      %swap3A_445 = vector.shape_cast %add3A_437 : vector<16xi32> to vector<16xi32>
      tpu.vector_store %arg12[%swap3A_442], %swap3A_445 {strides = array<i32>} : memref<3328xi32, #tpu.memory_space<vmem>>, vector<16xi32>,
      %get3A_446 = arith.constant 24 : i32
      %get3A_447 = arith.index_cast %get3A_446 : i32 to index
      %get3A_448 = arith.index_cast %add3A_62 : i32 to index
      %get3A_449 = tpu.vector_load %arg6[%get3A_447, %get3A_448] {strides = array<i32>} : memref<26x512xi32, #tpu.memory_space<vmem>>, vector<1x16xi32>,
      %get3A_450 = vector.shape_cast %get3A_449 : vector<1x16xi32> to vector<16xi32>
      %add3A_451 = arith.constant 2400000 : i32
      %add3A_452 = vector.broadcast %add3A_451 : i32 to vector<16xi32>
      %add3A_453 = arith.addi %get3A_450, %add3A_452 : vector<16xi32>
      %mul3A_454 = arith.constant 16 : i32
      %mul3A_455 = arith.muli %scan3A_58, %mul3A_454 : i32
      %add3A_456 = arith.constant 3072 : i32
      %add3A_457 = arith.addi %add3A_456, %mul3A_455 : i32
      %swap3A_458 = arith.index_cast %add3A_457 : i32 to index
      %swap3A_459 = tpu.vector_load %arg12[%swap3A_458] {strides = array<i32>} : memref<3328xi32, #tpu.memory_space<vmem>>, vector<16xi32>,
      %swap3A_460 = vector.shape_cast %swap3A_459 : vector<16xi32> to vector<16xi32>
      %swap3A_461 = vector.shape_cast %add3A_453 : vector<16xi32> to vector<16xi32>
      tpu.vector_store %arg12[%swap3A_458], %swap3A_461 {strides = array<i32>} : memref<3328xi32, #tpu.memory_space<vmem>>, vector<16xi32>,
      %get3A_462 = arith.constant 25 : i32
      %get3A_463 = arith.index_cast %get3A_462 : i32 to index
      %get3A_464 = arith.index_cast %add3A_62 : i32 to index
      %get3A_465 = tpu.vector_load %arg6[%get3A_463, %get3A_464] {strides = array<i32>} : memref<26x512xi32, #tpu.memory_space<vmem>>, vector<1x16xi32>,
      %get3A_466 = vector.shape_cast %get3A_465 : vector<1x16xi32> to vector<16xi32>
      %add3A_467 = arith.constant 2500000 : i32
      %add3A_468 = vector.broadcast %add3A_467 : i32 to vector<16xi32>
      %add3A_469 = arith.addi %get3A_466, %add3A_468 : vector<16xi32>
      %mul3A_470 = arith.constant 16 : i32
      %mul3A_471 = arith.muli %scan3A_58, %mul3A_470 : i32
      %add3A_472 = arith.constant 3200 : i32
      %add3A_473 = arith.addi %add3A_472, %mul3A_471 : i32
      %swap3A_474 = arith.index_cast %add3A_473 : i32 to index
      %swap3A_475 = tpu.vector_load %arg12[%swap3A_474] {strides = array<i32>} : memref<3328xi32, #tpu.memory_space<vmem>>, vector<16xi32>,
      %swap3A_476 = vector.shape_cast %swap3A_475 : vector<16xi32> to vector<16xi32>
      %swap3A_477 = vector.shape_cast %add3A_469 : vector<16xi32> to vector<16xi32>
      tpu.vector_store %arg12[%swap3A_474], %swap3A_477 {strides = array<i32>} : memref<3328xi32, #tpu.memory_space<vmem>>, vector<16xi32>,
    }
    %scan3A_26 = arith.constant 8 : i32
    %dma_start3A_27 = arith.constant 0 : i32
    %dma_start3A_28 = tpu.memref_slice %arg3[%dma_start3A_27] : memref<2600960xf32, #tpu.memory_space<hbm>> -> memref<2600960xf32, #tpu.memory_space<hbm>>
    tpu.enqueue_indirect_dma source(%dma_start3A_28 : memref<2600960xf32, #tpu.memory_space<hbm>>) target(%arg16 : memref<3328xf32, #tpu.memory_space<vmem>>) offsets(%arg12 : memref<3328xi32, #tpu.memory_space<vmem>>) semaphore(%arg20 : memref<!tpu.dma_semaphore, #tpu.memory_space<semaphore_mem>>)
    %get3A = arith.constant 0 : index
    %get3A_29 = tpu.vector_load %arg8[%get3A] {strides = array<i32>} : memref<16xf32, #tpu.memory_space<vmem>>, vector<16xf32>,
    %get3A_30 = vector.shape_cast %get3A_29 : vector<16xf32> to vector<16xf32>
    %dma_wait3A = arith.constant 0 : i32
    %dma_wait3A_31 = tpu.memref_slice %arg3[%dma_wait3A] : memref<2600960xf32, #tpu.memory_space<hbm>> -> memref<2600960xf32, #tpu.memory_space<hbm>>
    tpu.wait_indirect_dma semaphore(%arg17 : memref<!tpu.dma_semaphore, #tpu.memory_space<semaphore_mem>>) src(%dma_wait3A_31 : memref<2600960xf32, #tpu.memory_space<hbm>>) dst(%arg13 : memref<3328xf32, #tpu.memory_space<vmem>>)
    %scan3A_32 = arith.constant 0 : i32
    %scan3A_33 = arith.constant 8 : i32
    %scan3A_34 = arith.addi %scan3A_32, %scan3A_33 : i32
    %scan3A_35 = arith.constant 1 : i32
    scf.for %scan3A_58 = %scan3A_32 to %scan3A_34 step %scan3A_35  : i32 {
      %mul3A_59 = arith.constant 16 : i32
      %mul3A_60 = arith.muli %scan3A_58, %mul3A_59 : i32
      %add3A_61 = arith.constant 0 : i32
      %add3A_62 = arith.addi %add3A_61, %mul3A_60 : i32
      %get3A_63 = arith.index_cast %add3A_62 : i32 to index
      %get3A_64 = tpu.vector_load %arg13[%get3A_63] {strides = array<i32>} : memref<3328xf32, #tpu.memory_space<vmem>>, vector<16xf32>,
      %get3A_65 = vector.shape_cast %get3A_64 : vector<16xf32> to vector<16xf32>
      %add3A_66 = arith.addf %get3A_30, %get3A_65 : vector<16xf32>
      %mul3A_67 = arith.constant 16 : i32
      %mul3A_68 = arith.muli %scan3A_58, %mul3A_67 : i32
      %add3A_69 = arith.constant 128 : i32
      %add3A_70 = arith.addi %add3A_69, %mul3A_68 : i32
      %get3A_71 = arith.index_cast %add3A_70 : i32 to index
      %get3A_72 = tpu.vector_load %arg13[%get3A_71] {strides = array<i32>} : memref<3328xf32, #tpu.memory_space<vmem>>, vector<16xf32>,
      %get3A_73 = vector.shape_cast %get3A_72 : vector<16xf32> to vector<16xf32>
      %add3A_74 = arith.addf %add3A_66, %get3A_73 : vector<16xf32>
      %mul3A_75 = arith.constant 16 : i32
      %mul3A_76 = arith.muli %scan3A_58, %mul3A_75 : i32
      %add3A_77 = arith.constant 256 : i32
      %add3A_78 = arith.addi %add3A_77, %mul3A_76 : i32
      %get3A_79 = arith.index_cast %add3A_78 : i32 to index
      %get3A_80 = tpu.vector_load %arg13[%get3A_79] {strides = array<i32>} : memref<3328xf32, #tpu.memory_space<vmem>>, vector<16xf32>,
      %get3A_81 = vector.shape_cast %get3A_80 : vector<16xf32> to vector<16xf32>
      %add3A_82 = arith.addf %add3A_74, %get3A_81 : vector<16xf32>
      %mul3A_83 = arith.constant 16 : i32
      %mul3A_84 = arith.muli %scan3A_58, %mul3A_83 : i32
      %add3A_85 = arith.constant 384 : i32
      %add3A_86 = arith.addi %add3A_85, %mul3A_84 : i32
      %get3A_87 = arith.index_cast %add3A_86 : i32 to index
      %get3A_88 = tpu.vector_load %arg13[%get3A_87] {strides = array<i32>} : memref<3328xf32, #tpu.memory_space<vmem>>, vector<16xf32>,
      %get3A_89 = vector.shape_cast %get3A_88 : vector<16xf32> to vector<16xf32>
      %add3A_90 = arith.addf %add3A_82, %get3A_89 : vector<16xf32>
      %mul3A_91 = arith.constant 16 : i32
      %mul3A_92 = arith.muli %scan3A_58, %mul3A_91 : i32
      %add3A_93 = arith.constant 512 : i32
      %add3A_94 = arith.addi %add3A_93, %mul3A_92 : i32
      %get3A_95 = arith.index_cast %add3A_94 : i32 to index
      %get3A_96 = tpu.vector_load %arg13[%get3A_95] {strides = array<i32>} : memref<3328xf32, #tpu.memory_space<vmem>>, vector<16xf32>,
      %get3A_97 = vector.shape_cast %get3A_96 : vector<16xf32> to vector<16xf32>
      %add3A_98 = arith.addf %add3A_90, %get3A_97 : vector<16xf32>
      %mul3A_99 = arith.constant 16 : i32
      %mul3A_100 = arith.muli %scan3A_58, %mul3A_99 : i32
      %add3A_101 = arith.constant 640 : i32
      %add3A_102 = arith.addi %add3A_101, %mul3A_100 : i32
      %get3A_103 = arith.index_cast %add3A_102 : i32 to index
      %get3A_104 = tpu.vector_load %arg13[%get3A_103] {strides = array<i32>} : memref<3328xf32, #tpu.memory_space<vmem>>, vector<16xf32>,
      %get3A_105 = vector.shape_cast %get3A_104 : vector<16xf32> to vector<16xf32>
      %add3A_106 = arith.addf %add3A_98, %get3A_105 : vector<16xf32>
      %mul3A_107 = arith.constant 16 : i32
      %mul3A_108 = arith.muli %scan3A_58, %mul3A_107 : i32
      %add3A_109 = arith.constant 768 : i32
      %add3A_110 = arith.addi %add3A_109, %mul3A_108 : i32
      %get3A_111 = arith.index_cast %add3A_110 : i32 to index
      %get3A_112 = tpu.vector_load %arg13[%get3A_111] {strides = array<i32>} : memref<3328xf32, #tpu.memory_space<vmem>>, vector<16xf32>,
      %get3A_113 = vector.shape_cast %get3A_112 : vector<16xf32> to vector<16xf32>
      %add3A_114 = arith.addf %add3A_106, %get3A_113 : vector<16xf32>
      %mul3A_115 = arith.constant 16 : i32
      %mul3A_116 = arith.muli %scan3A_58, %mul3A_115 : i32
      %add3A_117 = arith.constant 896 : i32
      %add3A_118 = arith.addi %add3A_117, %mul3A_116 : i32
      %get3A_119 = arith.index_cast %add3A_118 : i32 to index
      %get3A_120 = tpu.vector_load %arg13[%get3A_119] {strides = array<i32>} : memref<3328xf32, #tpu.memory_space<vmem>>, vector<16xf32>,
      %get3A_121 = vector.shape_cast %get3A_120 : vector<16xf32> to vector<16xf32>
      %add3A_122 = arith.addf %add3A_114, %get3A_121 : vector<16xf32>
      %mul3A_123 = arith.constant 16 : i32
      %mul3A_124 = arith.muli %scan3A_58, %mul3A_123 : i32
      %add3A_125 = arith.constant 1024 : i32
      %add3A_126 = arith.addi %add3A_125, %mul3A_124 : i32
      %get3A_127 = arith.index_cast %add3A_126 : i32 to index
      %get3A_128 = tpu.vector_load %arg13[%get3A_127] {strides = array<i32>} : memref<3328xf32, #tpu.memory_space<vmem>>, vector<16xf32>,
      %get3A_129 = vector.shape_cast %get3A_128 : vector<16xf32> to vector<16xf32>
      %add3A_130 = arith.addf %add3A_122, %get3A_129 : vector<16xf32>
      %mul3A_131 = arith.constant 16 : i32
      %mul3A_132 = arith.muli %scan3A_58, %mul3A_131 : i32
      %add3A_133 = arith.constant 1152 : i32
      %add3A_134 = arith.addi %add3A_133, %mul3A_132 : i32
      %get3A_135 = arith.index_cast %add3A_134 : i32 to index
      %get3A_136 = tpu.vector_load %arg13[%get3A_135] {strides = array<i32>} : memref<3328xf32, #tpu.memory_space<vmem>>, vector<16xf32>,
      %get3A_137 = vector.shape_cast %get3A_136 : vector<16xf32> to vector<16xf32>
      %add3A_138 = arith.addf %add3A_130, %get3A_137 : vector<16xf32>
      %mul3A_139 = arith.constant 16 : i32
      %mul3A_140 = arith.muli %scan3A_58, %mul3A_139 : i32
      %add3A_141 = arith.constant 1280 : i32
      %add3A_142 = arith.addi %add3A_141, %mul3A_140 : i32
      %get3A_143 = arith.index_cast %add3A_142 : i32 to index
      %get3A_144 = tpu.vector_load %arg13[%get3A_143] {strides = array<i32>} : memref<3328xf32, #tpu.memory_space<vmem>>, vector<16xf32>,
      %get3A_145 = vector.shape_cast %get3A_144 : vector<16xf32> to vector<16xf32>
      %add3A_146 = arith.addf %add3A_138, %get3A_145 : vector<16xf32>
      %mul3A_147 = arith.constant 16 : i32
      %mul3A_148 = arith.muli %scan3A_58, %mul3A_147 : i32
      %add3A_149 = arith.constant 1408 : i32
      %add3A_150 = arith.addi %add3A_149, %mul3A_148 : i32
      %get3A_151 = arith.index_cast %add3A_150 : i32 to index
      %get3A_152 = tpu.vector_load %arg13[%get3A_151] {strides = array<i32>} : memref<3328xf32, #tpu.memory_space<vmem>>, vector<16xf32>,
      %get3A_153 = vector.shape_cast %get3A_152 : vector<16xf32> to vector<16xf32>
      %add3A_154 = arith.addf %add3A_146, %get3A_153 : vector<16xf32>
      %mul3A_155 = arith.constant 16 : i32
      %mul3A_156 = arith.muli %scan3A_58, %mul3A_155 : i32
      %add3A_157 = arith.constant 1536 : i32
      %add3A_158 = arith.addi %add3A_157, %mul3A_156 : i32
      %get3A_159 = arith.index_cast %add3A_158 : i32 to index
      %get3A_160 = tpu.vector_load %arg13[%get3A_159] {strides = array<i32>} : memref<3328xf32, #tpu.memory_space<vmem>>, vector<16xf32>,
      %get3A_161 = vector.shape_cast %get3A_160 : vector<16xf32> to vector<16xf32>
      %add3A_162 = arith.addf %add3A_154, %get3A_161 : vector<16xf32>
      %mul3A_163 = arith.constant 16 : i32
      %mul3A_164 = arith.muli %scan3A_58, %mul3A_163 : i32
      %add3A_165 = arith.constant 1664 : i32
      %add3A_166 = arith.addi %add3A_165, %mul3A_164 : i32
      %get3A_167 = arith.index_cast %add3A_166 : i32 to index
      %get3A_168 = tpu.vector_load %arg13[%get3A_167] {strides = array<i32>} : memref<3328xf32, #tpu.memory_space<vmem>>, vector<16xf32>,
      %get3A_169 = vector.shape_cast %get3A_168 : vector<16xf32> to vector<16xf32>
      %add3A_170 = arith.addf %add3A_162, %get3A_169 : vector<16xf32>
      %mul3A_171 = arith.constant 16 : i32
      %mul3A_172 = arith.muli %scan3A_58, %mul3A_171 : i32
      %add3A_173 = arith.constant 1792 : i32
      %add3A_174 = arith.addi %add3A_173, %mul3A_172 : i32
      %get3A_175 = arith.index_cast %add3A_174 : i32 to index
      %get3A_176 = tpu.vector_load %arg13[%get3A_175] {strides = array<i32>} : memref<3328xf32, #tpu.memory_space<vmem>>, vector<16xf32>,
      %get3A_177 = vector.shape_cast %get3A_176 : vector<16xf32> to vector<16xf32>
      %add3A_178 = arith.addf %add3A_170, %get3A_177 : vector<16xf32>
      %mul3A_179 = arith.constant 16 : i32
      %mul3A_180 = arith.muli %scan3A_58, %mul3A_179 : i32
      %add3A_181 = arith.constant 1920 : i32
      %add3A_182 = arith.addi %add3A_181, %mul3A_180 : i32
      %get3A_183 = arith.index_cast %add3A_182 : i32 to index
      %get3A_184 = tpu.vector_load %arg13[%get3A_183] {strides = array<i32>} : memref<3328xf32, #tpu.memory_space<vmem>>, vector<16xf32>,
      %get3A_185 = vector.shape_cast %get3A_184 : vector<16xf32> to vector<16xf32>
      %add3A_186 = arith.addf %add3A_178, %get3A_185 : vector<16xf32>
      %mul3A_187 = arith.constant 16 : i32
      %mul3A_188 = arith.muli %scan3A_58, %mul3A_187 : i32
      %add3A_189 = arith.constant 2048 : i32
      %add3A_190 = arith.addi %add3A_189, %mul3A_188 : i32
      %get3A_191 = arith.index_cast %add3A_190 : i32 to index
      %get3A_192 = tpu.vector_load %arg13[%get3A_191] {strides = array<i32>} : memref<3328xf32, #tpu.memory_space<vmem>>, vector<16xf32>,
      %get3A_193 = vector.shape_cast %get3A_192 : vector<16xf32> to vector<16xf32>
      %add3A_194 = arith.addf %add3A_186, %get3A_193 : vector<16xf32>
      %mul3A_195 = arith.constant 16 : i32
      %mul3A_196 = arith.muli %scan3A_58, %mul3A_195 : i32
      %add3A_197 = arith.constant 2176 : i32
      %add3A_198 = arith.addi %add3A_197, %mul3A_196 : i32
      %get3A_199 = arith.index_cast %add3A_198 : i32 to index
      %get3A_200 = tpu.vector_load %arg13[%get3A_199] {strides = array<i32>} : memref<3328xf32, #tpu.memory_space<vmem>>, vector<16xf32>,
      %get3A_201 = vector.shape_cast %get3A_200 : vector<16xf32> to vector<16xf32>
      %add3A_202 = arith.addf %add3A_194, %get3A_201 : vector<16xf32>
      %mul3A_203 = arith.constant 16 : i32
      %mul3A_204 = arith.muli %scan3A_58, %mul3A_203 : i32
      %add3A_205 = arith.constant 2304 : i32
      %add3A_206 = arith.addi %add3A_205, %mul3A_204 : i32
      %get3A_207 = arith.index_cast %add3A_206 : i32 to index
      %get3A_208 = tpu.vector_load %arg13[%get3A_207] {strides = array<i32>} : memref<3328xf32, #tpu.memory_space<vmem>>, vector<16xf32>,
      %get3A_209 = vector.shape_cast %get3A_208 : vector<16xf32> to vector<16xf32>
      %add3A_210 = arith.addf %add3A_202, %get3A_209 : vector<16xf32>
      %mul3A_211 = arith.constant 16 : i32
      %mul3A_212 = arith.muli %scan3A_58, %mul3A_211 : i32
      %add3A_213 = arith.constant 2432 : i32
      %add3A_214 = arith.addi %add3A_213, %mul3A_212 : i32
      %get3A_215 = arith.index_cast %add3A_214 : i32 to index
      %get3A_216 = tpu.vector_load %arg13[%get3A_215] {strides = array<i32>} : memref<3328xf32, #tpu.memory_space<vmem>>, vector<16xf32>,
      %get3A_217 = vector.shape_cast %get3A_216 : vector<16xf32> to vector<16xf32>
      %add3A_218 = arith.addf %add3A_210, %get3A_217 : vector<16xf32>
      %mul3A_219 = arith.constant 16 : i32
      %mul3A_220 = arith.muli %scan3A_58, %mul3A_219 : i32
      %add3A_221 = arith.constant 2560 : i32
      %add3A_222 = arith.addi %add3A_221, %mul3A_220 : i32
      %get3A_223 = arith.index_cast %add3A_222 : i32 to index
      %get3A_224 = tpu.vector_load %arg13[%get3A_223] {strides = array<i32>} : memref<3328xf32, #tpu.memory_space<vmem>>, vector<16xf32>,
      %get3A_225 = vector.shape_cast %get3A_224 : vector<16xf32> to vector<16xf32>
      %add3A_226 = arith.addf %add3A_218, %get3A_225 : vector<16xf32>
      %mul3A_227 = arith.constant 16 : i32
      %mul3A_228 = arith.muli %scan3A_58, %mul3A_227 : i32
      %add3A_229 = arith.constant 2688 : i32
      %add3A_230 = arith.addi %add3A_229, %mul3A_228 : i32
      %get3A_231 = arith.index_cast %add3A_230 : i32 to index
      %get3A_232 = tpu.vector_load %arg13[%get3A_231] {strides = array<i32>} : memref<3328xf32, #tpu.memory_space<vmem>>, vector<16xf32>,
      %get3A_233 = vector.shape_cast %get3A_232 : vector<16xf32> to vector<16xf32>
      %add3A_234 = arith.addf %add3A_226, %get3A_233 : vector<16xf32>
      %mul3A_235 = arith.constant 16 : i32
      %mul3A_236 = arith.muli %scan3A_58, %mul3A_235 : i32
      %add3A_237 = arith.constant 2816 : i32
      %add3A_238 = arith.addi %add3A_237, %mul3A_236 : i32
      %get3A_239 = arith.index_cast %add3A_238 : i32 to index
      %get3A_240 = tpu.vector_load %arg13[%get3A_239] {strides = array<i32>} : memref<3328xf32, #tpu.memory_space<vmem>>, vector<16xf32>,
      %get3A_241 = vector.shape_cast %get3A_240 : vector<16xf32> to vector<16xf32>
      %add3A_242 = arith.addf %add3A_234, %get3A_241 : vector<16xf32>
      %mul3A_243 = arith.constant 16 : i32
      %mul3A_244 = arith.muli %scan3A_58, %mul3A_243 : i32
      %add3A_245 = arith.constant 2944 : i32
      %add3A_246 = arith.addi %add3A_245, %mul3A_244 : i32
      %get3A_247 = arith.index_cast %add3A_246 : i32 to index
      %get3A_248 = tpu.vector_load %arg13[%get3A_247] {strides = array<i32>} : memref<3328xf32, #tpu.memory_space<vmem>>, vector<16xf32>,
      %get3A_249 = vector.shape_cast %get3A_248 : vector<16xf32> to vector<16xf32>
      %add3A_250 = arith.addf %add3A_242, %get3A_249 : vector<16xf32>
      %mul3A_251 = arith.constant 16 : i32
      %mul3A_252 = arith.muli %scan3A_58, %mul3A_251 : i32
      %add3A_253 = arith.constant 3072 : i32
      %add3A_254 = arith.addi %add3A_253, %mul3A_252 : i32
      %get3A_255 = arith.index_cast %add3A_254 : i32 to index
      %get3A_256 = tpu.vector_load %arg13[%get3A_255] {strides = array<i32>} : memref<3328xf32, #tpu.memory_space<vmem>>, vector<16xf32>,
      %get3A_257 = vector.shape_cast %get3A_256 : vector<16xf32> to vector<16xf32>
      %add3A_258 = arith.addf %add3A_250, %get3A_257 : vector<16xf32>
      %mul3A_259 = arith.constant 16 : i32
      %mul3A_260 = arith.muli %scan3A_58, %mul3A_259 : i32
      %add3A_261 = arith.constant 3200 : i32
      %add3A_262 = arith.addi %add3A_261, %mul3A_260 : i32
      %get3A_263 = arith.index_cast %add3A_262 : i32 to index
      %get3A_264 = tpu.vector_load %arg13[%get3A_263] {strides = array<i32>} : memref<3328xf32, #tpu.memory_space<vmem>>, vector<16xf32>,
      %get3A_265 = vector.shape_cast %get3A_264 : vector<16xf32> to vector<16xf32>
      %add3A_266 = arith.addf %add3A_258, %get3A_265 : vector<16xf32>
      %mul3A_267 = arith.constant 16 : i32
      %mul3A_268 = arith.muli %scan3A_58, %mul3A_267 : i32
      %add3A_269 = arith.constant 0 : i32
      %add3A_270 = arith.addi %add3A_269, %mul3A_268 : i32
      %swap3A = arith.index_cast %add3A_270 : i32 to index
      %swap3A_271 = tpu.vector_load %arg7[%swap3A] {strides = array<i32>} : memref<512xf32, #tpu.memory_space<vmem>>, vector<16xf32>,
      %swap3A_272 = vector.shape_cast %swap3A_271 : vector<16xf32> to vector<16xf32>
      %swap3A_273 = vector.shape_cast %add3A_266 : vector<16xf32> to vector<16xf32>
      tpu.vector_store %arg7[%swap3A], %swap3A_273 {strides = array<i32>} : memref<512xf32, #tpu.memory_space<vmem>>, vector<16xf32>,
    }
    %scan3A_36 = arith.constant 8 : i32
    %dma_wait3A_37 = arith.constant 0 : i32
    %dma_wait3A_38 = tpu.memref_slice %arg3[%dma_wait3A_37] : memref<2600960xf32, #tpu.memory_space<hbm>> -> memref<2600960xf32, #tpu.memory_space<hbm>>
    tpu.wait_indirect_dma semaphore(%arg18 : memref<!tpu.dma_semaphore, #tpu.memory_space<semaphore_mem>>) src(%dma_wait3A_38 : memref<2600960xf32, #tpu.memory_space<hbm>>) dst(%arg14 : memref<3328xf32, #tpu.memory_space<vmem>>)
    %scan3A_39 = arith.constant 0 : i32
    %scan3A_40 = arith.constant 8 : i32
    %scan3A_41 = arith.addi %scan3A_39, %scan3A_40 : i32
    %scan3A_42 = arith.constant 1 : i32
    scf.for %scan3A_58 = %scan3A_39 to %scan3A_41 step %scan3A_42  : i32 {
      %mul3A_59 = arith.constant 16 : i32
      %mul3A_60 = arith.muli %scan3A_58, %mul3A_59 : i32
      %add3A_61 = arith.constant 0 : i32
      %add3A_62 = arith.addi %add3A_61, %mul3A_60 : i32
      %get3A_63 = arith.index_cast %add3A_62 : i32 to index
      %get3A_64 = tpu.vector_load %arg14[%get3A_63] {strides = array<i32>} : memref<3328xf32, #tpu.memory_space<vmem>>, vector<16xf32>,
      %get3A_65 = vector.shape_cast %get3A_64 : vector<16xf32> to vector<16xf32>
      %add3A_66 = arith.addf %get3A_30, %get3A_65 : vector<16xf32>
      %mul3A_67 = arith.constant 16 : i32
      %mul3A_68 = arith.muli %scan3A_58, %mul3A_67 : i32
      %add3A_69 = arith.constant 128 : i32
      %add3A_70 = arith.addi %add3A_69, %mul3A_68 : i32
      %get3A_71 = arith.index_cast %add3A_70 : i32 to index
      %get3A_72 = tpu.vector_load %arg14[%get3A_71] {strides = array<i32>} : memref<3328xf32, #tpu.memory_space<vmem>>, vector<16xf32>,
      %get3A_73 = vector.shape_cast %get3A_72 : vector<16xf32> to vector<16xf32>
      %add3A_74 = arith.addf %add3A_66, %get3A_73 : vector<16xf32>
      %mul3A_75 = arith.constant 16 : i32
      %mul3A_76 = arith.muli %scan3A_58, %mul3A_75 : i32
      %add3A_77 = arith.constant 256 : i32
      %add3A_78 = arith.addi %add3A_77, %mul3A_76 : i32
      %get3A_79 = arith.index_cast %add3A_78 : i32 to index
      %get3A_80 = tpu.vector_load %arg14[%get3A_79] {strides = array<i32>} : memref<3328xf32, #tpu.memory_space<vmem>>, vector<16xf32>,
      %get3A_81 = vector.shape_cast %get3A_80 : vector<16xf32> to vector<16xf32>
      %add3A_82 = arith.addf %add3A_74, %get3A_81 : vector<16xf32>
      %mul3A_83 = arith.constant 16 : i32
      %mul3A_84 = arith.muli %scan3A_58, %mul3A_83 : i32
      %add3A_85 = arith.constant 384 : i32
      %add3A_86 = arith.addi %add3A_85, %mul3A_84 : i32
      %get3A_87 = arith.index_cast %add3A_86 : i32 to index
      %get3A_88 = tpu.vector_load %arg14[%get3A_87] {strides = array<i32>} : memref<3328xf32, #tpu.memory_space<vmem>>, vector<16xf32>,
      %get3A_89 = vector.shape_cast %get3A_88 : vector<16xf32> to vector<16xf32>
      %add3A_90 = arith.addf %add3A_82, %get3A_89 : vector<16xf32>
      %mul3A_91 = arith.constant 16 : i32
      %mul3A_92 = arith.muli %scan3A_58, %mul3A_91 : i32
      %add3A_93 = arith.constant 512 : i32
      %add3A_94 = arith.addi %add3A_93, %mul3A_92 : i32
      %get3A_95 = arith.index_cast %add3A_94 : i32 to index
      %get3A_96 = tpu.vector_load %arg14[%get3A_95] {strides = array<i32>} : memref<3328xf32, #tpu.memory_space<vmem>>, vector<16xf32>,
      %get3A_97 = vector.shape_cast %get3A_96 : vector<16xf32> to vector<16xf32>
      %add3A_98 = arith.addf %add3A_90, %get3A_97 : vector<16xf32>
      %mul3A_99 = arith.constant 16 : i32
      %mul3A_100 = arith.muli %scan3A_58, %mul3A_99 : i32
      %add3A_101 = arith.constant 640 : i32
      %add3A_102 = arith.addi %add3A_101, %mul3A_100 : i32
      %get3A_103 = arith.index_cast %add3A_102 : i32 to index
      %get3A_104 = tpu.vector_load %arg14[%get3A_103] {strides = array<i32>} : memref<3328xf32, #tpu.memory_space<vmem>>, vector<16xf32>,
      %get3A_105 = vector.shape_cast %get3A_104 : vector<16xf32> to vector<16xf32>
      %add3A_106 = arith.addf %add3A_98, %get3A_105 : vector<16xf32>
      %mul3A_107 = arith.constant 16 : i32
      %mul3A_108 = arith.muli %scan3A_58, %mul3A_107 : i32
      %add3A_109 = arith.constant 768 : i32
      %add3A_110 = arith.addi %add3A_109, %mul3A_108 : i32
      %get3A_111 = arith.index_cast %add3A_110 : i32 to index
      %get3A_112 = tpu.vector_load %arg14[%get3A_111] {strides = array<i32>} : memref<3328xf32, #tpu.memory_space<vmem>>, vector<16xf32>,
      %get3A_113 = vector.shape_cast %get3A_112 : vector<16xf32> to vector<16xf32>
      %add3A_114 = arith.addf %add3A_106, %get3A_113 : vector<16xf32>
      %mul3A_115 = arith.constant 16 : i32
      %mul3A_116 = arith.muli %scan3A_58, %mul3A_115 : i32
      %add3A_117 = arith.constant 896 : i32
      %add3A_118 = arith.addi %add3A_117, %mul3A_116 : i32
      %get3A_119 = arith.index_cast %add3A_118 : i32 to index
      %get3A_120 = tpu.vector_load %arg14[%get3A_119] {strides = array<i32>} : memref<3328xf32, #tpu.memory_space<vmem>>, vector<16xf32>,
      %get3A_121 = vector.shape_cast %get3A_120 : vector<16xf32> to vector<16xf32>
      %add3A_122 = arith.addf %add3A_114, %get3A_121 : vector<16xf32>
      %mul3A_123 = arith.constant 16 : i32
      %mul3A_124 = arith.muli %scan3A_58, %mul3A_123 : i32
      %add3A_125 = arith.constant 1024 : i32
      %add3A_126 = arith.addi %add3A_125, %mul3A_124 : i32
      %get3A_127 = arith.index_cast %add3A_126 : i32 to index
      %get3A_128 = tpu.vector_load %arg14[%get3A_127] {strides = array<i32>} : memref<3328xf32, #tpu.memory_space<vmem>>, vector<16xf32>,
      %get3A_129 = vector.shape_cast %get3A_128 : vector<16xf32> to vector<16xf32>
      %add3A_130 = arith.addf %add3A_122, %get3A_129 : vector<16xf32>
      %mul3A_131 = arith.constant 16 : i32
      %mul3A_132 = arith.muli %scan3A_58, %mul3A_131 : i32
      %add3A_133 = arith.constant 1152 : i32
      %add3A_134 = arith.addi %add3A_133, %mul3A_132 : i32
      %get3A_135 = arith.index_cast %add3A_134 : i32 to index
      %get3A_136 = tpu.vector_load %arg14[%get3A_135] {strides = array<i32>} : memref<3328xf32, #tpu.memory_space<vmem>>, vector<16xf32>,
      %get3A_137 = vector.shape_cast %get3A_136 : vector<16xf32> to vector<16xf32>
      %add3A_138 = arith.addf %add3A_130, %get3A_137 : vector<16xf32>
      %mul3A_139 = arith.constant 16 : i32
      %mul3A_140 = arith.muli %scan3A_58, %mul3A_139 : i32
      %add3A_141 = arith.constant 1280 : i32
      %add3A_142 = arith.addi %add3A_141, %mul3A_140 : i32
      %get3A_143 = arith.index_cast %add3A_142 : i32 to index
      %get3A_144 = tpu.vector_load %arg14[%get3A_143] {strides = array<i32>} : memref<3328xf32, #tpu.memory_space<vmem>>, vector<16xf32>,
      %get3A_145 = vector.shape_cast %get3A_144 : vector<16xf32> to vector<16xf32>
      %add3A_146 = arith.addf %add3A_138, %get3A_145 : vector<16xf32>
      %mul3A_147 = arith.constant 16 : i32
      %mul3A_148 = arith.muli %scan3A_58, %mul3A_147 : i32
      %add3A_149 = arith.constant 1408 : i32
      %add3A_150 = arith.addi %add3A_149, %mul3A_148 : i32
      %get3A_151 = arith.index_cast %add3A_150 : i32 to index
      %get3A_152 = tpu.vector_load %arg14[%get3A_151] {strides = array<i32>} : memref<3328xf32, #tpu.memory_space<vmem>>, vector<16xf32>,
      %get3A_153 = vector.shape_cast %get3A_152 : vector<16xf32> to vector<16xf32>
      %add3A_154 = arith.addf %add3A_146, %get3A_153 : vector<16xf32>
      %mul3A_155 = arith.constant 16 : i32
      %mul3A_156 = arith.muli %scan3A_58, %mul3A_155 : i32
      %add3A_157 = arith.constant 1536 : i32
      %add3A_158 = arith.addi %add3A_157, %mul3A_156 : i32
      %get3A_159 = arith.index_cast %add3A_158 : i32 to index
      %get3A_160 = tpu.vector_load %arg14[%get3A_159] {strides = array<i32>} : memref<3328xf32, #tpu.memory_space<vmem>>, vector<16xf32>,
      %get3A_161 = vector.shape_cast %get3A_160 : vector<16xf32> to vector<16xf32>
      %add3A_162 = arith.addf %add3A_154, %get3A_161 : vector<16xf32>
      %mul3A_163 = arith.constant 16 : i32
      %mul3A_164 = arith.muli %scan3A_58, %mul3A_163 : i32
      %add3A_165 = arith.constant 1664 : i32
      %add3A_166 = arith.addi %add3A_165, %mul3A_164 : i32
      %get3A_167 = arith.index_cast %add3A_166 : i32 to index
      %get3A_168 = tpu.vector_load %arg14[%get3A_167] {strides = array<i32>} : memref<3328xf32, #tpu.memory_space<vmem>>, vector<16xf32>,
      %get3A_169 = vector.shape_cast %get3A_168 : vector<16xf32> to vector<16xf32>
      %add3A_170 = arith.addf %add3A_162, %get3A_169 : vector<16xf32>
      %mul3A_171 = arith.constant 16 : i32
      %mul3A_172 = arith.muli %scan3A_58, %mul3A_171 : i32
      %add3A_173 = arith.constant 1792 : i32
      %add3A_174 = arith.addi %add3A_173, %mul3A_172 : i32
      %get3A_175 = arith.index_cast %add3A_174 : i32 to index
      %get3A_176 = tpu.vector_load %arg14[%get3A_175] {strides = array<i32>} : memref<3328xf32, #tpu.memory_space<vmem>>, vector<16xf32>,
      %get3A_177 = vector.shape_cast %get3A_176 : vector<16xf32> to vector<16xf32>
      %add3A_178 = arith.addf %add3A_170, %get3A_177 : vector<16xf32>
      %mul3A_179 = arith.constant 16 : i32
      %mul3A_180 = arith.muli %scan3A_58, %mul3A_179 : i32
      %add3A_181 = arith.constant 1920 : i32
      %add3A_182 = arith.addi %add3A_181, %mul3A_180 : i32
      %get3A_183 = arith.index_cast %add3A_182 : i32 to index
      %get3A_184 = tpu.vector_load %arg14[%get3A_183] {strides = array<i32>} : memref<3328xf32, #tpu.memory_space<vmem>>, vector<16xf32>,
      %get3A_185 = vector.shape_cast %get3A_184 : vector<16xf32> to vector<16xf32>
      %add3A_186 = arith.addf %add3A_178, %get3A_185 : vector<16xf32>
      %mul3A_187 = arith.constant 16 : i32
      %mul3A_188 = arith.muli %scan3A_58, %mul3A_187 : i32
      %add3A_189 = arith.constant 2048 : i32
      %add3A_190 = arith.addi %add3A_189, %mul3A_188 : i32
      %get3A_191 = arith.index_cast %add3A_190 : i32 to index
      %get3A_192 = tpu.vector_load %arg14[%get3A_191] {strides = array<i32>} : memref<3328xf32, #tpu.memory_space<vmem>>, vector<16xf32>,
      %get3A_193 = vector.shape_cast %get3A_192 : vector<16xf32> to vector<16xf32>
      %add3A_194 = arith.addf %add3A_186, %get3A_193 : vector<16xf32>
      %mul3A_195 = arith.constant 16 : i32
      %mul3A_196 = arith.muli %scan3A_58, %mul3A_195 : i32
      %add3A_197 = arith.constant 2176 : i32
      %add3A_198 = arith.addi %add3A_197, %mul3A_196 : i32
      %get3A_199 = arith.index_cast %add3A_198 : i32 to index
      %get3A_200 = tpu.vector_load %arg14[%get3A_199] {strides = array<i32>} : memref<3328xf32, #tpu.memory_space<vmem>>, vector<16xf32>,
      %get3A_201 = vector.shape_cast %get3A_200 : vector<16xf32> to vector<16xf32>
      %add3A_202 = arith.addf %add3A_194, %get3A_201 : vector<16xf32>
      %mul3A_203 = arith.constant 16 : i32
      %mul3A_204 = arith.muli %scan3A_58, %mul3A_203 : i32
      %add3A_205 = arith.constant 2304 : i32
      %add3A_206 = arith.addi %add3A_205, %mul3A_204 : i32
      %get3A_207 = arith.index_cast %add3A_206 : i32 to index
      %get3A_208 = tpu.vector_load %arg14[%get3A_207] {strides = array<i32>} : memref<3328xf32, #tpu.memory_space<vmem>>, vector<16xf32>,
      %get3A_209 = vector.shape_cast %get3A_208 : vector<16xf32> to vector<16xf32>
      %add3A_210 = arith.addf %add3A_202, %get3A_209 : vector<16xf32>
      %mul3A_211 = arith.constant 16 : i32
      %mul3A_212 = arith.muli %scan3A_58, %mul3A_211 : i32
      %add3A_213 = arith.constant 2432 : i32
      %add3A_214 = arith.addi %add3A_213, %mul3A_212 : i32
      %get3A_215 = arith.index_cast %add3A_214 : i32 to index
      %get3A_216 = tpu.vector_load %arg14[%get3A_215] {strides = array<i32>} : memref<3328xf32, #tpu.memory_space<vmem>>, vector<16xf32>,
      %get3A_217 = vector.shape_cast %get3A_216 : vector<16xf32> to vector<16xf32>
      %add3A_218 = arith.addf %add3A_210, %get3A_217 : vector<16xf32>
      %mul3A_219 = arith.constant 16 : i32
      %mul3A_220 = arith.muli %scan3A_58, %mul3A_219 : i32
      %add3A_221 = arith.constant 2560 : i32
      %add3A_222 = arith.addi %add3A_221, %mul3A_220 : i32
      %get3A_223 = arith.index_cast %add3A_222 : i32 to index
      %get3A_224 = tpu.vector_load %arg14[%get3A_223] {strides = array<i32>} : memref<3328xf32, #tpu.memory_space<vmem>>, vector<16xf32>,
      %get3A_225 = vector.shape_cast %get3A_224 : vector<16xf32> to vector<16xf32>
      %add3A_226 = arith.addf %add3A_218, %get3A_225 : vector<16xf32>
      %mul3A_227 = arith.constant 16 : i32
      %mul3A_228 = arith.muli %scan3A_58, %mul3A_227 : i32
      %add3A_229 = arith.constant 2688 : i32
      %add3A_230 = arith.addi %add3A_229, %mul3A_228 : i32
      %get3A_231 = arith.index_cast %add3A_230 : i32 to index
      %get3A_232 = tpu.vector_load %arg14[%get3A_231] {strides = array<i32>} : memref<3328xf32, #tpu.memory_space<vmem>>, vector<16xf32>,
      %get3A_233 = vector.shape_cast %get3A_232 : vector<16xf32> to vector<16xf32>
      %add3A_234 = arith.addf %add3A_226, %get3A_233 : vector<16xf32>
      %mul3A_235 = arith.constant 16 : i32
      %mul3A_236 = arith.muli %scan3A_58, %mul3A_235 : i32
      %add3A_237 = arith.constant 2816 : i32
      %add3A_238 = arith.addi %add3A_237, %mul3A_236 : i32
      %get3A_239 = arith.index_cast %add3A_238 : i32 to index
      %get3A_240 = tpu.vector_load %arg14[%get3A_239] {strides = array<i32>} : memref<3328xf32, #tpu.memory_space<vmem>>, vector<16xf32>,
      %get3A_241 = vector.shape_cast %get3A_240 : vector<16xf32> to vector<16xf32>
      %add3A_242 = arith.addf %add3A_234, %get3A_241 : vector<16xf32>
      %mul3A_243 = arith.constant 16 : i32
      %mul3A_244 = arith.muli %scan3A_58, %mul3A_243 : i32
      %add3A_245 = arith.constant 2944 : i32
      %add3A_246 = arith.addi %add3A_245, %mul3A_244 : i32
      %get3A_247 = arith.index_cast %add3A_246 : i32 to index
      %get3A_248 = tpu.vector_load %arg14[%get3A_247] {strides = array<i32>} : memref<3328xf32, #tpu.memory_space<vmem>>, vector<16xf32>,
      %get3A_249 = vector.shape_cast %get3A_248 : vector<16xf32> to vector<16xf32>
      %add3A_250 = arith.addf %add3A_242, %get3A_249 : vector<16xf32>
      %mul3A_251 = arith.constant 16 : i32
      %mul3A_252 = arith.muli %scan3A_58, %mul3A_251 : i32
      %add3A_253 = arith.constant 3072 : i32
      %add3A_254 = arith.addi %add3A_253, %mul3A_252 : i32
      %get3A_255 = arith.index_cast %add3A_254 : i32 to index
      %get3A_256 = tpu.vector_load %arg14[%get3A_255] {strides = array<i32>} : memref<3328xf32, #tpu.memory_space<vmem>>, vector<16xf32>,
      %get3A_257 = vector.shape_cast %get3A_256 : vector<16xf32> to vector<16xf32>
      %add3A_258 = arith.addf %add3A_250, %get3A_257 : vector<16xf32>
      %mul3A_259 = arith.constant 16 : i32
      %mul3A_260 = arith.muli %scan3A_58, %mul3A_259 : i32
      %add3A_261 = arith.constant 3200 : i32
      %add3A_262 = arith.addi %add3A_261, %mul3A_260 : i32
      %get3A_263 = arith.index_cast %add3A_262 : i32 to index
      %get3A_264 = tpu.vector_load %arg14[%get3A_263] {strides = array<i32>} : memref<3328xf32, #tpu.memory_space<vmem>>, vector<16xf32>,
      %get3A_265 = vector.shape_cast %get3A_264 : vector<16xf32> to vector<16xf32>
      %add3A_266 = arith.addf %add3A_258, %get3A_265 : vector<16xf32>
      %mul3A_267 = arith.constant 16 : i32
      %mul3A_268 = arith.muli %scan3A_58, %mul3A_267 : i32
      %add3A_269 = arith.constant 128 : i32
      %add3A_270 = arith.addi %add3A_269, %mul3A_268 : i32
      %swap3A = arith.index_cast %add3A_270 : i32 to index
      %swap3A_271 = tpu.vector_load %arg7[%swap3A] {strides = array<i32>} : memref<512xf32, #tpu.memory_space<vmem>>, vector<16xf32>,
      %swap3A_272 = vector.shape_cast %swap3A_271 : vector<16xf32> to vector<16xf32>
      %swap3A_273 = vector.shape_cast %add3A_266 : vector<16xf32> to vector<16xf32>
      tpu.vector_store %arg7[%swap3A], %swap3A_273 {strides = array<i32>} : memref<512xf32, #tpu.memory_space<vmem>>, vector<16xf32>,
    }
    %scan3A_43 = arith.constant 8 : i32
    %dma_wait3A_44 = arith.constant 0 : i32
    %dma_wait3A_45 = tpu.memref_slice %arg3[%dma_wait3A_44] : memref<2600960xf32, #tpu.memory_space<hbm>> -> memref<2600960xf32, #tpu.memory_space<hbm>>
    tpu.wait_indirect_dma semaphore(%arg19 : memref<!tpu.dma_semaphore, #tpu.memory_space<semaphore_mem>>) src(%dma_wait3A_45 : memref<2600960xf32, #tpu.memory_space<hbm>>) dst(%arg15 : memref<3328xf32, #tpu.memory_space<vmem>>)
    %scan3A_46 = arith.constant 0 : i32
    %scan3A_47 = arith.constant 8 : i32
    %scan3A_48 = arith.addi %scan3A_46, %scan3A_47 : i32
    %scan3A_49 = arith.constant 1 : i32
    scf.for %scan3A_58 = %scan3A_46 to %scan3A_48 step %scan3A_49  : i32 {
      %mul3A_59 = arith.constant 16 : i32
      %mul3A_60 = arith.muli %scan3A_58, %mul3A_59 : i32
      %add3A_61 = arith.constant 0 : i32
      %add3A_62 = arith.addi %add3A_61, %mul3A_60 : i32
      %get3A_63 = arith.index_cast %add3A_62 : i32 to index
      %get3A_64 = tpu.vector_load %arg15[%get3A_63] {strides = array<i32>} : memref<3328xf32, #tpu.memory_space<vmem>>, vector<16xf32>,
      %get3A_65 = vector.shape_cast %get3A_64 : vector<16xf32> to vector<16xf32>
      %add3A_66 = arith.addf %get3A_30, %get3A_65 : vector<16xf32>
      %mul3A_67 = arith.constant 16 : i32
      %mul3A_68 = arith.muli %scan3A_58, %mul3A_67 : i32
      %add3A_69 = arith.constant 128 : i32
      %add3A_70 = arith.addi %add3A_69, %mul3A_68 : i32
      %get3A_71 = arith.index_cast %add3A_70 : i32 to index
      %get3A_72 = tpu.vector_load %arg15[%get3A_71] {strides = array<i32>} : memref<3328xf32, #tpu.memory_space<vmem>>, vector<16xf32>,
      %get3A_73 = vector.shape_cast %get3A_72 : vector<16xf32> to vector<16xf32>
      %add3A_74 = arith.addf %add3A_66, %get3A_73 : vector<16xf32>
      %mul3A_75 = arith.constant 16 : i32
      %mul3A_76 = arith.muli %scan3A_58, %mul3A_75 : i32
      %add3A_77 = arith.constant 256 : i32
      %add3A_78 = arith.addi %add3A_77, %mul3A_76 : i32
      %get3A_79 = arith.index_cast %add3A_78 : i32 to index
      %get3A_80 = tpu.vector_load %arg15[%get3A_79] {strides = array<i32>} : memref<3328xf32, #tpu.memory_space<vmem>>, vector<16xf32>,
      %get3A_81 = vector.shape_cast %get3A_80 : vector<16xf32> to vector<16xf32>
      %add3A_82 = arith.addf %add3A_74, %get3A_81 : vector<16xf32>
      %mul3A_83 = arith.constant 16 : i32
      %mul3A_84 = arith.muli %scan3A_58, %mul3A_83 : i32
      %add3A_85 = arith.constant 384 : i32
      %add3A_86 = arith.addi %add3A_85, %mul3A_84 : i32
      %get3A_87 = arith.index_cast %add3A_86 : i32 to index
      %get3A_88 = tpu.vector_load %arg15[%get3A_87] {strides = array<i32>} : memref<3328xf32, #tpu.memory_space<vmem>>, vector<16xf32>,
      %get3A_89 = vector.shape_cast %get3A_88 : vector<16xf32> to vector<16xf32>
      %add3A_90 = arith.addf %add3A_82, %get3A_89 : vector<16xf32>
      %mul3A_91 = arith.constant 16 : i32
      %mul3A_92 = arith.muli %scan3A_58, %mul3A_91 : i32
      %add3A_93 = arith.constant 512 : i32
      %add3A_94 = arith.addi %add3A_93, %mul3A_92 : i32
      %get3A_95 = arith.index_cast %add3A_94 : i32 to index
      %get3A_96 = tpu.vector_load %arg15[%get3A_95] {strides = array<i32>} : memref<3328xf32, #tpu.memory_space<vmem>>, vector<16xf32>,
      %get3A_97 = vector.shape_cast %get3A_96 : vector<16xf32> to vector<16xf32>
      %add3A_98 = arith.addf %add3A_90, %get3A_97 : vector<16xf32>
      %mul3A_99 = arith.constant 16 : i32
      %mul3A_100 = arith.muli %scan3A_58, %mul3A_99 : i32
      %add3A_101 = arith.constant 640 : i32
      %add3A_102 = arith.addi %add3A_101, %mul3A_100 : i32
      %get3A_103 = arith.index_cast %add3A_102 : i32 to index
      %get3A_104 = tpu.vector_load %arg15[%get3A_103] {strides = array<i32>} : memref<3328xf32, #tpu.memory_space<vmem>>, vector<16xf32>,
      %get3A_105 = vector.shape_cast %get3A_104 : vector<16xf32> to vector<16xf32>
      %add3A_106 = arith.addf %add3A_98, %get3A_105 : vector<16xf32>
      %mul3A_107 = arith.constant 16 : i32
      %mul3A_108 = arith.muli %scan3A_58, %mul3A_107 : i32
      %add3A_109 = arith.constant 768 : i32
      %add3A_110 = arith.addi %add3A_109, %mul3A_108 : i32
      %get3A_111 = arith.index_cast %add3A_110 : i32 to index
      %get3A_112 = tpu.vector_load %arg15[%get3A_111] {strides = array<i32>} : memref<3328xf32, #tpu.memory_space<vmem>>, vector<16xf32>,
      %get3A_113 = vector.shape_cast %get3A_112 : vector<16xf32> to vector<16xf32>
      %add3A_114 = arith.addf %add3A_106, %get3A_113 : vector<16xf32>
      %mul3A_115 = arith.constant 16 : i32
      %mul3A_116 = arith.muli %scan3A_58, %mul3A_115 : i32
      %add3A_117 = arith.constant 896 : i32
      %add3A_118 = arith.addi %add3A_117, %mul3A_116 : i32
      %get3A_119 = arith.index_cast %add3A_118 : i32 to index
      %get3A_120 = tpu.vector_load %arg15[%get3A_119] {strides = array<i32>} : memref<3328xf32, #tpu.memory_space<vmem>>, vector<16xf32>,
      %get3A_121 = vector.shape_cast %get3A_120 : vector<16xf32> to vector<16xf32>
      %add3A_122 = arith.addf %add3A_114, %get3A_121 : vector<16xf32>
      %mul3A_123 = arith.constant 16 : i32
      %mul3A_124 = arith.muli %scan3A_58, %mul3A_123 : i32
      %add3A_125 = arith.constant 1024 : i32
      %add3A_126 = arith.addi %add3A_125, %mul3A_124 : i32
      %get3A_127 = arith.index_cast %add3A_126 : i32 to index
      %get3A_128 = tpu.vector_load %arg15[%get3A_127] {strides = array<i32>} : memref<3328xf32, #tpu.memory_space<vmem>>, vector<16xf32>,
      %get3A_129 = vector.shape_cast %get3A_128 : vector<16xf32> to vector<16xf32>
      %add3A_130 = arith.addf %add3A_122, %get3A_129 : vector<16xf32>
      %mul3A_131 = arith.constant 16 : i32
      %mul3A_132 = arith.muli %scan3A_58, %mul3A_131 : i32
      %add3A_133 = arith.constant 1152 : i32
      %add3A_134 = arith.addi %add3A_133, %mul3A_132 : i32
      %get3A_135 = arith.index_cast %add3A_134 : i32 to index
      %get3A_136 = tpu.vector_load %arg15[%get3A_135] {strides = array<i32>} : memref<3328xf32, #tpu.memory_space<vmem>>, vector<16xf32>,
      %get3A_137 = vector.shape_cast %get3A_136 : vector<16xf32> to vector<16xf32>
      %add3A_138 = arith.addf %add3A_130, %get3A_137 : vector<16xf32>
      %mul3A_139 = arith.constant 16 : i32
      %mul3A_140 = arith.muli %scan3A_58, %mul3A_139 : i32
      %add3A_141 = arith.constant 1280 : i32
      %add3A_142 = arith.addi %add3A_141, %mul3A_140 : i32
      %get3A_143 = arith.index_cast %add3A_142 : i32 to index
      %get3A_144 = tpu.vector_load %arg15[%get3A_143] {strides = array<i32>} : memref<3328xf32, #tpu.memory_space<vmem>>, vector<16xf32>,
      %get3A_145 = vector.shape_cast %get3A_144 : vector<16xf32> to vector<16xf32>
      %add3A_146 = arith.addf %add3A_138, %get3A_145 : vector<16xf32>
      %mul3A_147 = arith.constant 16 : i32
      %mul3A_148 = arith.muli %scan3A_58, %mul3A_147 : i32
      %add3A_149 = arith.constant 1408 : i32
      %add3A_150 = arith.addi %add3A_149, %mul3A_148 : i32
      %get3A_151 = arith.index_cast %add3A_150 : i32 to index
      %get3A_152 = tpu.vector_load %arg15[%get3A_151] {strides = array<i32>} : memref<3328xf32, #tpu.memory_space<vmem>>, vector<16xf32>,
      %get3A_153 = vector.shape_cast %get3A_152 : vector<16xf32> to vector<16xf32>
      %add3A_154 = arith.addf %add3A_146, %get3A_153 : vector<16xf32>
      %mul3A_155 = arith.constant 16 : i32
      %mul3A_156 = arith.muli %scan3A_58, %mul3A_155 : i32
      %add3A_157 = arith.constant 1536 : i32
      %add3A_158 = arith.addi %add3A_157, %mul3A_156 : i32
      %get3A_159 = arith.index_cast %add3A_158 : i32 to index
      %get3A_160 = tpu.vector_load %arg15[%get3A_159] {strides = array<i32>} : memref<3328xf32, #tpu.memory_space<vmem>>, vector<16xf32>,
      %get3A_161 = vector.shape_cast %get3A_160 : vector<16xf32> to vector<16xf32>
      %add3A_162 = arith.addf %add3A_154, %get3A_161 : vector<16xf32>
      %mul3A_163 = arith.constant 16 : i32
      %mul3A_164 = arith.muli %scan3A_58, %mul3A_163 : i32
      %add3A_165 = arith.constant 1664 : i32
      %add3A_166 = arith.addi %add3A_165, %mul3A_164 : i32
      %get3A_167 = arith.index_cast %add3A_166 : i32 to index
      %get3A_168 = tpu.vector_load %arg15[%get3A_167] {strides = array<i32>} : memref<3328xf32, #tpu.memory_space<vmem>>, vector<16xf32>,
      %get3A_169 = vector.shape_cast %get3A_168 : vector<16xf32> to vector<16xf32>
      %add3A_170 = arith.addf %add3A_162, %get3A_169 : vector<16xf32>
      %mul3A_171 = arith.constant 16 : i32
      %mul3A_172 = arith.muli %scan3A_58, %mul3A_171 : i32
      %add3A_173 = arith.constant 1792 : i32
      %add3A_174 = arith.addi %add3A_173, %mul3A_172 : i32
      %get3A_175 = arith.index_cast %add3A_174 : i32 to index
      %get3A_176 = tpu.vector_load %arg15[%get3A_175] {strides = array<i32>} : memref<3328xf32, #tpu.memory_space<vmem>>, vector<16xf32>,
      %get3A_177 = vector.shape_cast %get3A_176 : vector<16xf32> to vector<16xf32>
      %add3A_178 = arith.addf %add3A_170, %get3A_177 : vector<16xf32>
      %mul3A_179 = arith.constant 16 : i32
      %mul3A_180 = arith.muli %scan3A_58, %mul3A_179 : i32
      %add3A_181 = arith.constant 1920 : i32
      %add3A_182 = arith.addi %add3A_181, %mul3A_180 : i32
      %get3A_183 = arith.index_cast %add3A_182 : i32 to index
      %get3A_184 = tpu.vector_load %arg15[%get3A_183] {strides = array<i32>} : memref<3328xf32, #tpu.memory_space<vmem>>, vector<16xf32>,
      %get3A_185 = vector.shape_cast %get3A_184 : vector<16xf32> to vector<16xf32>
      %add3A_186 = arith.addf %add3A_178, %get3A_185 : vector<16xf32>
      %mul3A_187 = arith.constant 16 : i32
      %mul3A_188 = arith.muli %scan3A_58, %mul3A_187 : i32
      %add3A_189 = arith.constant 2048 : i32
      %add3A_190 = arith.addi %add3A_189, %mul3A_188 : i32
      %get3A_191 = arith.index_cast %add3A_190 : i32 to index
      %get3A_192 = tpu.vector_load %arg15[%get3A_191] {strides = array<i32>} : memref<3328xf32, #tpu.memory_space<vmem>>, vector<16xf32>,
      %get3A_193 = vector.shape_cast %get3A_192 : vector<16xf32> to vector<16xf32>
      %add3A_194 = arith.addf %add3A_186, %get3A_193 : vector<16xf32>
      %mul3A_195 = arith.constant 16 : i32
      %mul3A_196 = arith.muli %scan3A_58, %mul3A_195 : i32
      %add3A_197 = arith.constant 2176 : i32
      %add3A_198 = arith.addi %add3A_197, %mul3A_196 : i32
      %get3A_199 = arith.index_cast %add3A_198 : i32 to index
      %get3A_200 = tpu.vector_load %arg15[%get3A_199] {strides = array<i32>} : memref<3328xf32, #tpu.memory_space<vmem>>, vector<16xf32>,
      %get3A_201 = vector.shape_cast %get3A_200 : vector<16xf32> to vector<16xf32>
      %add3A_202 = arith.addf %add3A_194, %get3A_201 : vector<16xf32>
      %mul3A_203 = arith.constant 16 : i32
      %mul3A_204 = arith.muli %scan3A_58, %mul3A_203 : i32
      %add3A_205 = arith.constant 2304 : i32
      %add3A_206 = arith.addi %add3A_205, %mul3A_204 : i32
      %get3A_207 = arith.index_cast %add3A_206 : i32 to index
      %get3A_208 = tpu.vector_load %arg15[%get3A_207] {strides = array<i32>} : memref<3328xf32, #tpu.memory_space<vmem>>, vector<16xf32>,
      %get3A_209 = vector.shape_cast %get3A_208 : vector<16xf32> to vector<16xf32>
      %add3A_210 = arith.addf %add3A_202, %get3A_209 : vector<16xf32>
      %mul3A_211 = arith.constant 16 : i32
      %mul3A_212 = arith.muli %scan3A_58, %mul3A_211 : i32
      %add3A_213 = arith.constant 2432 : i32
      %add3A_214 = arith.addi %add3A_213, %mul3A_212 : i32
      %get3A_215 = arith.index_cast %add3A_214 : i32 to index
      %get3A_216 = tpu.vector_load %arg15[%get3A_215] {strides = array<i32>} : memref<3328xf32, #tpu.memory_space<vmem>>, vector<16xf32>,
      %get3A_217 = vector.shape_cast %get3A_216 : vector<16xf32> to vector<16xf32>
      %add3A_218 = arith.addf %add3A_210, %get3A_217 : vector<16xf32>
      %mul3A_219 = arith.constant 16 : i32
      %mul3A_220 = arith.muli %scan3A_58, %mul3A_219 : i32
      %add3A_221 = arith.constant 2560 : i32
      %add3A_222 = arith.addi %add3A_221, %mul3A_220 : i32
      %get3A_223 = arith.index_cast %add3A_222 : i32 to index
      %get3A_224 = tpu.vector_load %arg15[%get3A_223] {strides = array<i32>} : memref<3328xf32, #tpu.memory_space<vmem>>, vector<16xf32>,
      %get3A_225 = vector.shape_cast %get3A_224 : vector<16xf32> to vector<16xf32>
      %add3A_226 = arith.addf %add3A_218, %get3A_225 : vector<16xf32>
      %mul3A_227 = arith.constant 16 : i32
      %mul3A_228 = arith.muli %scan3A_58, %mul3A_227 : i32
      %add3A_229 = arith.constant 2688 : i32
      %add3A_230 = arith.addi %add3A_229, %mul3A_228 : i32
      %get3A_231 = arith.index_cast %add3A_230 : i32 to index
      %get3A_232 = tpu.vector_load %arg15[%get3A_231] {strides = array<i32>} : memref<3328xf32, #tpu.memory_space<vmem>>, vector<16xf32>,
      %get3A_233 = vector.shape_cast %get3A_232 : vector<16xf32> to vector<16xf32>
      %add3A_234 = arith.addf %add3A_226, %get3A_233 : vector<16xf32>
      %mul3A_235 = arith.constant 16 : i32
      %mul3A_236 = arith.muli %scan3A_58, %mul3A_235 : i32
      %add3A_237 = arith.constant 2816 : i32
      %add3A_238 = arith.addi %add3A_237, %mul3A_236 : i32
      %get3A_239 = arith.index_cast %add3A_238 : i32 to index
      %get3A_240 = tpu.vector_load %arg15[%get3A_239] {strides = array<i32>} : memref<3328xf32, #tpu.memory_space<vmem>>, vector<16xf32>,
      %get3A_241 = vector.shape_cast %get3A_240 : vector<16xf32> to vector<16xf32>
      %add3A_242 = arith.addf %add3A_234, %get3A_241 : vector<16xf32>
      %mul3A_243 = arith.constant 16 : i32
      %mul3A_244 = arith.muli %scan3A_58, %mul3A_243 : i32
      %add3A_245 = arith.constant 2944 : i32
      %add3A_246 = arith.addi %add3A_245, %mul3A_244 : i32
      %get3A_247 = arith.index_cast %add3A_246 : i32 to index
      %get3A_248 = tpu.vector_load %arg15[%get3A_247] {strides = array<i32>} : memref<3328xf32, #tpu.memory_space<vmem>>, vector<16xf32>,
      %get3A_249 = vector.shape_cast %get3A_248 : vector<16xf32> to vector<16xf32>
      %add3A_250 = arith.addf %add3A_242, %get3A_249 : vector<16xf32>
      %mul3A_251 = arith.constant 16 : i32
      %mul3A_252 = arith.muli %scan3A_58, %mul3A_251 : i32
      %add3A_253 = arith.constant 3072 : i32
      %add3A_254 = arith.addi %add3A_253, %mul3A_252 : i32
      %get3A_255 = arith.index_cast %add3A_254 : i32 to index
      %get3A_256 = tpu.vector_load %arg15[%get3A_255] {strides = array<i32>} : memref<3328xf32, #tpu.memory_space<vmem>>, vector<16xf32>,
      %get3A_257 = vector.shape_cast %get3A_256 : vector<16xf32> to vector<16xf32>
      %add3A_258 = arith.addf %add3A_250, %get3A_257 : vector<16xf32>
      %mul3A_259 = arith.constant 16 : i32
      %mul3A_260 = arith.muli %scan3A_58, %mul3A_259 : i32
      %add3A_261 = arith.constant 3200 : i32
      %add3A_262 = arith.addi %add3A_261, %mul3A_260 : i32
      %get3A_263 = arith.index_cast %add3A_262 : i32 to index
      %get3A_264 = tpu.vector_load %arg15[%get3A_263] {strides = array<i32>} : memref<3328xf32, #tpu.memory_space<vmem>>, vector<16xf32>,
      %get3A_265 = vector.shape_cast %get3A_264 : vector<16xf32> to vector<16xf32>
      %add3A_266 = arith.addf %add3A_258, %get3A_265 : vector<16xf32>
      %mul3A_267 = arith.constant 16 : i32
      %mul3A_268 = arith.muli %scan3A_58, %mul3A_267 : i32
      %add3A_269 = arith.constant 256 : i32
      %add3A_270 = arith.addi %add3A_269, %mul3A_268 : i32
      %swap3A = arith.index_cast %add3A_270 : i32 to index
      %swap3A_271 = tpu.vector_load %arg7[%swap3A] {strides = array<i32>} : memref<512xf32, #tpu.memory_space<vmem>>, vector<16xf32>,
      %swap3A_272 = vector.shape_cast %swap3A_271 : vector<16xf32> to vector<16xf32>
      %swap3A_273 = vector.shape_cast %add3A_266 : vector<16xf32> to vector<16xf32>
      tpu.vector_store %arg7[%swap3A], %swap3A_273 {strides = array<i32>} : memref<512xf32, #tpu.memory_space<vmem>>, vector<16xf32>,
    }
    %scan3A_50 = arith.constant 8 : i32
    %dma_wait3A_51 = arith.constant 0 : i32
    %dma_wait3A_52 = tpu.memref_slice %arg3[%dma_wait3A_51] : memref<2600960xf32, #tpu.memory_space<hbm>> -> memref<2600960xf32, #tpu.memory_space<hbm>>
    tpu.wait_indirect_dma semaphore(%arg20 : memref<!tpu.dma_semaphore, #tpu.memory_space<semaphore_mem>>) src(%dma_wait3A_52 : memref<2600960xf32, #tpu.memory_space<hbm>>) dst(%arg16 : memref<3328xf32, #tpu.memory_space<vmem>>)
    %scan3A_53 = arith.constant 0 : i32
    %scan3A_54 = arith.constant 8 : i32
    %scan3A_55 = arith.addi %scan3A_53, %scan3A_54 : i32
    %scan3A_56 = arith.constant 1 : i32
    scf.for %scan3A_58 = %scan3A_53 to %scan3A_55 step %scan3A_56  : i32 {
      %mul3A_59 = arith.constant 16 : i32
      %mul3A_60 = arith.muli %scan3A_58, %mul3A_59 : i32
      %add3A_61 = arith.constant 0 : i32
      %add3A_62 = arith.addi %add3A_61, %mul3A_60 : i32
      %get3A_63 = arith.index_cast %add3A_62 : i32 to index
      %get3A_64 = tpu.vector_load %arg16[%get3A_63] {strides = array<i32>} : memref<3328xf32, #tpu.memory_space<vmem>>, vector<16xf32>,
      %get3A_65 = vector.shape_cast %get3A_64 : vector<16xf32> to vector<16xf32>
      %add3A_66 = arith.addf %get3A_30, %get3A_65 : vector<16xf32>
      %mul3A_67 = arith.constant 16 : i32
      %mul3A_68 = arith.muli %scan3A_58, %mul3A_67 : i32
      %add3A_69 = arith.constant 128 : i32
      %add3A_70 = arith.addi %add3A_69, %mul3A_68 : i32
      %get3A_71 = arith.index_cast %add3A_70 : i32 to index
      %get3A_72 = tpu.vector_load %arg16[%get3A_71] {strides = array<i32>} : memref<3328xf32, #tpu.memory_space<vmem>>, vector<16xf32>,
      %get3A_73 = vector.shape_cast %get3A_72 : vector<16xf32> to vector<16xf32>
      %add3A_74 = arith.addf %add3A_66, %get3A_73 : vector<16xf32>
      %mul3A_75 = arith.constant 16 : i32
      %mul3A_76 = arith.muli %scan3A_58, %mul3A_75 : i32
      %add3A_77 = arith.constant 256 : i32
      %add3A_78 = arith.addi %add3A_77, %mul3A_76 : i32
      %get3A_79 = arith.index_cast %add3A_78 : i32 to index
      %get3A_80 = tpu.vector_load %arg16[%get3A_79] {strides = array<i32>} : memref<3328xf32, #tpu.memory_space<vmem>>, vector<16xf32>,
      %get3A_81 = vector.shape_cast %get3A_80 : vector<16xf32> to vector<16xf32>
      %add3A_82 = arith.addf %add3A_74, %get3A_81 : vector<16xf32>
      %mul3A_83 = arith.constant 16 : i32
      %mul3A_84 = arith.muli %scan3A_58, %mul3A_83 : i32
      %add3A_85 = arith.constant 384 : i32
      %add3A_86 = arith.addi %add3A_85, %mul3A_84 : i32
      %get3A_87 = arith.index_cast %add3A_86 : i32 to index
      %get3A_88 = tpu.vector_load %arg16[%get3A_87] {strides = array<i32>} : memref<3328xf32, #tpu.memory_space<vmem>>, vector<16xf32>,
      %get3A_89 = vector.shape_cast %get3A_88 : vector<16xf32> to vector<16xf32>
      %add3A_90 = arith.addf %add3A_82, %get3A_89 : vector<16xf32>
      %mul3A_91 = arith.constant 16 : i32
      %mul3A_92 = arith.muli %scan3A_58, %mul3A_91 : i32
      %add3A_93 = arith.constant 512 : i32
      %add3A_94 = arith.addi %add3A_93, %mul3A_92 : i32
      %get3A_95 = arith.index_cast %add3A_94 : i32 to index
      %get3A_96 = tpu.vector_load %arg16[%get3A_95] {strides = array<i32>} : memref<3328xf32, #tpu.memory_space<vmem>>, vector<16xf32>,
      %get3A_97 = vector.shape_cast %get3A_96 : vector<16xf32> to vector<16xf32>
      %add3A_98 = arith.addf %add3A_90, %get3A_97 : vector<16xf32>
      %mul3A_99 = arith.constant 16 : i32
      %mul3A_100 = arith.muli %scan3A_58, %mul3A_99 : i32
      %add3A_101 = arith.constant 640 : i32
      %add3A_102 = arith.addi %add3A_101, %mul3A_100 : i32
      %get3A_103 = arith.index_cast %add3A_102 : i32 to index
      %get3A_104 = tpu.vector_load %arg16[%get3A_103] {strides = array<i32>} : memref<3328xf32, #tpu.memory_space<vmem>>, vector<16xf32>,
      %get3A_105 = vector.shape_cast %get3A_104 : vector<16xf32> to vector<16xf32>
      %add3A_106 = arith.addf %add3A_98, %get3A_105 : vector<16xf32>
      %mul3A_107 = arith.constant 16 : i32
      %mul3A_108 = arith.muli %scan3A_58, %mul3A_107 : i32
      %add3A_109 = arith.constant 768 : i32
      %add3A_110 = arith.addi %add3A_109, %mul3A_108 : i32
      %get3A_111 = arith.index_cast %add3A_110 : i32 to index
      %get3A_112 = tpu.vector_load %arg16[%get3A_111] {strides = array<i32>} : memref<3328xf32, #tpu.memory_space<vmem>>, vector<16xf32>,
      %get3A_113 = vector.shape_cast %get3A_112 : vector<16xf32> to vector<16xf32>
      %add3A_114 = arith.addf %add3A_106, %get3A_113 : vector<16xf32>
      %mul3A_115 = arith.constant 16 : i32
      %mul3A_116 = arith.muli %scan3A_58, %mul3A_115 : i32
      %add3A_117 = arith.constant 896 : i32
      %add3A_118 = arith.addi %add3A_117, %mul3A_116 : i32
      %get3A_119 = arith.index_cast %add3A_118 : i32 to index
      %get3A_120 = tpu.vector_load %arg16[%get3A_119] {strides = array<i32>} : memref<3328xf32, #tpu.memory_space<vmem>>, vector<16xf32>,
      %get3A_121 = vector.shape_cast %get3A_120 : vector<16xf32> to vector<16xf32>
      %add3A_122 = arith.addf %add3A_114, %get3A_121 : vector<16xf32>
      %mul3A_123 = arith.constant 16 : i32
      %mul3A_124 = arith.muli %scan3A_58, %mul3A_123 : i32
      %add3A_125 = arith.constant 1024 : i32
      %add3A_126 = arith.addi %add3A_125, %mul3A_124 : i32
      %get3A_127 = arith.index_cast %add3A_126 : i32 to index
      %get3A_128 = tpu.vector_load %arg16[%get3A_127] {strides = array<i32>} : memref<3328xf32, #tpu.memory_space<vmem>>, vector<16xf32>,
      %get3A_129 = vector.shape_cast %get3A_128 : vector<16xf32> to vector<16xf32>
      %add3A_130 = arith.addf %add3A_122, %get3A_129 : vector<16xf32>
      %mul3A_131 = arith.constant 16 : i32
      %mul3A_132 = arith.muli %scan3A_58, %mul3A_131 : i32
      %add3A_133 = arith.constant 1152 : i32
      %add3A_134 = arith.addi %add3A_133, %mul3A_132 : i32
      %get3A_135 = arith.index_cast %add3A_134 : i32 to index
      %get3A_136 = tpu.vector_load %arg16[%get3A_135] {strides = array<i32>} : memref<3328xf32, #tpu.memory_space<vmem>>, vector<16xf32>,
      %get3A_137 = vector.shape_cast %get3A_136 : vector<16xf32> to vector<16xf32>
      %add3A_138 = arith.addf %add3A_130, %get3A_137 : vector<16xf32>
      %mul3A_139 = arith.constant 16 : i32
      %mul3A_140 = arith.muli %scan3A_58, %mul3A_139 : i32
      %add3A_141 = arith.constant 1280 : i32
      %add3A_142 = arith.addi %add3A_141, %mul3A_140 : i32
      %get3A_143 = arith.index_cast %add3A_142 : i32 to index
      %get3A_144 = tpu.vector_load %arg16[%get3A_143] {strides = array<i32>} : memref<3328xf32, #tpu.memory_space<vmem>>, vector<16xf32>,
      %get3A_145 = vector.shape_cast %get3A_144 : vector<16xf32> to vector<16xf32>
      %add3A_146 = arith.addf %add3A_138, %get3A_145 : vector<16xf32>
      %mul3A_147 = arith.constant 16 : i32
      %mul3A_148 = arith.muli %scan3A_58, %mul3A_147 : i32
      %add3A_149 = arith.constant 1408 : i32
      %add3A_150 = arith.addi %add3A_149, %mul3A_148 : i32
      %get3A_151 = arith.index_cast %add3A_150 : i32 to index
      %get3A_152 = tpu.vector_load %arg16[%get3A_151] {strides = array<i32>} : memref<3328xf32, #tpu.memory_space<vmem>>, vector<16xf32>,
      %get3A_153 = vector.shape_cast %get3A_152 : vector<16xf32> to vector<16xf32>
      %add3A_154 = arith.addf %add3A_146, %get3A_153 : vector<16xf32>
      %mul3A_155 = arith.constant 16 : i32
      %mul3A_156 = arith.muli %scan3A_58, %mul3A_155 : i32
      %add3A_157 = arith.constant 1536 : i32
      %add3A_158 = arith.addi %add3A_157, %mul3A_156 : i32
      %get3A_159 = arith.index_cast %add3A_158 : i32 to index
      %get3A_160 = tpu.vector_load %arg16[%get3A_159] {strides = array<i32>} : memref<3328xf32, #tpu.memory_space<vmem>>, vector<16xf32>,
      %get3A_161 = vector.shape_cast %get3A_160 : vector<16xf32> to vector<16xf32>
      %add3A_162 = arith.addf %add3A_154, %get3A_161 : vector<16xf32>
      %mul3A_163 = arith.constant 16 : i32
      %mul3A_164 = arith.muli %scan3A_58, %mul3A_163 : i32
      %add3A_165 = arith.constant 1664 : i32
      %add3A_166 = arith.addi %add3A_165, %mul3A_164 : i32
      %get3A_167 = arith.index_cast %add3A_166 : i32 to index
      %get3A_168 = tpu.vector_load %arg16[%get3A_167] {strides = array<i32>} : memref<3328xf32, #tpu.memory_space<vmem>>, vector<16xf32>,
      %get3A_169 = vector.shape_cast %get3A_168 : vector<16xf32> to vector<16xf32>
      %add3A_170 = arith.addf %add3A_162, %get3A_169 : vector<16xf32>
      %mul3A_171 = arith.constant 16 : i32
      %mul3A_172 = arith.muli %scan3A_58, %mul3A_171 : i32
      %add3A_173 = arith.constant 1792 : i32
      %add3A_174 = arith.addi %add3A_173, %mul3A_172 : i32
      %get3A_175 = arith.index_cast %add3A_174 : i32 to index
      %get3A_176 = tpu.vector_load %arg16[%get3A_175] {strides = array<i32>} : memref<3328xf32, #tpu.memory_space<vmem>>, vector<16xf32>,
      %get3A_177 = vector.shape_cast %get3A_176 : vector<16xf32> to vector<16xf32>
      %add3A_178 = arith.addf %add3A_170, %get3A_177 : vector<16xf32>
      %mul3A_179 = arith.constant 16 : i32
      %mul3A_180 = arith.muli %scan3A_58, %mul3A_179 : i32
      %add3A_181 = arith.constant 1920 : i32
      %add3A_182 = arith.addi %add3A_181, %mul3A_180 : i32
      %get3A_183 = arith.index_cast %add3A_182 : i32 to index
      %get3A_184 = tpu.vector_load %arg16[%get3A_183] {strides = array<i32>} : memref<3328xf32, #tpu.memory_space<vmem>>, vector<16xf32>,
      %get3A_185 = vector.shape_cast %get3A_184 : vector<16xf32> to vector<16xf32>
      %add3A_186 = arith.addf %add3A_178, %get3A_185 : vector<16xf32>
      %mul3A_187 = arith.constant 16 : i32
      %mul3A_188 = arith.muli %scan3A_58, %mul3A_187 : i32
      %add3A_189 = arith.constant 2048 : i32
      %add3A_190 = arith.addi %add3A_189, %mul3A_188 : i32
      %get3A_191 = arith.index_cast %add3A_190 : i32 to index
      %get3A_192 = tpu.vector_load %arg16[%get3A_191] {strides = array<i32>} : memref<3328xf32, #tpu.memory_space<vmem>>, vector<16xf32>,
      %get3A_193 = vector.shape_cast %get3A_192 : vector<16xf32> to vector<16xf32>
      %add3A_194 = arith.addf %add3A_186, %get3A_193 : vector<16xf32>
      %mul3A_195 = arith.constant 16 : i32
      %mul3A_196 = arith.muli %scan3A_58, %mul3A_195 : i32
      %add3A_197 = arith.constant 2176 : i32
      %add3A_198 = arith.addi %add3A_197, %mul3A_196 : i32
      %get3A_199 = arith.index_cast %add3A_198 : i32 to index
      %get3A_200 = tpu.vector_load %arg16[%get3A_199] {strides = array<i32>} : memref<3328xf32, #tpu.memory_space<vmem>>, vector<16xf32>,
      %get3A_201 = vector.shape_cast %get3A_200 : vector<16xf32> to vector<16xf32>
      %add3A_202 = arith.addf %add3A_194, %get3A_201 : vector<16xf32>
      %mul3A_203 = arith.constant 16 : i32
      %mul3A_204 = arith.muli %scan3A_58, %mul3A_203 : i32
      %add3A_205 = arith.constant 2304 : i32
      %add3A_206 = arith.addi %add3A_205, %mul3A_204 : i32
      %get3A_207 = arith.index_cast %add3A_206 : i32 to index
      %get3A_208 = tpu.vector_load %arg16[%get3A_207] {strides = array<i32>} : memref<3328xf32, #tpu.memory_space<vmem>>, vector<16xf32>,
      %get3A_209 = vector.shape_cast %get3A_208 : vector<16xf32> to vector<16xf32>
      %add3A_210 = arith.addf %add3A_202, %get3A_209 : vector<16xf32>
      %mul3A_211 = arith.constant 16 : i32
      %mul3A_212 = arith.muli %scan3A_58, %mul3A_211 : i32
      %add3A_213 = arith.constant 2432 : i32
      %add3A_214 = arith.addi %add3A_213, %mul3A_212 : i32
      %get3A_215 = arith.index_cast %add3A_214 : i32 to index
      %get3A_216 = tpu.vector_load %arg16[%get3A_215] {strides = array<i32>} : memref<3328xf32, #tpu.memory_space<vmem>>, vector<16xf32>,
      %get3A_217 = vector.shape_cast %get3A_216 : vector<16xf32> to vector<16xf32>
      %add3A_218 = arith.addf %add3A_210, %get3A_217 : vector<16xf32>
      %mul3A_219 = arith.constant 16 : i32
      %mul3A_220 = arith.muli %scan3A_58, %mul3A_219 : i32
      %add3A_221 = arith.constant 2560 : i32
      %add3A_222 = arith.addi %add3A_221, %mul3A_220 : i32
      %get3A_223 = arith.index_cast %add3A_222 : i32 to index
      %get3A_224 = tpu.vector_load %arg16[%get3A_223] {strides = array<i32>} : memref<3328xf32, #tpu.memory_space<vmem>>, vector<16xf32>,
      %get3A_225 = vector.shape_cast %get3A_224 : vector<16xf32> to vector<16xf32>
      %add3A_226 = arith.addf %add3A_218, %get3A_225 : vector<16xf32>
      %mul3A_227 = arith.constant 16 : i32
      %mul3A_228 = arith.muli %scan3A_58, %mul3A_227 : i32
      %add3A_229 = arith.constant 2688 : i32
      %add3A_230 = arith.addi %add3A_229, %mul3A_228 : i32
      %get3A_231 = arith.index_cast %add3A_230 : i32 to index
      %get3A_232 = tpu.vector_load %arg16[%get3A_231] {strides = array<i32>} : memref<3328xf32, #tpu.memory_space<vmem>>, vector<16xf32>,
      %get3A_233 = vector.shape_cast %get3A_232 : vector<16xf32> to vector<16xf32>
      %add3A_234 = arith.addf %add3A_226, %get3A_233 : vector<16xf32>
      %mul3A_235 = arith.constant 16 : i32
      %mul3A_236 = arith.muli %scan3A_58, %mul3A_235 : i32
      %add3A_237 = arith.constant 2816 : i32
      %add3A_238 = arith.addi %add3A_237, %mul3A_236 : i32
      %get3A_239 = arith.index_cast %add3A_238 : i32 to index
      %get3A_240 = tpu.vector_load %arg16[%get3A_239] {strides = array<i32>} : memref<3328xf32, #tpu.memory_space<vmem>>, vector<16xf32>,
      %get3A_241 = vector.shape_cast %get3A_240 : vector<16xf32> to vector<16xf32>
      %add3A_242 = arith.addf %add3A_234, %get3A_241 : vector<16xf32>
      %mul3A_243 = arith.constant 16 : i32
      %mul3A_244 = arith.muli %scan3A_58, %mul3A_243 : i32
      %add3A_245 = arith.constant 2944 : i32
      %add3A_246 = arith.addi %add3A_245, %mul3A_244 : i32
      %get3A_247 = arith.index_cast %add3A_246 : i32 to index
      %get3A_248 = tpu.vector_load %arg16[%get3A_247] {strides = array<i32>} : memref<3328xf32, #tpu.memory_space<vmem>>, vector<16xf32>,
      %get3A_249 = vector.shape_cast %get3A_248 : vector<16xf32> to vector<16xf32>
      %add3A_250 = arith.addf %add3A_242, %get3A_249 : vector<16xf32>
      %mul3A_251 = arith.constant 16 : i32
      %mul3A_252 = arith.muli %scan3A_58, %mul3A_251 : i32
      %add3A_253 = arith.constant 3072 : i32
      %add3A_254 = arith.addi %add3A_253, %mul3A_252 : i32
      %get3A_255 = arith.index_cast %add3A_254 : i32 to index
      %get3A_256 = tpu.vector_load %arg16[%get3A_255] {strides = array<i32>} : memref<3328xf32, #tpu.memory_space<vmem>>, vector<16xf32>,
      %get3A_257 = vector.shape_cast %get3A_256 : vector<16xf32> to vector<16xf32>
      %add3A_258 = arith.addf %add3A_250, %get3A_257 : vector<16xf32>
      %mul3A_259 = arith.constant 16 : i32
      %mul3A_260 = arith.muli %scan3A_58, %mul3A_259 : i32
      %add3A_261 = arith.constant 3200 : i32
      %add3A_262 = arith.addi %add3A_261, %mul3A_260 : i32
      %get3A_263 = arith.index_cast %add3A_262 : i32 to index
      %get3A_264 = tpu.vector_load %arg16[%get3A_263] {strides = array<i32>} : memref<3328xf32, #tpu.memory_space<vmem>>, vector<16xf32>,
      %get3A_265 = vector.shape_cast %get3A_264 : vector<16xf32> to vector<16xf32>
      %add3A_266 = arith.addf %add3A_258, %get3A_265 : vector<16xf32>
      %mul3A_267 = arith.constant 16 : i32
      %mul3A_268 = arith.muli %scan3A_58, %mul3A_267 : i32
      %add3A_269 = arith.constant 384 : i32
      %add3A_270 = arith.addi %add3A_269, %mul3A_268 : i32
      %swap3A = arith.index_cast %add3A_270 : i32 to index
      %swap3A_271 = tpu.vector_load %arg7[%swap3A] {strides = array<i32>} : memref<512xf32, #tpu.memory_space<vmem>>, vector<16xf32>,
      %swap3A_272 = vector.shape_cast %swap3A_271 : vector<16xf32> to vector<16xf32>
      %swap3A_273 = vector.shape_cast %add3A_266 : vector<16xf32> to vector<16xf32>
      tpu.vector_store %arg7[%swap3A], %swap3A_273 {strides = array<i32>} : memref<512xf32, #tpu.memory_space<vmem>>, vector<16xf32>,
    }
    %scan3A_57 = arith.constant 8 : i32
    "tpu.region"() ({
      %run_scoped3A = tpu.sem_alloc : memref<!tpu.dma_semaphore, #tpu.memory_space<semaphore_mem>>
      %dma_start3A_58 = tpu.memref_slice %arg5[%mul3A_2] : memref<16384xf32, #tpu.memory_space<hbm>> -> memref<512xf32, #tpu.memory_space<hbm>>
      %dma_start3A_59 = tpu.memref_slice %arg5[%mul3A_2] : memref<16384xf32, #tpu.memory_space<hbm>> -> memref<512xf32, #tpu.memory_space<hbm>>
      tpu.enqueue_dma source(%arg7 : memref<512xf32, #tpu.memory_space<vmem>>) target(%dma_start3A_59 : memref<512xf32, #tpu.memory_space<hbm>>) target_semaphore(%run_scoped3A : memref<!tpu.dma_semaphore, #tpu.memory_space<semaphore_mem>>)
      %dma_wait3A_60 = tpu.memref_slice %arg5[%mul3A_2] : memref<16384xf32, #tpu.memory_space<hbm>> -> memref<512xf32, #tpu.memory_space<hbm>>
      %dma_wait3A_61 = tpu.memref_slice %arg5[%mul3A_2] : memref<16384xf32, #tpu.memory_space<hbm>> -> memref<512xf32, #tpu.memory_space<hbm>>
      tpu.wait_dma2 semaphore(%run_scoped3A : memref<!tpu.dma_semaphore, #tpu.memory_space<semaphore_mem>>) src(%arg7 : memref<512xf32, #tpu.memory_space<vmem>>) dst(%dma_wait3A_61 : memref<512xf32, #tpu.memory_space<hbm>>)
      tpu.yield
    }) : () -> ()
    return
  }
}

</mosaic_0001>

<sc_bundles>
// kernel: kernel.3.cloned.1.call-start
scs
__scs_entry_jumppad:
0x0: {  	(pc) =	sbr.rel $0x88, $3  }
0x1: {  	(tag) =	ssettag $0x0;
	lr =	simm.s32 $0x1  }
0x2: {  	[smem:$0x3F9E] =	sst lr;
	_ =	strace $0xD0000000  }
0x3: {  	_ = 	snop  }
0x4: {  	_ = 	snop  }
0x5: {  	_ = 	snop  }
0x6: {  	_ = 	snop  }
0x7: {  	_ = 	snop  }
__scs_overlays_trampoline_lowered:
0x8: {  	[smem:$0x3FAD] =	sst s0  }
0x9: {  	[smem:$0x3FAE] =	sst s1  }
0xa: {  	[smem:$0x3FAF] =	sst s2  }
0xb: {  	[smem:$0x3FB0] =	sst s3  }
0xc: {  	[smem:$0x3FB1] =	sst s4  }
0xd: {  	[smem:$0x3FB2] =	sst s5  }
0xe: {  	[smem:$0x3FB3] =	sst s6  }
0xf: {  	[smem:$0x3FB4] =	sst s7  }
0x10: {  	[smem:$0x3FB5] =	sst s8  }
0x11: {  	[smem:$0x3FB6] =	sst s9;
	s0 =	simm.s32 @!p0 $0x0  }
0x12: {  	s1 =	sld [smem:$0x3F9C];
	s0 =	simm.s32 @p0 $0x1  }
0x13: {  	[smem:$0x3FB7] =	sst s0;
	s0 =	simm.s32 @!p1 $0x0  }
0x14: {  	s2 =	sld [smem:$0x3F9B];
	s0 =	simm.s32 @p1 $0x1  }
0x15: {  	[smem:$0x3FB8] =	sst s0;
	s0 =	simm.s32 @!p2 $0x0  }
0x16: {  	s3 =	sld [smem:$0x3FDB];
	s0 =	simm.s32 @p2 $0x1  }
0x17: {  	s4 =	simm.s32 $0x1BF5;
	[smem:$0x3FBA] =	sst s0  }
0x18: {  	s0 =	sld [smem:$0x3F9D];
	_ =	swait.ge [sflag:s4], $0x0  }
0x19: {  	s7 =	sld [smem:$0x3F9E]  }
0x1a: {  	s8 =	sadd.s32 $0xFFFFE003, lr  }
0x1b: {  	s9 =	sadd.s32 $0xFFFFFEF7, lr;
	s5 =	simm.s32 $0xFFFFFFFF;
	p2 =	slt.u32 s8, $0xFFFFF086  }
0x1c: {  	p1 =	slt.u32 s9, $0xF7A;
	s5 =	simm.s32 @!p2 $0x0  }
0x1d: {  	s5 =	simm.s32 @p1 $0x1;
	p0 =	seq.s32 s7, s2  }
0x1e: {  	s7 =	smul.u32 @!p0 $0xF7A, s2;
	p2 =	seq.s32 @!p0 s5, $0x0  }
0x1f: {  	s9 =	smul.u32 $0xF7A, s1;
	s8 =	simm.s32 @!p0 $0x1BF5;
	p2 =	por !p2, p0  }
0x20: {  	[sflag:s8] =	ssyncset.s32 @!p0 $0xFFFFF086;
	s6 =	sadd.s32 @!p0 s3, s7;
	s7 =	simm.s32 @!p0 $0x108  }
0x21: {  	s3 =	sadd.s32 s3, s9;
	s6 =	sadd.s32 @!p0 $0x88, s6;
	s7 =	simm.s32 @p2 $0x1082  }
0x22: {  	[simem:s7], [sflag:s8] =	dma.local @!p0 [hbm:s6], $0xF7A  }
0x23: {  	s9 =	sor.u32 $0xD0000000, s2;
	s6 =	simm.s32 $0x108;
	_ =	swait.ge @!p0 [sflag:s8], $0x0  }
0x24: {  	s3 =	sadd.s32 $0x88, s3;
	s6 =	simm.s32 @!p1 $0x1082;
	[sflag:s4] =	ssyncset.s32 $0xFFFFF086  }
0x25: {  	[simem:s6], [sflag:s4] =	dma.local [hbm:s3], $0xF7A  }
0x26: {  	[smem:$0x3F9E] =	sst s1;
	(tag) =	ssettag s2;
	_ =	strace s9  }
0x27: {  	s1 =	sld [smem:$0x3FAE]  }
0x28: {  	s2 =	sld [smem:$0x3FAF]  }
0x29: {  	s4 =	sld [smem:$0x3FB1]  }
0x2a: {  	p0 =	seq.s32 s5, $0x0;
	s5 =	sld [smem:$0x3FB2]  }
0x2b: {  	s6 =	sld [smem:$0x3FB3]  }
0x2c: {  	s7 =	sld [smem:$0x3FB4]  }
0x2d: {  	s3 =	simm.s32 $0x108;
	s8 =	sld [smem:$0x3FB5]  }
0x2e: {  	s3 =	simm.s32 @!p0 $0x1082;
	s9 =	sld [smem:$0x3FB6]  }
0x2f: {  	lr =	sadd.s32 s0, s3;
	s0 =	sld [smem:$0x3FAD]  }
0x30: {  	s3 =	sld [smem:$0x3FB0]  }
0x31: {  	[smem:$0x3FB9] =	sst s10  }
0x32: {  	s10 =	sld [smem:$0x3FB7];
	_ =	sdelay $0x3  }
0x33: {  	p0 =	seq.s32 s10, $0x1;
	s10 =	sld [smem:$0x3FB9];
	_ =	sdelay $0x3  }
0x34: {  	[smem:$0x3FB9] =	sst s10  }
0x35: {  	s10 =	sld [smem:$0x3FB8];
	_ =	sdelay $0x3  }
0x36: {  	p1 =	seq.s32 s10, $0x1;
	s10 =	sld [smem:$0x3FB9];
	_ =	sdelay $0x3  }
0x37: {  	[smem:$0x3FB9] =	sst s10  }
0x38: {  	s10 =	sld [smem:$0x3FBA]  }
0x39: {  	_ = 	snop;
	(pc) =	sbr.ind lr, $3  }
0x3a: {  	_ = 	snop  }
0x3b: {  	_ = 	snop  }
0x3c: {  	p2 =	seq.s32 s10, $0x1;
	s10 =	sld [smem:$0x3FB9]  }
0x3d: {  	_ =	shalt  }
0x3e: {  	_ =	shalt  }
0x3f: {  	_ =	shalt  }
0x40: {  	_ =	shalt  }
0x41: {  	_ =	shalt  }
0x42: {  	_ =	shalt  }
0x43: {  	_ =	shalt  }
0x44: {  	_ =	shalt  }
0x45: {  	_ =	shalt  }
0x46: {  	_ =	shalt  }
0x47: {  	_ =	shalt  }
0x48: {  	_ =	shalt  }
0x49: {  	_ =	shalt  }
0x4a: {  	_ =	shalt  }
0x4b: {  	_ =	shalt  }
0x4c: {  	_ =	shalt  }
0x4d: {  	_ =	shalt  }
0x4e: {  	_ =	shalt  }
0x4f: {  	_ =	shalt  }
0x50: {  	_ =	shalt  }
0x51: {  	_ =	shalt  }
0x52: {  	_ =	shalt  }
0x53: {  	_ =	shalt  }
0x54: {  	_ =	shalt  }
0x55: {  	_ =	shalt  }
0x56: {  	_ =	shalt  }
0x57: {  	_ =	shalt  }
0x58: {  	_ =	shalt  }
0x59: {  	_ =	shalt  }
0x5a: {  	_ =	shalt  }
0x5b: {  	_ =	shalt  }
0x5c: {  	_ =	shalt  }
0x5d: {  	_ =	shalt  }
0x5e: {  	_ =	shalt  }
0x5f: {  	_ =	shalt  }
0x60: {  	_ =	shalt  }
0x61: {  	_ =	shalt  }
0x62: {  	_ =	shalt  }
0x63: {  	_ =	shalt  }
0x64: {  	_ =	shalt  }
0x65: {  	_ =	shalt  }
0x66: {  	_ =	shalt  }
0x67: {  	_ =	shalt  }
0x68: {  	_ =	shalt  }
0x69: {  	_ =	shalt  }
0x6a: {  	_ =	shalt  }
0x6b: {  	_ =	shalt  }
0x6c: {  	_ =	shalt  }
0x6d: {  	_ =	shalt  }
0x6e: {  	_ =	shalt  }
0x6f: {  	_ =	shalt  }
0x70: {  	_ =	shalt  }
0x71: {  	_ =	shalt  }
0x72: {  	_ =	shalt  }
0x73: {  	_ =	shalt  }
0x74: {  	_ =	shalt  }
0x75: {  	_ =	shalt  }
0x76: {  	_ =	shalt  }
0x77: {  	_ =	shalt  }
0x78: {  	_ =	shalt  }
0x79: {  	_ =	shalt  }
0x7a: {  	_ =	shalt  }
0x7b: {  	_ =	shalt  }
0x7c: {  	_ =	shalt  }
0x7d: {  	_ =	shalt  }
0x7e: {  	_ =	shalt  }
0x7f: {  	_ =	shalt  }
0x80: {  	_ =	shalt  }
0x81: {  	_ =	shalt  }
0x82: {  	_ =	shalt  }
0x83: {  	_ =	shalt  }
0x84: {  	_ =	shalt  }
0x85: {  	_ =	shalt  }
0x86: {  	_ =	shalt  }
0x87: {  	_ =	shalt  }
.Lfunc_end0:
.L_simem_size_0:
called_computation_lowered:
.L_overlay_start_0:
0x88: {  	s2 =	sld [smem:$0x3FD9]  }
0x89: {  	s3 =	sld [smem:$0x3FFE];
	_ =	sdelay $0x1  }
0x8a: {  	s1 =	srdreg.scid  }
0x8b: {  	s0 =	sand.u32 $0x1, s1  }
0x8c: {  	s17 =	sshll.u32 s0, $0xA;
	s2 =	sadd.s32 s3, s2  }
0x8d: {  	s2 =	sadd.s32 s2, s17  }
0x8e: {  	[smem:$0x3FC5] =	sst s2  }
0x8f: {  	_ = 	snop  }
0x90: {  	s2 =	sld [smem:$0x3FC9]  }
0x91: {  	s18 =	sld [smem:$0x3FD0];
	(tm) =	ssettm $0x1  }
0x92: {  	s4 =	sld [smem:$0x3FFB];
	_ =	sdelay $0x3  }
0x93: {  	_ =	strace s4  }
0x94: {  	s4 =	sld [smem:$0x3FFC];
	_ =	sdelay $0x3  }
0x95: {  	_ =	strace s4  }
0x96: {  	s4 =	sld [smem:$0x3FFD];
	_ =	sdelay $0x3  }
0x97: {  	_ =	strace s4  }
0x98: {  	_ =	strace $0x8FFFFFFF  }
0x99: {  	s19 =	sld [smem:$0x3FDB];
	_ =	sdelay $0x1  }
0x9a: {  	s5 =	simm.s32 $_scs_section_size  }
0x9b: {  	s6 =	simm.s32 $_size__tile_overlayer_lowered;
	s7 =	simm.s32 $_tile_overlayer_lowered  }
0x9c: {  	s22 =	simm.s32 $0x1BFF;
	s21 =	sshll.u32 s7, $0x1;
	s4 =	sadd.s32 s5, s19  }
0x9d: {  	s8 =	simm.s32 $0x0;
	s20 =	sshll.u32 s6, $0x1;
	s6 =	sadd.s32 s21, s4  }
0x9e: {  	[timem:s8], [sflag:s22] =	dma.local [hbm:s6], s20  }
0x9f: {  	_ =	swait.ge [sflag:s22], s20  }
0xa0: {  	s5 =	ssub.s32 $0x0, s20;
	[sflag:s22] =	ssyncset.done $0x0  }
0xa1: {  	[sflag:s22] =	ssyncadd.s32 s5;
	_ =	sdelay $0x1  }
0xa2: {  	s23 =	simm.s32 $0x1B8B  }
0xa3: {  	_ =	swait.ge [sflag:s23], $0x1  }
0xa4: {  	[sflag:s23] =	ssyncset.done $0x0  }
0xa5: {  	s25 =	simm.s32 $0x1B8E;
	s24 =	sld [smem:$0x3FFE];
	[sflag:s23] =	ssyncadd.s32 $0xFFFFFFFF  }
0xa6: {  	s26 =	simm.s32 $execute0_lowered;
	[smem:$0x3FD2] =	sst s25  }
0xa7: {  	s6 =	sshll.u32 s26, $0x1;
	_ =	strace $0x80000046;
	[dreg:$0x1] =	wrdreg $0xFFFFFFFF  }
0xa8: {  	s28 =	simm.s32 $_size_execute0_lowered;
	s4 =	sadd.s32 s4, s6;
	[dreg:$0x0] =	wrdreg $0x0  }
0xa9: {  	s6 =	sshll.u32 s28, $0x1;
	[dreg:$0x2] =	wrdreg s4  }
0xaa: {  	[dreg:$0x3] =	wrdreg s6  }
0xab: {  	[dreg:$0x4] =	wrdreg $0xC0  }
0xac: {  	_ =	task [dreg:s8], $0x5FFFF  }
0xad: {  	[dreg:$0x1] =	wrdreg $0xFFFFFFFF  }
0xae: {  	[dreg:$0x0] =	wrdreg $0x60  }
0xaf: {  	[dreg:$0x2] =	wrdreg s2  }
0xb0: {  	[dreg:$0x3] =	wrdreg s24  }
0xb1: {  	[dreg:$0x4] =	wrdreg s18  }
0xb2: {  	[dreg:$0x5] =	wrdreg $0x9  }
0xb3: {  	_ =	task.clear_ibuf [dreg:s8], $0x6FFFF;
	_ =	strace $0x90000046  }
0xb4: {  	s29 =	simm.s32 $0x9;
	_ =	strace $0x80000048  }
0xb5: {  	_ =	swait.ge [sflag:s29], $0x1  }
0xb6: {  	[sflag:s29] =	ssyncadd.s32 $0xFFFFFFFF  }
0xb7: {  	_ =	strace $0x90000048  }
0xb8: {  	_ =	sfence  }
0xb9: {  	s30 =	sld [smem:$0x0];
	_ =	sdelay $0x2  }
0xba: {  	s31 =	sshll.u32 s1, $0xD;
	s1 =	sshrl.u32 s1, $0x2  }
0xbb: {  	s3 =	sand.u32 $0x4000, s31;
	s1 =	sadd.s32 s1, s30  }
0xbc: {  	s0 =	sor.u32 s3, s0;
	s1 =	sshll.u32 s1, $0x11  }
0xbd: {  	s0 =	sor.u32 s1, s0  }
0xbe: {  	s0 =	sadd.s32 $0x8F2B, s0  }
0xbf: {  	[sflag:s0] =	ssyncadd.remote.s32 $0x1  }
0xc0: {  	_ =	sfence.sel $0xFFFF  }
0xc1: {  	[dreg:$0x0] =	wrdreg $0xFFFFFFFF;
	(pc) =	sbr.abs _section_cstart, $3  }
0xc2: {  	[dreg:$0x1] =	wrdreg $0xFFFFFFFF  }
0xc3: {  	_ =	task.clear_ibuf [dreg:s8], $0x2FFFF;
	_ =	strace $0x9FFFFFFF  }
0xc4: {  	(tm) =	ssettm $0x7FFFFFFF  }
0xc5: {  	_ =	shalt  }
tec
execute0_lowered:
.L_overlay_start_1:
0x0: {  	(tag) =	ssettag $0x1  }
0x1: {  	s5 =	rddreg [dreg:$0x0]  }
0x2: {  	s4 =	rddreg [dreg:$0x1]  }
0x3: {  	s6 =	rddreg [dreg:$0x2]  }
0x4: {  	s0 =	rddreg [dreg:$0x3];
	s1 =	simm.s32 $0x0  }
0x5: {  	s7 =	srdreg.scid;
	s2 =	stileid.u32;
	s11 =	simm.s32 $0x4200  }
0x6: {  	s12 =	simm.s32 $0xD00;
	s13 =	simm.s32 $0x4280;
	s14 =	simm.s32 $0x7680  }
0x7: {  	s15 =	simm.s32 $0x4F80;
	s16 =	simm.s32 $0x8380;
	s17 =	simm.s32 $0x5C80  }
0x8: {  	s18 =	simm.s32 $0x9080;
	s19 =	simm.s32 $0x6980;
	s20 =	simm.s32 $0x9D80  }
0x9: {  	s21 =	simm.s32 $0x1;
	s22 =	simm.s32 $0x2;
	s23 =	simm.s32 $0x3  }
0xa: {  	s24 =	simm.s32 $0x4;
	s25 =	simm.s32 $0x4000;
	s26 =	simm.s32 $0x0  }
0xb: {  	[smem:$0x7FF] =	sst s1;
	s3 =	sadd.s32 $0x400, s4;
	s7 =	sand.u32 $0x1, s7  }
0xc: {  	s9 =	sshll.u32 s2, $0xA;
	s4 =	sadd.s32 $0x4FA00, s4;
	s8 =	ssub.s32 $0x2, s7  }
0xd: {  	_ =	strace $0x80000047;
	s7 =	sshll.u32 s7, $0x9;
	s10 =	sshrl.u32 s8, $0x1  }
0xe: {  	s7 =	sor.u32 s7, s9;
	s9 =	simm.s32 $0x20000;
	s8 =	ssub.s32 s8, s10  }
0xf: {  	s5 =	sadd.s32 s5, s7;
	s7 =	sshrl.u32 s7, $0x3;
	s10 =	simm.s32 $0x5  }
0x10: {  	s6 =	sadd.s32 s6, s7;
	s7 =	smax.u32 s8, $0x1;
	s8 =	simm.s32 $0x1000  }
.LBB2_1:
0x11: {  	[tilespmem:s1], [sflag:$0x5] =	stream.strided.gather [hbm4b:s5+s8], $0x4000, s9, s8, $0x38;
	[tilespmem:$0xAA80] =	vst v63  }
0x12: {  	_ =	swait.ge [sflag:s10], $0x4000  }
0x13: {  	[sflag:s10] =	ssyncset.done $0x0  }
0x14: {  	[sflag:s10] =	ssyncadd.s32 $0xFFFFC000  }
0x15: {  	[tilespmem:s11], [sflag:$0x5] =	stream.linear.gather [hbm4b:s4+s1], $0x80, $0x38;
	[tilespmem:$0xAA80] =	vst v63  }
0x16: {  	_ =	swait.ge [sflag:s10], $0x80  }
0x17: {  	[sflag:s10] =	ssyncset.done $0x0  }
0x18: {  	s28 =	simm.s32 $0x0;
	[sflag:s10] =	ssyncadd.s32 $0xFFFFFF80  }
0x19: {  	v0 =	vld [tilespmem:s28+$0x3080]  }
0x1a: {  	v1 =	vld [tilespmem:s28+$0x80]  }
0x1b: {  	v2 =	vld [tilespmem:s28+$0x100]  }
0x1c: {  	v3 =	vld [tilespmem:s28+$0x180]  }
0x1d: {  	v4 =	vld [tilespmem:s28+$0x200]  }
0x1e: {  	v5 =	vld [tilespmem:s28+$0x280];
	v0 =	vadd.s32 $0x2625A0, v0  }
0x1f: {  	v6 =	vld [tilespmem:s28+$0x300];
	v1 =	vadd.s32 $0x186A0, v1;
	[tilespmem:s28+$0x4F00] =	vst v0  }
0x20: {  	[tilespmem:s28+$0x4300] =	vst v1;
	v0 =	vadd.s32 $0x30D40, v2;
	v1 =	vld [tilespmem:s28+$0x380]  }
0x21: {  	v2 =	vld [tilespmem:s28+$0x1000];
	[tilespmem:s28+$0x4380] =	vst v0;
	v0 =	vadd.s32 $0x493E0, v3  }
0x22: {  	v3 =	vld [tilespmem:s28+$0x1080];
	[tilespmem:s28+$0x4400] =	vst v0;
	v0 =	vadd.s32 $0x61A80, v4  }
0x23: {  	v4 =	vld [tilespmem:s28+$0x1100];
	[tilespmem:s28+$0x4480] =	vst v0;
	v0 =	vadd.s32 $0x7A120, v5  }
0x24: {  	v5 =	vld [tilespmem:s28+$0x1180];
	[tilespmem:s28+$0x4500] =	vst v0;
	v0 =	vadd.s32 $0x927C0, v6  }
0x25: {  	[tilespmem:s28+$0x4580] =	vst v0;
	v0 =	vadd.s32 $0xAAE60, v1;
	v1 =	vld [tilespmem:s28+$0x1200]  }
0x26: {  	[tilespmem:s28+$0x4600] =	vst v0;
	v0 =	vadd.s32 $0xC3500, v2;
	v2 =	vld [tilespmem:s28+$0x1280]  }
0x27: {  	[tilespmem:s28+$0x4680] =	vst v0;
	v0 =	vadd.s32 $0xDBBA0, v3;
	v3 =	vld [tilespmem:s28+$0x1300]  }
0x28: {  	[tilespmem:s28+$0x4700] =	vst v0;
	v0 =	vadd.s32 $0xF4240, v4;
	v4 =	vld [tilespmem:s28+$0x1380]  }
0x29: {  	[tilespmem:s28+$0x4780] =	vst v0;
	v0 =	vadd.s32 $0x10C8E0, v5;
	v5 =	vld [tilespmem:s28+$0x2000]  }
0x2a: {  	v7 =	vld [tilespmem:s28+$0x2180];
	[tilespmem:s28+$0x4800] =	vst v0;
	v0 =	vadd.s32 $0x124F80, v1  }
0x2b: {  	v1 =	vld [tilespmem:s28+$0x2080];
	[tilespmem:s28+$0x4880] =	vst v0;
	v0 =	vadd.s32 $0x13D620, v2  }
0x2c: {  	v6 =	vld [tilespmem:s28+$0x2100];
	[tilespmem:s28+$0x4900] =	vst v0;
	v0 =	vadd.s32 $0x155CC0, v3  }
0x2d: {  	v8 =	vld [tilespmem:s28+$0x2200];
	[tilespmem:s28+$0x4980] =	vst v0;
	v0 =	vadd.s32 $0x16E360, v4  }
0x2e: {  	v2 =	vld [tilespmem:s28+$0x2280];
	[tilespmem:s28+$0x4A00] =	vst v0;
	v0 =	vadd.s32 $0x186A00, v5  }
0x2f: {  	v3 =	vld [tilespmem:s28+$0x2300];
	v5 =	vadd.s32 $0x1CFDE0, v7;
	[tilespmem:s28+$0x4A80] =	vst v0  }
0x30: {  	v4 =	vld [tilespmem:s28+$0x2380];
	v0 =	vadd.s32 $0x19F0A0, v1;
	[tilespmem:s28+$0x4C00] =	vst v5  }
0x31: {  	v1 =	vld [tilespmem:s28+$0x3000];
	[tilespmem:s28+$0x4B00] =	vst v0;
	v0 =	vadd.s32 $0x1B7740, v6  }
0x32: {  	s29 =	simm.s32 $0x10;
	s30 =	simm.s32 $0x80;
	v5 =	vadd.s32 $0x1E8480, v8;
	[tilespmem:s28+$0x4B80] =	vst v0;
	v0 =	vld [tilespmem:s28+$0x0]  }
.LBB2_2:
0x33: {  	p0 =	sne.s32 s30, $0x1C0;
	v6 =	vld [tilespmem:s29+$0x3080];
	[tilespmem:s28+$0x4C80] =	vst v5;
	v2 =	vadd.s32 $0x200B20, v2  }
0x34: {  	v5 =	vld [tilespmem:s29+$0x80];
	[tilespmem:s28+$0x4D00] =	vst v2;
	v2 =	vadd.s32 $0x2191C0, v3  }
0x35: {  	v3 =	vld [tilespmem:s29+$0x100];
	[tilespmem:s28+$0x4D80] =	vst v2;
	v2 =	vadd.s32 $0x231860, v4  }
0x36: {  	v4 =	vld [tilespmem:s29+$0x180];
	[tilespmem:s28+$0x4E00] =	vst v2;
	v1 =	vadd.s32 $0x249F00, v1  }
0x37: {  	v2 =	vld [tilespmem:s29+$0x200];
	[tilespmem:s28+$0x4E80] =	vst v1  }
0x38: {  	v1 =	vld [tilespmem:s29+$0x280];
	v6 =	vadd.s32 $0x2625A0, v6;
	[tilespmem:s28+$0x4280] =	vst v0;
	s28 =	smov.u32 s29  }
0x39: {  	v0 =	vadd.s32 $0x186A0, v5;
	v5 =	vld [tilespmem:s28+$0x300];
	[tilespmem:s28+$0x4F00] =	vst v6  }
0x3a: {  	[tilespmem:s28+$0x4300] =	vst v0;
	v0 =	vadd.s32 $0x30D40, v3;
	v3 =	vld [tilespmem:s28+$0x380]  }
0x3b: {  	[tilespmem:s28+$0x4380] =	vst v0;
	v0 =	vadd.s32 $0x493E0, v4;
	v4 =	vld [tilespmem:s28+$0x1000]  }
0x3c: {  	[tilespmem:s28+$0x4400] =	vst v0;
	v0 =	vadd.s32 $0x61A80, v2;
	v2 =	vld [tilespmem:s28+$0x1080]  }
0x3d: {  	[tilespmem:s28+$0x4480] =	vst v0;
	v0 =	vadd.s32 $0x7A120, v1;
	v1 =	vld [tilespmem:s28+$0x1100]  }
0x3e: {  	[tilespmem:s28+$0x4500] =	vst v0;
	v0 =	vadd.s32 $0x927C0, v5;
	v5 =	vld [tilespmem:s28+$0x1180]  }
0x3f: {  	[tilespmem:s28+$0x4580] =	vst v0;
	v0 =	vadd.s32 $0xAAE60, v3;
	v3 =	vld [tilespmem:s28+$0x1200]  }
0x40: {  	[tilespmem:s28+$0x4600] =	vst v0;
	v0 =	vadd.s32 $0xC3500, v4;
	v4 =	vld [tilespmem:s28+$0x1280]  }
0x41: {  	[tilespmem:s28+$0x4680] =	vst v0;
	v0 =	vadd.s32 $0xDBBA0, v2;
	v2 =	vld [tilespmem:s28+$0x1300]  }
0x42: {  	[tilespmem:s28+$0x4700] =	vst v0;
	v0 =	vadd.s32 $0xF4240, v1;
	v1 =	vld [tilespmem:s28+$0x1380]  }
0x43: {  	[tilespmem:s28+$0x4780] =	vst v0;
	v0 =	vadd.s32 $0x10C8E0, v5;
	v5 =	vld [tilespmem:s28+$0x2000]  }
0x44: {  	[tilespmem:s28+$0x4800] =	vst v0;
	v0 =	vadd.s32 $0x124F80, v3;
	v3 =	vld [tilespmem:s28+$0x2080]  }
0x45: {  	[tilespmem:s28+$0x4880] =	vst v0;
	v0 =	vadd.s32 $0x13D620, v4;
	v4 =	vld [tilespmem:s28+$0x2100]  }
0x46: {  	[tilespmem:s28+$0x4900] =	vst v0;
	v0 =	vadd.s32 $0x155CC0, v2;
	v6 =	vld [tilespmem:s28+$0x2180]  }
0x47: {  	[tilespmem:s28+$0x4980] =	vst v0;
	v0 =	vadd.s32 $0x16E360, v1;
	v7 =	vld [tilespmem:s28+$0x2200]  }
.Ltmp0:
0x48: {  	[tilespmem:s28+$0x4A00] =	vst v0;
	v0 =	vadd.s32 $0x186A00, v5;
	v2 =	vld [tilespmem:s28+$0x2280];
	(pc) =	sbr.rel @p0 .LBB2_2-.Ltmp0, $4  }
0x49: {  	[tilespmem:s28+$0x4A80] =	vst v0;
	v0 =	vadd.s32 $0x19F0A0, v3;
	v3 =	vld [tilespmem:s28+$0x2300]  }
0x4a: {  	[tilespmem:s28+$0x4B00] =	vst v0;
	v0 =	vadd.s32 $0x1B7740, v4;
	v4 =	vld [tilespmem:s28+$0x2380]  }
0x4b: {  	[tilespmem:s28+$0x4B80] =	vst v0;
	v5 =	vadd.s32 $0x1CFDE0, v6;
	v1 =	vld [tilespmem:s28+$0x3000]  }
0x4c: {  	s29 =	sshra.s32 s30, $0x2;
	s30 =	sadd.s32 $0x40, s30;
	v0 =	vld [tilespmem:s28+$0x0];
	[tilespmem:s28+$0x4C00] =	vst v5;
	v5 =	vadd.s32 $0x1E8480, v7  }
0x4d: {  	v6 =	vld [tilespmem:s29+$0x3080];
	[tilespmem:s28+$0x4C80] =	vst v5;
	v2 =	vadd.s32 $0x200B20, v2  }
0x4e: {  	v5 =	vld [tilespmem:s29+$0x80];
	[tilespmem:s28+$0x4D00] =	vst v2;
	v2 =	vadd.s32 $0x2191C0, v3  }
0x4f: {  	v3 =	vld [tilespmem:s29+$0x100];
	[tilespmem:s28+$0x4D80] =	vst v2;
	v2 =	vadd.s32 $0x231860, v4  }
0x50: {  	v4 =	vld [tilespmem:s29+$0x180];
	[tilespmem:s28+$0x4E00] =	vst v2;
	v1 =	vadd.s32 $0x249F00, v1  }
0x51: {  	v2 =	vld [tilespmem:s29+$0x200];
	[tilespmem:s28+$0x4E80] =	vst v1  }
0x52: {  	v1 =	vld [tilespmem:s29+$0x280];
	[tilespmem:s28+$0x4280] =	vst v0;
	v0 =	vadd.s32 $0x2625A0, v6  }
0x53: {  	v6 =	vld [tilespmem:s29+$0x300];
	v5 =	vadd.s32 $0x186A0, v5;
	[tilespmem:s29+$0x4F00] =	vst v0  }
0x54: {  	[tilespmem:s29+$0x4300] =	vst v5;
	v0 =	vadd.s32 $0x30D40, v3;
	v3 =	vld [tilespmem:s29+$0x380]  }
0x55: {  	[tilespmem:s29+$0x4380] =	vst v0;
	v0 =	vadd.s32 $0x493E0, v4;
	v4 =	vld [tilespmem:s29+$0x1000]  }
0x56: {  	[tilespmem:s29+$0x4400] =	vst v0;
	v0 =	vadd.s32 $0x61A80, v2;
	v2 =	vld [tilespmem:s29+$0x1080]  }
0x57: {  	[tilespmem:s29+$0x4480] =	vst v0;
	v0 =	vadd.s32 $0x7A120, v1;
	v1 =	vld [tilespmem:s29+$0x1100]  }
0x58: {  	v5 =	vld [tilespmem:s29+$0x1180];
	[tilespmem:s29+$0x4500] =	vst v0;
	v0 =	vadd.s32 $0x927C0, v6  }
0x59: {  	v6 =	vld [tilespmem:s29+$0x0];
	[tilespmem:s29+$0x4580] =	vst v0;
	v0 =	vadd.s32 $0xAAE60, v3  }
0x5a: {  	v3 =	vld [tilespmem:s29+$0x1200];
	[tilespmem:s29+$0x4600] =	vst v0;
	v0 =	vadd.s32 $0xC3500, v4  }
0x5b: {  	v4 =	vld [tilespmem:s29+$0x1280];
	[tilespmem:s29+$0x4680] =	vst v0;
	v0 =	vadd.s32 $0xDBBA0, v2  }
0x5c: {  	v2 =	vld [tilespmem:s29+$0x1300];
	[tilespmem:s29+$0x4700] =	vst v0;
	v0 =	vadd.s32 $0xF4240, v1  }
0x5d: {  	v1 =	vld [tilespmem:s29+$0x1380];
	[tilespmem:s29+$0x4780] =	vst v0  }
0x5e: {  	v0 =	vadd.s32 $0x10C8E0, v5;
	v5 =	vld [tilespmem:s29+$0x2000];
	[tilespmem:s29+$0x4280] =	vst v6  }
0x5f: {  	[tilespmem:s29+$0x4800] =	vst v0;
	v0 =	vadd.s32 $0x124F80, v3;
	v3 =	vld [tilespmem:s29+$0x2080]  }
0x60: {  	[tilespmem:s29+$0x4880] =	vst v0;
	v0 =	vadd.s32 $0x13D620, v4;
	v4 =	vld [tilespmem:s29+$0x2100]  }
0x61: {  	[tilespmem:s29+$0x4900] =	vst v0;
	v0 =	vadd.s32 $0x155CC0, v2;
	v2 =	vld [tilespmem:s29+$0x2180]  }
0x62: {  	[tilespmem:s29+$0x4980] =	vst v0;
	v0 =	vadd.s32 $0x16E360, v1;
	v1 =	vld [tilespmem:s29+$0x2200]  }
0x63: {  	[tilespmem:s29+$0x4A00] =	vst v0;
	v0 =	vadd.s32 $0x186A00, v5;
	v5 =	vld [tilespmem:s29+$0x2280]  }
0x64: {  	[tilespmem:s29+$0x4A80] =	vst v0;
	v0 =	vadd.s32 $0x19F0A0, v3;
	v3 =	vld [tilespmem:s29+$0x2300]  }
0x65: {  	[tilespmem:s29+$0x4B00] =	vst v0;
	v0 =	vadd.s32 $0x1B7740, v4;
	v4 =	vld [tilespmem:s29+$0x2380]  }
0x66: {  	[tilespmem:s29+$0x4B80] =	vst v0;
	v0 =	vld [tilespmem:s29+$0x3000];
	v2 =	vadd.s32 $0x1CFDE0, v2  }
0x67: {  	[tilespmem:s29+$0x4C00] =	vst v2;
	v1 =	vadd.s32 $0x1E8480, v1  }
0x68: {  	[tilespmem:s29+$0x4C80] =	vst v1;
	v1 =	vadd.s32 $0x200B20, v5  }
0x69: {  	[tilespmem:s29+$0x4D00] =	vst v1;
	v1 =	vadd.s32 $0x2191C0, v3  }
0x6a: {  	[tilespmem:s29+$0x4D80] =	vst v1;
	v1 =	vadd.s32 $0x231860, v4  }
0x6b: {  	[tilespmem:s29+$0x4E00] =	vst v1;
	v0 =	vadd.s32 $0x249F00, v0  }
0x6c: {  	s28 =	simm.s32 $0x0;
	[tilespmem:s29+$0x4E80] =	vst v0  }
0x6d: {  	[tilespmem:s14], [sflag:$0x1] =	stream.indirect.gather [hbm4b:s3+s12], $0x1, s13, s12, $0xb8;
	[tilespmem:$0xAA80] =	vst v63  }
0x6e: {  	v0 =	vld [tilespmem:s28+$0x3480]  }
0x6f: {  	v1 =	vld [tilespmem:s28+$0x480]  }
0x70: {  	v2 =	vld [tilespmem:s28+$0x500]  }
0x71: {  	v3 =	vld [tilespmem:s28+$0x580]  }
0x72: {  	v4 =	vld [tilespmem:s28+$0x600]  }
0x73: {  	v5 =	vld [tilespmem:s28+$0x680];
	v0 =	vadd.s32 $0x2625A0, v0  }
0x74: {  	v6 =	vld [tilespmem:s28+$0x700];
	v1 =	vadd.s32 $0x186A0, v1;
	[tilespmem:s28+$0x5C00] =	vst v0  }
0x75: {  	[tilespmem:s28+$0x5000] =	vst v1;
	v0 =	vadd.s32 $0x30D40, v2;
	v1 =	vld [tilespmem:s28+$0x780]  }
0x76: {  	v2 =	vld [tilespmem:s28+$0x1400];
	[tilespmem:s28+$0x5080] =	vst v0;
	v0 =	vadd.s32 $0x493E0, v3  }
0x77: {  	v3 =	vld [tilespmem:s28+$0x1480];
	[tilespmem:s28+$0x5100] =	vst v0;
	v0 =	vadd.s32 $0x61A80, v4  }
0x78: {  	v4 =	vld [tilespmem:s28+$0x1500];
	[tilespmem:s28+$0x5180] =	vst v0;
	v0 =	vadd.s32 $0x7A120, v5  }
0x79: {  	v5 =	vld [tilespmem:s28+$0x1580];
	[tilespmem:s28+$0x5200] =	vst v0;
	v0 =	vadd.s32 $0x927C0, v6  }
0x7a: {  	[tilespmem:s28+$0x5280] =	vst v0;
	v0 =	vadd.s32 $0xAAE60, v1;
	v1 =	vld [tilespmem:s28+$0x1600]  }
0x7b: {  	[tilespmem:s28+$0x5300] =	vst v0;
	v0 =	vadd.s32 $0xC3500, v2;
	v2 =	vld [tilespmem:s28+$0x1680]  }
0x7c: {  	[tilespmem:s28+$0x5380] =	vst v0;
	v0 =	vadd.s32 $0xDBBA0, v3;
	v3 =	vld [tilespmem:s28+$0x1700]  }
0x7d: {  	[tilespmem:s28+$0x5400] =	vst v0;
	v0 =	vadd.s32 $0xF4240, v4;
	v4 =	vld [tilespmem:s28+$0x1780]  }
0x7e: {  	[tilespmem:s28+$0x5480] =	vst v0;
	v0 =	vadd.s32 $0x10C8E0, v5;
	v5 =	vld [tilespmem:s28+$0x2400]  }
0x7f: {  	v7 =	vld [tilespmem:s28+$0x2580];
	[tilespmem:s28+$0x5500] =	vst v0;
	v0 =	vadd.s32 $0x124F80, v1  }
0x80: {  	v1 =	vld [tilespmem:s28+$0x2480];
	[tilespmem:s28+$0x5580] =	vst v0;
	v0 =	vadd.s32 $0x13D620, v2  }
0x81: {  	v6 =	vld [tilespmem:s28+$0x2500];
	[tilespmem:s28+$0x5600] =	vst v0;
	v0 =	vadd.s32 $0x155CC0, v3  }
0x82: {  	v8 =	vld [tilespmem:s28+$0x2600];
	[tilespmem:s28+$0x5680] =	vst v0;
	v0 =	vadd.s32 $0x16E360, v4  }
0x83: {  	v2 =	vld [tilespmem:s28+$0x2680];
	[tilespmem:s28+$0x5700] =	vst v0;
	v0 =	vadd.s32 $0x186A00, v5  }
0x84: {  	v3 =	vld [tilespmem:s28+$0x2700];
	v5 =	vadd.s32 $0x1CFDE0, v7;
	[tilespmem:s28+$0x5780] =	vst v0  }
0x85: {  	v4 =	vld [tilespmem:s28+$0x2780];
	v0 =	vadd.s32 $0x19F0A0, v1;
	[tilespmem:s28+$0x5900] =	vst v5  }
0x86: {  	v1 =	vld [tilespmem:s28+$0x3400];
	[tilespmem:s28+$0x5800] =	vst v0;
	v0 =	vadd.s32 $0x1B7740, v6  }
0x87: {  	s30 =	simm.s32 $0x80;
	s29 =	simm.s32 $0x10;
	v5 =	vadd.s32 $0x1E8480, v8;
	[tilespmem:s28+$0x5880] =	vst v0;
	v0 =	vld [tilespmem:s28+$0x400]  }
.LBB2_4:
0x88: {  	p0 =	sne.s32 s30, $0x1C0;
	v6 =	vld [tilespmem:s29+$0x3480];
	[tilespmem:s28+$0x5980] =	vst v5;
	v2 =	vadd.s32 $0x200B20, v2  }
0x89: {  	v5 =	vld [tilespmem:s29+$0x480];
	[tilespmem:s28+$0x5A00] =	vst v2;
	v2 =	vadd.s32 $0x2191C0, v3  }
0x8a: {  	v3 =	vld [tilespmem:s29+$0x500];
	[tilespmem:s28+$0x5A80] =	vst v2;
	v2 =	vadd.s32 $0x231860, v4  }
0x8b: {  	v4 =	vld [tilespmem:s29+$0x580];
	[tilespmem:s28+$0x5B00] =	vst v2;
	v1 =	vadd.s32 $0x249F00, v1  }
0x8c: {  	v2 =	vld [tilespmem:s29+$0x600];
	[tilespmem:s28+$0x5B80] =	vst v1  }
0x8d: {  	v1 =	vld [tilespmem:s29+$0x680];
	v6 =	vadd.s32 $0x2625A0, v6;
	[tilespmem:s28+$0x4F80] =	vst v0;
	s28 =	smov.u32 s29  }
0x8e: {  	v0 =	vadd.s32 $0x186A0, v5;
	v5 =	vld [tilespmem:s28+$0x700];
	[tilespmem:s28+$0x5C00] =	vst v6  }
0x8f: {  	[tilespmem:s28+$0x5000] =	vst v0;
	v0 =	vadd.s32 $0x30D40, v3;
	v3 =	vld [tilespmem:s28+$0x780]  }
0x90: {  	[tilespmem:s28+$0x5080] =	vst v0;
	v0 =	vadd.s32 $0x493E0, v4;
	v4 =	vld [tilespmem:s28+$0x1400]  }
0x91: {  	[tilespmem:s28+$0x5100] =	vst v0;
	v0 =	vadd.s32 $0x61A80, v2;
	v2 =	vld [tilespmem:s28+$0x1480]  }
0x92: {  	[tilespmem:s28+$0x5180] =	vst v0;
	v0 =	vadd.s32 $0x7A120, v1;
	v1 =	vld [tilespmem:s28+$0x1500]  }
0x93: {  	[tilespmem:s28+$0x5200] =	vst v0;
	v0 =	vadd.s32 $0x927C0, v5;
	v5 =	vld [tilespmem:s28+$0x1580]  }
0x94: {  	[tilespmem:s28+$0x5280] =	vst v0;
	v0 =	vadd.s32 $0xAAE60, v3;
	v3 =	vld [tilespmem:s28+$0x1600]  }
0x95: {  	[tilespmem:s28+$0x5300] =	vst v0;
	v0 =	vadd.s32 $0xC3500, v4;
	v4 =	vld [tilespmem:s28+$0x1680]  }
0x96: {  	[tilespmem:s28+$0x5380] =	vst v0;
	v0 =	vadd.s32 $0xDBBA0, v2;
	v2 =	vld [tilespmem:s28+$0x1700]  }
0x97: {  	[tilespmem:s28+$0x5400] =	vst v0;
	v0 =	vadd.s32 $0xF4240, v1;
	v1 =	vld [tilespmem:s28+$0x1780]  }
0x98: {  	[tilespmem:s28+$0x5480] =	vst v0;
	v0 =	vadd.s32 $0x10C8E0, v5;
	v5 =	vld [tilespmem:s28+$0x2400]  }
0x99: {  	[tilespmem:s28+$0x5500] =	vst v0;
	v0 =	vadd.s32 $0x124F80, v3;
	v3 =	vld [tilespmem:s28+$0x2480]  }
0x9a: {  	[tilespmem:s28+$0x5580] =	vst v0;
	v0 =	vadd.s32 $0x13D620, v4;
	v4 =	vld [tilespmem:s28+$0x2500]  }
0x9b: {  	[tilespmem:s28+$0x5600] =	vst v0;
	v0 =	vadd.s32 $0x155CC0, v2;
	v6 =	vld [tilespmem:s28+$0x2580]  }
0x9c: {  	[tilespmem:s28+$0x5680] =	vst v0;
	v0 =	vadd.s32 $0x16E360, v1;
	v7 =	vld [tilespmem:s28+$0x2600]  }
.Ltmp1:
0x9d: {  	[tilespmem:s28+$0x5700] =	vst v0;
	v0 =	vadd.s32 $0x186A00, v5;
	v2 =	vld [tilespmem:s28+$0x2680];
	(pc) =	sbr.rel @p0 .LBB2_4-.Ltmp1, $4  }
0x9e: {  	[tilespmem:s28+$0x5780] =	vst v0;
	v0 =	vadd.s32 $0x19F0A0, v3;
	v3 =	vld [tilespmem:s28+$0x2700]  }
0x9f: {  	[tilespmem:s28+$0x5800] =	vst v0;
	v0 =	vadd.s32 $0x1B7740, v4;
	v4 =	vld [tilespmem:s28+$0x2780]  }
0xa0: {  	[tilespmem:s28+$0x5880] =	vst v0;
	v5 =	vadd.s32 $0x1CFDE0, v6;
	v1 =	vld [tilespmem:s28+$0x3400]  }
0xa1: {  	s29 =	sshra.s32 s30, $0x2;
	s30 =	sadd.s32 $0x40, s30;
	v0 =	vld [tilespmem:s28+$0x400];
	[tilespmem:s28+$0x5900] =	vst v5;
	v5 =	vadd.s32 $0x1E8480, v7  }
0xa2: {  	v6 =	vld [tilespmem:s29+$0x3480];
	[tilespmem:s28+$0x5980] =	vst v5;
	v2 =	vadd.s32 $0x200B20, v2  }
0xa3: {  	v5 =	vld [tilespmem:s29+$0x480];
	[tilespmem:s28+$0x5A00] =	vst v2;
	v2 =	vadd.s32 $0x2191C0, v3  }
0xa4: {  	v3 =	vld [tilespmem:s29+$0x500];
	[tilespmem:s28+$0x5A80] =	vst v2;
	v2 =	vadd.s32 $0x231860, v4  }
0xa5: {  	v4 =	vld [tilespmem:s29+$0x580];
	[tilespmem:s28+$0x5B00] =	vst v2;
	v1 =	vadd.s32 $0x249F00, v1  }
0xa6: {  	v2 =	vld [tilespmem:s29+$0x600];
	[tilespmem:s28+$0x5B80] =	vst v1  }
0xa7: {  	v1 =	vld [tilespmem:s29+$0x680];
	[tilespmem:s28+$0x4F80] =	vst v0;
	v0 =	vadd.s32 $0x2625A0, v6  }
0xa8: {  	v6 =	vld [tilespmem:s29+$0x700];
	v5 =	vadd.s32 $0x186A0, v5;
	[tilespmem:s29+$0x5C00] =	vst v0  }
0xa9: {  	[tilespmem:s29+$0x5000] =	vst v5;
	v0 =	vadd.s32 $0x30D40, v3;
	v3 =	vld [tilespmem:s29+$0x780]  }
0xaa: {  	[tilespmem:s29+$0x5080] =	vst v0;
	v0 =	vadd.s32 $0x493E0, v4;
	v4 =	vld [tilespmem:s29+$0x1400]  }
0xab: {  	[tilespmem:s29+$0x5100] =	vst v0;
	v0 =	vadd.s32 $0x61A80, v2;
	v2 =	vld [tilespmem:s29+$0x1480]  }
0xac: {  	[tilespmem:s29+$0x5180] =	vst v0;
	v0 =	vadd.s32 $0x7A120, v1;
	v1 =	vld [tilespmem:s29+$0x1500]  }
0xad: {  	v5 =	vld [tilespmem:s29+$0x1580];
	[tilespmem:s29+$0x5200] =	vst v0;
	v0 =	vadd.s32 $0x927C0, v6  }
0xae: {  	v6 =	vld [tilespmem:s29+$0x400];
	[tilespmem:s29+$0x5280] =	vst v0;
	v0 =	vadd.s32 $0xAAE60, v3  }
0xaf: {  	v3 =	vld [tilespmem:s29+$0x1600];
	[tilespmem:s29+$0x5300] =	vst v0;
	v0 =	vadd.s32 $0xC3500, v4  }
0xb0: {  	v4 =	vld [tilespmem:s29+$0x1680];
	[tilespmem:s29+$0x5380] =	vst v0;
	v0 =	vadd.s32 $0xDBBA0, v2  }
0xb1: {  	v2 =	vld [tilespmem:s29+$0x1700];
	[tilespmem:s29+$0x5400] =	vst v0;
	v0 =	vadd.s32 $0xF4240, v1  }
0xb2: {  	v1 =	vld [tilespmem:s29+$0x1780];
	[tilespmem:s29+$0x5480] =	vst v0  }
0xb3: {  	v0 =	vadd.s32 $0x10C8E0, v5;
	v5 =	vld [tilespmem:s29+$0x2400];
	[tilespmem:s29+$0x4F80] =	vst v6  }
0xb4: {  	[tilespmem:s29+$0x5500] =	vst v0;
	v0 =	vadd.s32 $0x124F80, v3;
	v3 =	vld [tilespmem:s29+$0x2480]  }
0xb5: {  	[tilespmem:s29+$0x5580] =	vst v0;
	v0 =	vadd.s32 $0x13D620, v4;
	v4 =	vld [tilespmem:s29+$0x2500]  }
0xb6: {  	[tilespmem:s29+$0x5600] =	vst v0;
	v0 =	vadd.s32 $0x155CC0, v2;
	v2 =	vld [tilespmem:s29+$0x2580]  }
0xb7: {  	[tilespmem:s29+$0x5680] =	vst v0;
	v0 =	vadd.s32 $0x16E360, v1;
	v1 =	vld [tilespmem:s29+$0x2600]  }
0xb8: {  	[tilespmem:s29+$0x5700] =	vst v0;
	v0 =	vadd.s32 $0x186A00, v5;
	v5 =	vld [tilespmem:s29+$0x2680]  }
0xb9: {  	[tilespmem:s29+$0x5780] =	vst v0;
	v0 =	vadd.s32 $0x19F0A0, v3;
	v3 =	vld [tilespmem:s29+$0x2700]  }
0xba: {  	[tilespmem:s29+$0x5800] =	vst v0;
	v0 =	vadd.s32 $0x1B7740, v4;
	v4 =	vld [tilespmem:s29+$0x2780]  }
0xbb: {  	[tilespmem:s29+$0x5880] =	vst v0;
	v0 =	vld [tilespmem:s29+$0x3400];
	v2 =	vadd.s32 $0x1CFDE0, v2  }
0xbc: {  	[tilespmem:s29+$0x5900] =	vst v2;
	v1 =	vadd.s32 $0x1E8480, v1  }
0xbd: {  	[tilespmem:s29+$0x5980] =	vst v1;
	v1 =	vadd.s32 $0x200B20, v5  }
0xbe: {  	[tilespmem:s29+$0x5A00] =	vst v1;
	v1 =	vadd.s32 $0x2191C0, v3  }
0xbf: {  	[tilespmem:s29+$0x5A80] =	vst v1;
	v1 =	vadd.s32 $0x231860, v4  }
0xc0: {  	[tilespmem:s29+$0x5B00] =	vst v1;
	v0 =	vadd.s32 $0x249F00, v0  }
0xc1: {  	s28 =	simm.s32 $0x0;
	[tilespmem:s29+$0x5B80] =	vst v0  }
0xc2: {  	[tilespmem:s16], [sflag:$0x2] =	stream.indirect.gather [hbm4b:s3+s12], $0x1, s15, s12, $0xb8;
	[tilespmem:$0xAA80] =	vst v63  }
0xc3: {  	v0 =	vld [tilespmem:s28+$0x3880]  }
0xc4: {  	v1 =	vld [tilespmem:s28+$0x880]  }
0xc5: {  	v2 =	vld [tilespmem:s28+$0x900]  }
0xc6: {  	v3 =	vld [tilespmem:s28+$0x980]  }
0xc7: {  	v4 =	vld [tilespmem:s28+$0xA00]  }
0xc8: {  	v5 =	vld [tilespmem:s28+$0xA80];
	v0 =	vadd.s32 $0x2625A0, v0  }
0xc9: {  	v6 =	vld [tilespmem:s28+$0xB00];
	v1 =	vadd.s32 $0x186A0, v1;
	[tilespmem:s28+$0x6900] =	vst v0  }
0xca: {  	[tilespmem:s28+$0x5D00] =	vst v1;
	v0 =	vadd.s32 $0x30D40, v2;
	v1 =	vld [tilespmem:s28+$0xB80]  }
0xcb: {  	v2 =	vld [tilespmem:s28+$0x1800];
	[tilespmem:s28+$0x5D80] =	vst v0;
	v0 =	vadd.s32 $0x493E0, v3  }
0xcc: {  	v3 =	vld [tilespmem:s28+$0x1880];
	[tilespmem:s28+$0x5E00] =	vst v0;
	v0 =	vadd.s32 $0x61A80, v4  }
0xcd: {  	v4 =	vld [tilespmem:s28+$0x1900];
	[tilespmem:s28+$0x5E80] =	vst v0;
	v0 =	vadd.s32 $0x7A120, v5  }
0xce: {  	v5 =	vld [tilespmem:s28+$0x1980];
	[tilespmem:s28+$0x5F00] =	vst v0;
	v0 =	vadd.s32 $0x927C0, v6  }
0xcf: {  	[tilespmem:s28+$0x5F80] =	vst v0;
	v0 =	vadd.s32 $0xAAE60, v1;
	v1 =	vld [tilespmem:s28+$0x1A00]  }
0xd0: {  	[tilespmem:s28+$0x6000] =	vst v0;
	v0 =	vadd.s32 $0xC3500, v2;
	v2 =	vld [tilespmem:s28+$0x1A80]  }
0xd1: {  	[tilespmem:s28+$0x6080] =	vst v0;
	v0 =	vadd.s32 $0xDBBA0, v3;
	v3 =	vld [tilespmem:s28+$0x1B00]  }
0xd2: {  	[tilespmem:s28+$0x6100] =	vst v0;
	v0 =	vadd.s32 $0xF4240, v4;
	v4 =	vld [tilespmem:s28+$0x1B80]  }
0xd3: {  	[tilespmem:s28+$0x6180] =	vst v0;
	v0 =	vadd.s32 $0x10C8E0, v5;
	v5 =	vld [tilespmem:s28+$0x2800]  }
0xd4: {  	v7 =	vld [tilespmem:s28+$0x2980];
	[tilespmem:s28+$0x6200] =	vst v0;
	v0 =	vadd.s32 $0x124F80, v1  }
0xd5: {  	v1 =	vld [tilespmem:s28+$0x2880];
	[tilespmem:s28+$0x6280] =	vst v0;
	v0 =	vadd.s32 $0x13D620, v2  }
0xd6: {  	v6 =	vld [tilespmem:s28+$0x2900];
	[tilespmem:s28+$0x6300] =	vst v0;
	v0 =	vadd.s32 $0x155CC0, v3  }
0xd7: {  	v8 =	vld [tilespmem:s28+$0x2A00];
	[tilespmem:s28+$0x6380] =	vst v0;
	v0 =	vadd.s32 $0x16E360, v4  }
0xd8: {  	v2 =	vld [tilespmem:s28+$0x2A80];
	[tilespmem:s28+$0x6400] =	vst v0;
	v0 =	vadd.s32 $0x186A00, v5  }
0xd9: {  	v3 =	vld [tilespmem:s28+$0x2B00];
	v5 =	vadd.s32 $0x1CFDE0, v7;
	[tilespmem:s28+$0x6480] =	vst v0  }
0xda: {  	v4 =	vld [tilespmem:s28+$0x2B80];
	v0 =	vadd.s32 $0x19F0A0, v1;
	[tilespmem:s28+$0x6600] =	vst v5  }
0xdb: {  	v1 =	vld [tilespmem:s28+$0x3800];
	[tilespmem:s28+$0x6500] =	vst v0;
	v0 =	vadd.s32 $0x1B7740, v6  }
0xdc: {  	s30 =	simm.s32 $0x80;
	s29 =	simm.s32 $0x10;
	v5 =	vadd.s32 $0x1E8480, v8;
	[tilespmem:s28+$0x6580] =	vst v0;
	v0 =	vld [tilespmem:s28+$0x800]  }
.LBB2_6:
0xdd: {  	p0 =	sne.s32 s30, $0x1C0;
	v6 =	vld [tilespmem:s29+$0x3880];
	[tilespmem:s28+$0x6680] =	vst v5;
	v2 =	vadd.s32 $0x200B20, v2  }
0xde: {  	v5 =	vld [tilespmem:s29+$0x880];
	[tilespmem:s28+$0x6700] =	vst v2;
	v2 =	vadd.s32 $0x2191C0, v3  }
0xdf: {  	v3 =	vld [tilespmem:s29+$0x900];
	[tilespmem:s28+$0x6780] =	vst v2;
	v2 =	vadd.s32 $0x231860, v4  }
0xe0: {  	v4 =	vld [tilespmem:s29+$0x980];
	[tilespmem:s28+$0x6800] =	vst v2;
	v1 =	vadd.s32 $0x249F00, v1  }
0xe1: {  	v2 =	vld [tilespmem:s29+$0xA00];
	[tilespmem:s28+$0x6880] =	vst v1  }
0xe2: {  	v1 =	vld [tilespmem:s29+$0xA80];
	v6 =	vadd.s32 $0x2625A0, v6;
	[tilespmem:s28+$0x5C80] =	vst v0;
	s28 =	smov.u32 s29  }
0xe3: {  	v0 =	vadd.s32 $0x186A0, v5;
	v5 =	vld [tilespmem:s28+$0xB00];
	[tilespmem:s28+$0x6900] =	vst v6  }
0xe4: {  	[tilespmem:s28+$0x5D00] =	vst v0;
	v0 =	vadd.s32 $0x30D40, v3;
	v3 =	vld [tilespmem:s28+$0xB80]  }
0xe5: {  	[tilespmem:s28+$0x5D80] =	vst v0;
	v0 =	vadd.s32 $0x493E0, v4;
	v4 =	vld [tilespmem:s28+$0x1800]  }
0xe6: {  	[tilespmem:s28+$0x5E00] =	vst v0;
	v0 =	vadd.s32 $0x61A80, v2;
	v2 =	vld [tilespmem:s28+$0x1880]  }
0xe7: {  	[tilespmem:s28+$0x5E80] =	vst v0;
	v0 =	vadd.s32 $0x7A120, v1;
	v1 =	vld [tilespmem:s28+$0x1900]  }
0xe8: {  	[tilespmem:s28+$0x5F00] =	vst v0;
	v0 =	vadd.s32 $0x927C0, v5;
	v5 =	vld [tilespmem:s28+$0x1980]  }
0xe9: {  	[tilespmem:s28+$0x5F80] =	vst v0;
	v0 =	vadd.s32 $0xAAE60, v3;
	v3 =	vld [tilespmem:s28+$0x1A00]  }
0xea: {  	[tilespmem:s28+$0x6000] =	vst v0;
	v0 =	vadd.s32 $0xC3500, v4;
	v4 =	vld [tilespmem:s28+$0x1A80]  }
0xeb: {  	[tilespmem:s28+$0x6080] =	vst v0;
	v0 =	vadd.s32 $0xDBBA0, v2;
	v2 =	vld [tilespmem:s28+$0x1B00]  }
0xec: {  	[tilespmem:s28+$0x6100] =	vst v0;
	v0 =	vadd.s32 $0xF4240, v1;
	v1 =	vld [tilespmem:s28+$0x1B80]  }
0xed: {  	[tilespmem:s28+$0x6180] =	vst v0;
	v0 =	vadd.s32 $0x10C8E0, v5;
	v5 =	vld [tilespmem:s28+$0x2800]  }
0xee: {  	[tilespmem:s28+$0x6200] =	vst v0;
	v0 =	vadd.s32 $0x124F80, v3;
	v3 =	vld [tilespmem:s28+$0x2880]  }
0xef: {  	[tilespmem:s28+$0x6280] =	vst v0;
	v0 =	vadd.s32 $0x13D620, v4;
	v4 =	vld [tilespmem:s28+$0x2900]  }
0xf0: {  	[tilespmem:s28+$0x6300] =	vst v0;
	v0 =	vadd.s32 $0x155CC0, v2;
	v6 =	vld [tilespmem:s28+$0x2980]  }
0xf1: {  	[tilespmem:s28+$0x6380] =	vst v0;
	v0 =	vadd.s32 $0x16E360, v1;
	v7 =	vld [tilespmem:s28+$0x2A00]  }
.Ltmp2:
0xf2: {  	[tilespmem:s28+$0x6400] =	vst v0;
	v0 =	vadd.s32 $0x186A00, v5;
	v2 =	vld [tilespmem:s28+$0x2A80];
	(pc) =	sbr.rel @p0 .LBB2_6-.Ltmp2, $4  }
0xf3: {  	[tilespmem:s28+$0x6480] =	vst v0;
	v0 =	vadd.s32 $0x19F0A0, v3;
	v3 =	vld [tilespmem:s28+$0x2B00]  }
0xf4: {  	[tilespmem:s28+$0x6500] =	vst v0;
	v0 =	vadd.s32 $0x1B7740, v4;
	v4 =	vld [tilespmem:s28+$0x2B80]  }
0xf5: {  	[tilespmem:s28+$0x6580] =	vst v0;
	v5 =	vadd.s32 $0x1CFDE0, v6;
	v1 =	vld [tilespmem:s28+$0x3800]  }
0xf6: {  	s29 =	sshra.s32 s30, $0x2;
	s30 =	sadd.s32 $0x40, s30;
	v0 =	vld [tilespmem:s28+$0x800];
	[tilespmem:s28+$0x6600] =	vst v5;
	v5 =	vadd.s32 $0x1E8480, v7  }
0xf7: {  	v6 =	vld [tilespmem:s29+$0x3880];
	[tilespmem:s28+$0x6680] =	vst v5;
	v2 =	vadd.s32 $0x200B20, v2  }
0xf8: {  	v5 =	vld [tilespmem:s29+$0x880];
	[tilespmem:s28+$0x6700] =	vst v2;
	v2 =	vadd.s32 $0x2191C0, v3  }
0xf9: {  	v3 =	vld [tilespmem:s29+$0x900];
	[tilespmem:s28+$0x6780] =	vst v2;
	v2 =	vadd.s32 $0x231860, v4  }
0xfa: {  	v4 =	vld [tilespmem:s29+$0x980];
	[tilespmem:s28+$0x6800] =	vst v2;
	v1 =	vadd.s32 $0x249F00, v1  }
0xfb: {  	v2 =	vld [tilespmem:s29+$0xA00];
	[tilespmem:s28+$0x6880] =	vst v1  }
0xfc: {  	v1 =	vld [tilespmem:s29+$0xA80];
	[tilespmem:s28+$0x5C80] =	vst v0;
	v0 =	vadd.s32 $0x2625A0, v6  }
0xfd: {  	v6 =	vld [tilespmem:s29+$0xB00];
	v5 =	vadd.s32 $0x186A0, v5;
	[tilespmem:s29+$0x6900] =	vst v0  }
0xfe: {  	[tilespmem:s29+$0x5D00] =	vst v5;
	v0 =	vadd.s32 $0x30D40, v3;
	v3 =	vld [tilespmem:s29+$0xB80]  }
0xff: {  	[tilespmem:s29+$0x5D80] =	vst v0;
	v0 =	vadd.s32 $0x493E0, v4;
	v4 =	vld [tilespmem:s29+$0x1800]  }
0x100: {  	[tilespmem:s29+$0x5E00] =	vst v0;
	v0 =	vadd.s32 $0x61A80, v2;
	v2 =	vld [tilespmem:s29+$0x1880]  }
0x101: {  	[tilespmem:s29+$0x5E80] =	vst v0;
	v0 =	vadd.s32 $0x7A120, v1;
	v1 =	vld [tilespmem:s29+$0x1900]  }
0x102: {  	v5 =	vld [tilespmem:s29+$0x1980];
	[tilespmem:s29+$0x5F00] =	vst v0;
	v0 =	vadd.s32 $0x927C0, v6  }
0x103: {  	v6 =	vld [tilespmem:s29+$0x800];
	[tilespmem:s29+$0x5F80] =	vst v0;
	v0 =	vadd.s32 $0xAAE60, v3  }
0x104: {  	v3 =	vld [tilespmem:s29+$0x1A00];
	[tilespmem:s29+$0x6000] =	vst v0;
	v0 =	vadd.s32 $0xC3500, v4  }
0x105: {  	v4 =	vld [tilespmem:s29+$0x1A80];
	[tilespmem:s29+$0x6080] =	vst v0;
	v0 =	vadd.s32 $0xDBBA0, v2  }
0x106: {  	v2 =	vld [tilespmem:s29+$0x1B00];
	[tilespmem:s29+$0x6100] =	vst v0;
	v0 =	vadd.s32 $0xF4240, v1  }
0x107: {  	v1 =	vld [tilespmem:s29+$0x1B80];
	[tilespmem:s29+$0x6180] =	vst v0  }
0x108: {  	v0 =	vadd.s32 $0x10C8E0, v5;
	v5 =	vld [tilespmem:s29+$0x2800];
	[tilespmem:s29+$0x5C80] =	vst v6  }
0x109: {  	[tilespmem:s29+$0x6200] =	vst v0;
	v0 =	vadd.s32 $0x124F80, v3;
	v3 =	vld [tilespmem:s29+$0x2880]  }
0x10a: {  	[tilespmem:s29+$0x6280] =	vst v0;
	v0 =	vadd.s32 $0x13D620, v4;
	v4 =	vld [tilespmem:s29+$0x2900]  }
0x10b: {  	[tilespmem:s29+$0x6300] =	vst v0;
	v0 =	vadd.s32 $0x155CC0, v2;
	v2 =	vld [tilespmem:s29+$0x2980]  }
0x10c: {  	[tilespmem:s29+$0x6380] =	vst v0;
	v0 =	vadd.s32 $0x16E360, v1;
	v1 =	vld [tilespmem:s29+$0x2A00]  }
0x10d: {  	[tilespmem:s29+$0x6400] =	vst v0;
	v0 =	vadd.s32 $0x186A00, v5;
	v5 =	vld [tilespmem:s29+$0x2A80]  }
0x10e: {  	[tilespmem:s29+$0x6480] =	vst v0;
	v0 =	vadd.s32 $0x19F0A0, v3;
	v3 =	vld [tilespmem:s29+$0x2B00]  }
0x10f: {  	[tilespmem:s29+$0x6500] =	vst v0;
	v0 =	vadd.s32 $0x1B7740, v4;
	v4 =	vld [tilespmem:s29+$0x2B80]  }
0x110: {  	[tilespmem:s29+$0x6580] =	vst v0;
	v0 =	vld [tilespmem:s29+$0x3800];
	v2 =	vadd.s32 $0x1CFDE0, v2  }
0x111: {  	[tilespmem:s29+$0x6600] =	vst v2;
	v1 =	vadd.s32 $0x1E8480, v1  }
0x112: {  	[tilespmem:s29+$0x6680] =	vst v1;
	v1 =	vadd.s32 $0x200B20, v5  }
0x113: {  	[tilespmem:s29+$0x6700] =	vst v1;
	v1 =	vadd.s32 $0x2191C0, v3  }
0x114: {  	[tilespmem:s29+$0x6780] =	vst v1;
	v1 =	vadd.s32 $0x231860, v4  }
0x115: {  	[tilespmem:s29+$0x6800] =	vst v1;
	v0 =	vadd.s32 $0x249F00, v0  }
0x116: {  	s28 =	simm.s32 $0xFFFFFF80;
	[tilespmem:s29+$0x6880] =	vst v0  }
0x117: {  	[tilespmem:s18], [sflag:$0x3] =	stream.indirect.gather [hbm4b:s3+s12], $0x1, s17, s12, $0xb8;
	[tilespmem:$0xAA80] =	vst v63  }
0x118: {  	v0 =	vld [tilespmem:s28+$0x3D00]  }
0x119: {  	v1 =	vld [tilespmem:s28+$0xD00]  }
0x11a: {  	v2 =	vld [tilespmem:s28+$0xD80]  }
0x11b: {  	v3 =	vld [tilespmem:s28+$0xE00]  }
0x11c: {  	v4 =	vld [tilespmem:s28+$0xE80]  }
0x11d: {  	v5 =	vld [tilespmem:s28+$0xF00];
	v0 =	vadd.s32 $0x2625A0, v0  }
0x11e: {  	v6 =	vld [tilespmem:s28+$0xF80];
	v1 =	vadd.s32 $0x186A0, v1;
	[tilespmem:s28+$0x7680] =	vst v0  }
0x11f: {  	[tilespmem:s28+$0x6A80] =	vst v1;
	v0 =	vadd.s32 $0x30D40, v2;
	v1 =	vld [tilespmem:s28+$0x1000]  }
0x120: {  	v2 =	vld [tilespmem:s28+$0x1C80];
	[tilespmem:s28+$0x6B00] =	vst v0;
	v0 =	vadd.s32 $0x493E0, v3  }
0x121: {  	v3 =	vld [tilespmem:s28+$0x1D00];
	[tilespmem:s28+$0x6B80] =	vst v0;
	v0 =	vadd.s32 $0x61A80, v4  }
0x122: {  	v4 =	vld [tilespmem:s28+$0x1D80];
	[tilespmem:s28+$0x6C00] =	vst v0;
	v0 =	vadd.s32 $0x7A120, v5  }
0x123: {  	v5 =	vld [tilespmem:s28+$0x1E00];
	[tilespmem:s28+$0x6C80] =	vst v0;
	v0 =	vadd.s32 $0x927C0, v6  }
0x124: {  	[tilespmem:s28+$0x6D00] =	vst v0;
	v0 =	vadd.s32 $0xAAE60, v1;
	v1 =	vld [tilespmem:s28+$0x1E80]  }
0x125: {  	[tilespmem:s28+$0x6D80] =	vst v0;
	v0 =	vadd.s32 $0xC3500, v2;
	v2 =	vld [tilespmem:s28+$0x1F00]  }
0x126: {  	[tilespmem:s28+$0x6E00] =	vst v0;
	v0 =	vadd.s32 $0xDBBA0, v3;
	v3 =	vld [tilespmem:s28+$0x1F80]  }
0x127: {  	[tilespmem:s28+$0x6E80] =	vst v0;
	v0 =	vadd.s32 $0xF4240, v4;
	v4 =	vld [tilespmem:s28+$0x2000]  }
0x128: {  	[tilespmem:s28+$0x6F00] =	vst v0;
	v0 =	vadd.s32 $0x10C8E0, v5;
	v5 =	vld [tilespmem:s28+$0x2C80]  }
0x129: {  	v7 =	vld [tilespmem:s28+$0x2E00];
	[tilespmem:s28+$0x6F80] =	vst v0;
	v0 =	vadd.s32 $0x124F80, v1  }
0x12a: {  	v1 =	vld [tilespmem:s28+$0x2D00];
	[tilespmem:s28+$0x7000] =	vst v0;
	v0 =	vadd.s32 $0x13D620, v2  }
0x12b: {  	v6 =	vld [tilespmem:s28+$0x2D80];
	[tilespmem:s28+$0x7080] =	vst v0;
	v0 =	vadd.s32 $0x155CC0, v3  }
0x12c: {  	v8 =	vld [tilespmem:s28+$0x2E80];
	[tilespmem:s28+$0x7100] =	vst v0;
	v0 =	vadd.s32 $0x16E360, v4  }
0x12d: {  	v2 =	vld [tilespmem:s28+$0x2F00];
	[tilespmem:s28+$0x7180] =	vst v0;
	v0 =	vadd.s32 $0x186A00, v5  }
0x12e: {  	v3 =	vld [tilespmem:s28+$0x2F80];
	v5 =	vadd.s32 $0x1CFDE0, v7;
	[tilespmem:s28+$0x7200] =	vst v0  }
0x12f: {  	v4 =	vld [tilespmem:s28+$0x3000];
	v0 =	vadd.s32 $0x19F0A0, v1;
	[tilespmem:s28+$0x7380] =	vst v5  }
0x130: {  	v1 =	vld [tilespmem:s28+$0x3C80];
	[tilespmem:s28+$0x7280] =	vst v0;
	v0 =	vadd.s32 $0x1B7740, v6  }
0x131: {  	s30 =	simm.s32 $0xFFFFFE80;
	s29 =	simm.s32 $0xFFFFFF90;
	v5 =	vadd.s32 $0x1E8480, v8;
	[tilespmem:s28+$0x7300] =	vst v0;
	v0 =	vld [tilespmem:s28+$0xC80]  }
.LBB2_8:
0x132: {  	p0 =	sne.s32 s30, $0xFFFFFFC0;
	v6 =	vld [tilespmem:s29+$0x3D00];
	[tilespmem:s28+$0x7400] =	vst v5;
	v2 =	vadd.s32 $0x200B20, v2  }
0x133: {  	v5 =	vld [tilespmem:s29+$0xD00];
	[tilespmem:s28+$0x7480] =	vst v2;
	v2 =	vadd.s32 $0x2191C0, v3  }
0x134: {  	v3 =	vld [tilespmem:s29+$0xD80];
	[tilespmem:s28+$0x7500] =	vst v2;
	v2 =	vadd.s32 $0x231860, v4  }
0x135: {  	v4 =	vld [tilespmem:s29+$0xE00];
	[tilespmem:s28+$0x7580] =	vst v2;
	v1 =	vadd.s32 $0x249F00, v1  }
0x136: {  	v2 =	vld [tilespmem:s29+$0xE80];
	[tilespmem:s28+$0x7600] =	vst v1  }
0x137: {  	v1 =	vld [tilespmem:s29+$0xF00];
	v6 =	vadd.s32 $0x2625A0, v6;
	[tilespmem:s28+$0x6A00] =	vst v0;
	s28 =	smov.u32 s29  }
0x138: {  	v0 =	vadd.s32 $0x186A0, v5;
	v5 =	vld [tilespmem:s28+$0xF80];
	[tilespmem:s28+$0x7680] =	vst v6  }
0x139: {  	[tilespmem:s28+$0x6A80] =	vst v0;
	v0 =	vadd.s32 $0x30D40, v3;
	v3 =	vld [tilespmem:s28+$0x1000]  }
0x13a: {  	[tilespmem:s28+$0x6B00] =	vst v0;
	v0 =	vadd.s32 $0x493E0, v4;
	v4 =	vld [tilespmem:s28+$0x1C80]  }
0x13b: {  	[tilespmem:s28+$0x6B80] =	vst v0;
	v0 =	vadd.s32 $0x61A80, v2;
	v2 =	vld [tilespmem:s28+$0x1D00]  }
0x13c: {  	[tilespmem:s28+$0x6C00] =	vst v0;
	v0 =	vadd.s32 $0x7A120, v1;
	v1 =	vld [tilespmem:s28+$0x1D80]  }
0x13d: {  	[tilespmem:s28+$0x6C80] =	vst v0;
	v0 =	vadd.s32 $0x927C0, v5;
	v5 =	vld [tilespmem:s28+$0x1E00]  }
0x13e: {  	[tilespmem:s28+$0x6D00] =	vst v0;
	v0 =	vadd.s32 $0xAAE60, v3;
	v3 =	vld [tilespmem:s28+$0x1E80]  }
0x13f: {  	[tilespmem:s28+$0x6D80] =	vst v0;
	v0 =	vadd.s32 $0xC3500, v4;
	v4 =	vld [tilespmem:s28+$0x1F00]  }
0x140: {  	[tilespmem:s28+$0x6E00] =	vst v0;
	v0 =	vadd.s32 $0xDBBA0, v2;
	v2 =	vld [tilespmem:s28+$0x1F80]  }
0x141: {  	[tilespmem:s28+$0x6E80] =	vst v0;
	v0 =	vadd.s32 $0xF4240, v1;
	v1 =	vld [tilespmem:s28+$0x2000]  }
0x142: {  	[tilespmem:s28+$0x6F00] =	vst v0;
	v0 =	vadd.s32 $0x10C8E0, v5;
	v5 =	vld [tilespmem:s28+$0x2C80]  }
0x143: {  	[tilespmem:s28+$0x6F80] =	vst v0;
	v0 =	vadd.s32 $0x124F80, v3;
	v3 =	vld [tilespmem:s28+$0x2D00]  }
0x144: {  	[tilespmem:s28+$0x7000] =	vst v0;
	v0 =	vadd.s32 $0x13D620, v4;
	v4 =	vld [tilespmem:s28+$0x2D80]  }
0x145: {  	[tilespmem:s28+$0x7080] =	vst v0;
	v0 =	vadd.s32 $0x155CC0, v2;
	v6 =	vld [tilespmem:s28+$0x2E00]  }
0x146: {  	[tilespmem:s28+$0x7100] =	vst v0;
	v0 =	vadd.s32 $0x16E360, v1;
	v7 =	vld [tilespmem:s28+$0x2E80]  }
.Ltmp3:
0x147: {  	[tilespmem:s28+$0x7180] =	vst v0;
	v0 =	vadd.s32 $0x186A00, v5;
	v2 =	vld [tilespmem:s28+$0x2F00];
	(pc) =	sbr.rel @p0 .LBB2_8-.Ltmp3, $4  }
0x148: {  	[tilespmem:s28+$0x7200] =	vst v0;
	v0 =	vadd.s32 $0x19F0A0, v3;
	v3 =	vld [tilespmem:s28+$0x2F80]  }
0x149: {  	[tilespmem:s28+$0x7280] =	vst v0;
	v0 =	vadd.s32 $0x1B7740, v4;
	v4 =	vld [tilespmem:s28+$0x3000]  }
0x14a: {  	[tilespmem:s28+$0x7300] =	vst v0;
	v5 =	vadd.s32 $0x1CFDE0, v6;
	v1 =	vld [tilespmem:s28+$0x3C80]  }
0x14b: {  	s29 =	sshra.s32 s30, $0x2;
	s30 =	sadd.s32 $0x40, s30;
	v0 =	vld [tilespmem:s28+$0xC80];
	[tilespmem:s28+$0x7380] =	vst v5;
	v5 =	vadd.s32 $0x1E8480, v7  }
0x14c: {  	v6 =	vld [tilespmem:s29+$0x3D00];
	[tilespmem:s28+$0x7400] =	vst v5;
	v2 =	vadd.s32 $0x200B20, v2  }
0x14d: {  	v5 =	vld [tilespmem:s29+$0xD00];
	[tilespmem:s28+$0x7480] =	vst v2;
	v2 =	vadd.s32 $0x2191C0, v3  }
0x14e: {  	v3 =	vld [tilespmem:s29+$0xD80];
	[tilespmem:s28+$0x7500] =	vst v2;
	v2 =	vadd.s32 $0x231860, v4  }
0x14f: {  	v4 =	vld [tilespmem:s29+$0xE00];
	[tilespmem:s28+$0x7580] =	vst v2;
	v1 =	vadd.s32 $0x249F00, v1  }
0x150: {  	v2 =	vld [tilespmem:s29+$0xE80];
	[tilespmem:s28+$0x7600] =	vst v1  }
0x151: {  	v1 =	vld [tilespmem:s29+$0xF00];
	[tilespmem:s28+$0x6A00] =	vst v0;
	v0 =	vadd.s32 $0x2625A0, v6  }
0x152: {  	v6 =	vld [tilespmem:s29+$0xF80];
	v5 =	vadd.s32 $0x186A0, v5;
	[tilespmem:s29+$0x7680] =	vst v0  }
0x153: {  	[tilespmem:s29+$0x6A80] =	vst v5;
	v0 =	vadd.s32 $0x30D40, v3;
	v3 =	vld [tilespmem:s29+$0x1000]  }
0x154: {  	[tilespmem:s29+$0x6B00] =	vst v0;
	v0 =	vadd.s32 $0x493E0, v4;
	v4 =	vld [tilespmem:s29+$0x1C80]  }
0x155: {  	[tilespmem:s29+$0x6B80] =	vst v0;
	v0 =	vadd.s32 $0x61A80, v2;
	v2 =	vld [tilespmem:s29+$0x1D00]  }
0x156: {  	[tilespmem:s29+$0x6C00] =	vst v0;
	v0 =	vadd.s32 $0x7A120, v1;
	v1 =	vld [tilespmem:s29+$0x1D80]  }
0x157: {  	v5 =	vld [tilespmem:s29+$0x1E00];
	[tilespmem:s29+$0x6C80] =	vst v0;
	v0 =	vadd.s32 $0x927C0, v6  }
0x158: {  	v6 =	vld [tilespmem:s29+$0xC80];
	[tilespmem:s29+$0x6D00] =	vst v0;
	v0 =	vadd.s32 $0xAAE60, v3  }
0x159: {  	v3 =	vld [tilespmem:s29+$0x1E80];
	[tilespmem:s29+$0x6D80] =	vst v0;
	v0 =	vadd.s32 $0xC3500, v4  }
0x15a: {  	v4 =	vld [tilespmem:s29+$0x1F00];
	[tilespmem:s29+$0x6E00] =	vst v0;
	v0 =	vadd.s32 $0xDBBA0, v2  }
0x15b: {  	v2 =	vld [tilespmem:s29+$0x1F80];
	[tilespmem:s29+$0x6E80] =	vst v0;
	v0 =	vadd.s32 $0xF4240, v1  }
0x15c: {  	v1 =	vld [tilespmem:s29+$0x2000];
	[tilespmem:s29+$0x6F00] =	vst v0  }
0x15d: {  	v0 =	vadd.s32 $0x10C8E0, v5;
	v5 =	vld [tilespmem:s29+$0x2C80];
	[tilespmem:s29+$0x6A00] =	vst v6  }
0x15e: {  	[tilespmem:s29+$0x6F80] =	vst v0;
	v0 =	vadd.s32 $0x124F80, v3;
	v3 =	vld [tilespmem:s29+$0x2D00]  }
0x15f: {  	[tilespmem:s29+$0x7000] =	vst v0;
	v0 =	vadd.s32 $0x13D620, v4;
	v4 =	vld [tilespmem:s29+$0x2D80]  }
0x160: {  	[tilespmem:s29+$0x7080] =	vst v0;
	v0 =	vadd.s32 $0x155CC0, v2;
	v2 =	vld [tilespmem:s29+$0x2E00]  }
0x161: {  	[tilespmem:s29+$0x7100] =	vst v0;
	v0 =	vadd.s32 $0x16E360, v1;
	v1 =	vld [tilespmem:s29+$0x2E80]  }
0x162: {  	[tilespmem:s29+$0x7180] =	vst v0;
	v0 =	vadd.s32 $0x186A00, v5;
	v5 =	vld [tilespmem:s29+$0x2F00]  }
0x163: {  	[tilespmem:s29+$0x7200] =	vst v0;
	v0 =	vadd.s32 $0x19F0A0, v3;
	v3 =	vld [tilespmem:s29+$0x2F80]  }
0x164: {  	[tilespmem:s29+$0x7280] =	vst v0;
	v0 =	vadd.s32 $0x1B7740, v4;
	v4 =	vld [tilespmem:s29+$0x3000]  }
0x165: {  	[tilespmem:s29+$0x7300] =	vst v0;
	v0 =	vld [tilespmem:s29+$0x3C80];
	v2 =	vadd.s32 $0x1CFDE0, v2  }
0x166: {  	[tilespmem:s29+$0x7380] =	vst v2;
	v1 =	vadd.s32 $0x1E8480, v1  }
0x167: {  	[tilespmem:s29+$0x7400] =	vst v1;
	v1 =	vadd.s32 $0x200B20, v5  }
0x168: {  	[tilespmem:s29+$0x7480] =	vst v1;
	v1 =	vadd.s32 $0x2191C0, v3  }
0x169: {  	[tilespmem:s29+$0x7500] =	vst v1;
	v1 =	vadd.s32 $0x231860, v4  }
0x16a: {  	[tilespmem:s29+$0x7580] =	vst v1;
	v0 =	vadd.s32 $0x249F00, v0  }
0x16b: {  	[tilespmem:s29+$0x7600] =	vst v0  }
0x16c: {  	[tilespmem:s20], [sflag:$0x4] =	stream.indirect.gather [hbm4b:s3+s12], $0x1, s19, s12, $0xb8;
	[tilespmem:$0xAA80] =	vst v63  }
0x16d: {  	v0 =	vld [tilespmem:$0x4200];
	_ =	swait.ge [sflag:s21], $0xD00  }
0x16e: {  	[sflag:s21] =	ssyncset.done $0x0  }
0x16f: {  	s29 =	simm.s32 $0x0;
	[sflag:s21] =	ssyncadd.s32 $0xFFFFF300  }
0x170: {  	v1 =	vld [tilespmem:s29+$0x7680];
	_ =	sdelay $0x1  }
0x171: {  	v2 =	vld [tilespmem:s29+$0x7700];
	_ =	sdelay $0x1  }
0x172: {  	v3 =	vld [tilespmem:s29+$0x7780]  }
0x173: {  	v1 =	vadd.f32 v1, v0  }
0x174: {  	v4 =	vld [tilespmem:s29+$0x7800]  }
0x175: {  	v1 =	vadd.f32 v2, v1  }
0x176: {  	v2 =	vld [tilespmem:s29+$0x7880]  }
0x177: {  	v1 =	vadd.f32 v3, v1  }
0x178: {  	v3 =	vld [tilespmem:s29+$0x7900]  }
0x179: {  	v1 =	vadd.f32 v4, v1  }
0x17a: {  	v4 =	vld [tilespmem:s29+$0x7980]  }
0x17b: {  	v1 =	vadd.f32 v2, v1  }
0x17c: {  	v2 =	vld [tilespmem:s29+$0x7A00]  }
0x17d: {  	v1 =	vadd.f32 v3, v1  }
0x17e: {  	v3 =	vld [tilespmem:s29+$0x7A80]  }
0x17f: {  	v1 =	vadd.f32 v4, v1  }
0x180: {  	v4 =	vld [tilespmem:s29+$0x7B00]  }
0x181: {  	v1 =	vadd.f32 v2, v1  }
0x182: {  	v2 =	vld [tilespmem:s29+$0x7B80]  }
0x183: {  	v1 =	vadd.f32 v3, v1  }
0x184: {  	v3 =	vld [tilespmem:s29+$0x7C00]  }
0x185: {  	v1 =	vadd.f32 v4, v1  }
0x186: {  	s28 =	simm.s32 $0x10;
	v4 =	vld [tilespmem:s29+$0x7C80]  }
0x187: {  	v5 =	vld [tilespmem:s28+$0x7680];
	v1 =	vadd.f32 v2, v1  }
0x188: {  	v2 =	vld [tilespmem:s29+$0x7D00]  }
0x189: {  	v6 =	vld [tilespmem:s28+$0x7700];
	v1 =	vadd.f32 v3, v1  }
0x18a: {  	v3 =	vld [tilespmem:s29+$0x7D80]  }
0x18b: {  	v7 =	vld [tilespmem:s28+$0x7780];
	v1 =	vadd.f32 v4, v1  }
0x18c: {  	v4 =	vld [tilespmem:s29+$0x7E00]  }
0x18d: {  	v8 =	vld [tilespmem:s28+$0x7800];
	v5 =	vadd.f32 v5, v0;
	v1 =	vadd.f32 v2, v1  }
0x18e: {  	v2 =	vld [tilespmem:s29+$0x7E80]  }
0x18f: {  	v5 =	vadd.f32 v6, v5;
	v6 =	vld [tilespmem:s28+$0x7880];
	v1 =	vadd.f32 v3, v1  }
0x190: {  	v3 =	vld [tilespmem:s29+$0x7F00]  }
0x191: {  	v5 =	vadd.f32 v7, v5;
	v7 =	vld [tilespmem:s28+$0x7900];
	v1 =	vadd.f32 v4, v1  }
0x192: {  	v4 =	vld [tilespmem:s29+$0x7F80]  }
0x193: {  	v5 =	vadd.f32 v8, v5;
	v8 =	vld [tilespmem:s28+$0x7980];
	v1 =	vadd.f32 v2, v1  }
0x194: {  	v2 =	vld [tilespmem:s29+$0x8000]  }
0x195: {  	v5 =	vadd.f32 v6, v5;
	v6 =	vld [tilespmem:s28+$0x7A00];
	v1 =	vadd.f32 v3, v1  }
0x196: {  	v3 =	vld [tilespmem:s29+$0x8080]  }
0x197: {  	v5 =	vadd.f32 v7, v5;
	v7 =	vld [tilespmem:s28+$0x7A80];
	v1 =	vadd.f32 v4, v1  }
0x198: {  	v4 =	vld [tilespmem:s29+$0x8100]  }
0x199: {  	v5 =	vadd.f32 v8, v5;
	v8 =	vld [tilespmem:s28+$0x7B00];
	v1 =	vadd.f32 v2, v1  }
0x19a: {  	v2 =	vld [tilespmem:s29+$0x8180]  }
0x19b: {  	v9 =	vld [tilespmem:s29+$0x8200];
	v5 =	vadd.f32 v6, v5;
	v1 =	vadd.f32 v3, v1  }
0x19c: {  	v3 =	vld [tilespmem:s28+$0x7B80]  }
0x19d: {  	v5 =	vadd.f32 v7, v5;
	v6 =	vadd.f32 v4, v1;
	v1 =	vld [tilespmem:s29+$0x8280]  }
0x19e: {  	v4 =	vld [tilespmem:s28+$0x7C00]  }
0x19f: {  	v7 =	vadd.f32 v8, v5;
	v5 =	vld [tilespmem:s28+$0x7C80];
	v8 =	vadd.f32 v2, v6  }
0x1a0: {  	v2 =	vld [tilespmem:s29+$0x8300]  }
0x1a1: {  	s30 =	simm.s32 $0x20;
	s31 =	simm.s32 $0xC0;
	v6 =	vadd.f32 v3, v7;
	v3 =	vld [tilespmem:s28+$0x7D00];
	v7 =	vadd.f32 v9, v8  }
.LBB2_10:
0x1a2: {  	p0 =	sne.s32 s31, $0x1C0;
	v8 =	vld [tilespmem:s30+$0x7680]  }
0x1a3: {  	v4 =	vadd.f32 v4, v6;
	v6 =	vld [tilespmem:s28+$0x7D80];
	v1 =	vadd.f32 v1, v7  }
0x1a4: {  	v7 =	vld [tilespmem:s30+$0x7700]  }
0x1a5: {  	v4 =	vadd.f32 v5, v4;
	v5 =	vld [tilespmem:s28+$0x7E00];
	v1 =	vadd.f32 v2, v1  }
0x1a6: {  	v2 =	vld [tilespmem:s30+$0x7780]  }
0x1a7: {  	v8 =	vadd.f32 v8, v0;
	v3 =	vadd.f32 v3, v4;
	v4 =	vld [tilespmem:s28+$0x7E80];
	[tilespmem:s29+$0x4000] =	vst v1;
	s29 =	smov.u32 s28;
	s28 =	smov.u32 s30  }
0x1a8: {  	v1 =	vld [tilespmem:s28+$0x7800]  }
0x1a9: {  	v7 =	vadd.f32 v7, v8;
	v3 =	vadd.f32 v6, v3;
	v6 =	vld [tilespmem:s29+$0x7F00]  }
0x1aa: {  	v8 =	vld [tilespmem:s28+$0x7880]  }
0x1ab: {  	v2 =	vadd.f32 v2, v7;
	v3 =	vadd.f32 v5, v3;
	v5 =	vld [tilespmem:s29+$0x7F80]  }
0x1ac: {  	v7 =	vld [tilespmem:s28+$0x7900]  }
0x1ad: {  	v1 =	vadd.f32 v1, v2;
	v2 =	vadd.f32 v4, v3;
	v3 =	vld [tilespmem:s29+$0x8000]  }
0x1ae: {  	v4 =	vld [tilespmem:s28+$0x7980]  }
0x1af: {  	v1 =	vadd.f32 v8, v1;
	v2 =	vadd.f32 v6, v2;
	v6 =	vld [tilespmem:s29+$0x8080]  }
0x1b0: {  	v8 =	vld [tilespmem:s28+$0x7A00]  }
0x1b1: {  	v1 =	vadd.f32 v7, v1;
	v2 =	vadd.f32 v5, v2;
	v5 =	vld [tilespmem:s29+$0x8100]  }
0x1b2: {  	v7 =	vld [tilespmem:s28+$0x7A80]  }
0x1b3: {  	v1 =	vadd.f32 v4, v1;
	v2 =	vadd.f32 v3, v2;
	v3 =	vld [tilespmem:s29+$0x8180]  }
0x1b4: {  	v9 =	vld [tilespmem:s28+$0x7B00]  }
0x1b5: {  	v1 =	vadd.f32 v8, v1;
	v2 =	vadd.f32 v6, v2;
	v8 =	vld [tilespmem:s29+$0x8200]  }
0x1b6: {  	v6 =	vld [tilespmem:s28+$0x7B80]  }
.Ltmp4:
0x1b7: {  	v7 =	vadd.f32 v7, v1;
	v2 =	vadd.f32 v5, v2;
	v1 =	vld [tilespmem:s29+$0x8280];
	(pc) =	sbr.rel @p0 .LBB2_10-.Ltmp4, $4  }
0x1b8: {  	v4 =	vld [tilespmem:s28+$0x7C00]  }
0x1b9: {  	v7 =	vadd.f32 v9, v7;
	v9 =	vadd.f32 v3, v2;
	v2 =	vld [tilespmem:s29+$0x8300]  }
0x1ba: {  	v5 =	vld [tilespmem:s28+$0x7C80]  }
0x1bb: {  	s30 =	sshra.s32 s31, $0x2;
	s31 =	sadd.s32 $0x40, s31;
	v6 =	vadd.f32 v6, v7;
	v3 =	vld [tilespmem:s28+$0x7D00];
	v7 =	vadd.f32 v8, v9  }
0x1bc: {  	v8 =	vld [tilespmem:s30+$0x7680]  }
0x1bd: {  	v9 =	vld [tilespmem:s28+$0x7D80];
	v1 =	vadd.f32 v1, v7  }
0x1be: {  	v7 =	vld [tilespmem:s30+$0x7700]  }
0x1bf: {  	v10 =	vld [tilespmem:s28+$0x7E00];
	v4 =	vadd.f32 v4, v6;
	v1 =	vadd.f32 v2, v1  }
0x1c0: {  	v2 =	vld [tilespmem:s30+$0x7780]  }
0x1c1: {  	v6 =	vld [tilespmem:s28+$0x7E80];
	v4 =	vadd.f32 v5, v4;
	v5 =	vadd.f32 v8, v0;
	[tilespmem:s29+$0x4000] =	vst v1  }
0x1c2: {  	v1 =	vld [tilespmem:s30+$0x7800]  }
0x1c3: {  	v3 =	vadd.f32 v3, v4;
	v4 =	vadd.f32 v7, v5  }
0x1c4: {  	v5 =	vld [tilespmem:s30+$0x7880]  }
0x1c5: {  	v3 =	vadd.f32 v9, v3;
	v7 =	vld [tilespmem:s28+$0x7F00];
	v2 =	vadd.f32 v2, v4  }
0x1c6: {  	v4 =	vld [tilespmem:s30+$0x7900]  }
0x1c7: {  	v8 =	vld [tilespmem:s28+$0x7F80];
	v3 =	vadd.f32 v10, v3;
	v1 =	vadd.f32 v1, v2  }
0x1c8: {  	v2 =	vld [tilespmem:s30+$0x7980]  }
0x1c9: {  	v3 =	vadd.f32 v6, v3;
	v6 =	vld [tilespmem:s28+$0x8000];
	v1 =	vadd.f32 v5, v1  }
0x1ca: {  	v5 =	vld [tilespmem:s30+$0x7A00]  }
0x1cb: {  	v3 =	vadd.f32 v7, v3;
	v7 =	vld [tilespmem:s28+$0x8080];
	v1 =	vadd.f32 v4, v1  }
0x1cc: {  	v4 =	vld [tilespmem:s30+$0x7A80]  }
0x1cd: {  	v3 =	vadd.f32 v8, v3;
	v8 =	vld [tilespmem:s28+$0x8100];
	v1 =	vadd.f32 v2, v1  }
0x1ce: {  	v2 =	vld [tilespmem:s30+$0x7B00]  }
0x1cf: {  	v3 =	vadd.f32 v6, v3;
	v6 =	vld [tilespmem:s28+$0x8180];
	v1 =	vadd.f32 v5, v1  }
0x1d0: {  	v5 =	vld [tilespmem:s30+$0x7B80]  }
0x1d1: {  	v3 =	vadd.f32 v7, v3;
	v7 =	vld [tilespmem:s28+$0x8200];
	v1 =	vadd.f32 v4, v1  }
0x1d2: {  	v4 =	vld [tilespmem:s30+$0x7C00]  }
0x1d3: {  	v3 =	vadd.f32 v8, v3;
	v8 =	vld [tilespmem:s28+$0x8280];
	v1 =	vadd.f32 v2, v1  }
0x1d4: {  	v2 =	vld [tilespmem:s30+$0x7C80]  }
0x1d5: {  	v3 =	vadd.f32 v6, v3;
	v6 =	vld [tilespmem:s28+$0x8300];
	v1 =	vadd.f32 v5, v1  }
0x1d6: {  	v5 =	vld [tilespmem:s30+$0x7D00]  }
0x1d7: {  	v3 =	vadd.f32 v7, v3;
	v1 =	vadd.f32 v4, v1  }
0x1d8: {  	v4 =	vld [tilespmem:s30+$0x7D80]  }
0x1d9: {  	v3 =	vadd.f32 v8, v3;
	v1 =	vadd.f32 v2, v1  }
0x1da: {  	v2 =	vld [tilespmem:s30+$0x7E00]  }
0x1db: {  	v3 =	vadd.f32 v6, v3;
	v1 =	vadd.f32 v5, v1  }
0x1dc: {  	v5 =	vld [tilespmem:s30+$0x7E80]  }
0x1dd: {  	[tilespmem:s28+$0x4000] =	vst v3;
	v1 =	vadd.f32 v4, v1  }
0x1de: {  	v3 =	vld [tilespmem:s30+$0x7F00]  }
0x1df: {  	v1 =	vadd.f32 v2, v1  }
0x1e0: {  	v2 =	vld [tilespmem:s30+$0x7F80]  }
0x1e1: {  	v1 =	vadd.f32 v5, v1  }
0x1e2: {  	v4 =	vld [tilespmem:s30+$0x8000]  }
0x1e3: {  	v1 =	vadd.f32 v3, v1  }
0x1e4: {  	v3 =	vld [tilespmem:s30+$0x8080]  }
0x1e5: {  	v1 =	vadd.f32 v2, v1  }
0x1e6: {  	v2 =	vld [tilespmem:s30+$0x8100]  }
0x1e7: {  	v1 =	vadd.f32 v4, v1  }
0x1e8: {  	v4 =	vld [tilespmem:s30+$0x8180]  }
0x1e9: {  	v1 =	vadd.f32 v3, v1  }
0x1ea: {  	v3 =	vld [tilespmem:s30+$0x8200]  }
0x1eb: {  	v1 =	vadd.f32 v2, v1  }
0x1ec: {  	v2 =	vld [tilespmem:s30+$0x8280]  }
0x1ed: {  	v1 =	vadd.f32 v4, v1  }
0x1ee: {  	v4 =	vld [tilespmem:s30+$0x8300]  }
0x1ef: {  	v1 =	vadd.f32 v3, v1;
	_ =	sdelay $0x1  }
0x1f0: {  	v1 =	vadd.f32 v2, v1;
	_ =	sdelay $0x1  }
0x1f1: {  	v1 =	vadd.f32 v4, v1;
	_ =	sdelay $0x1  }
0x1f2: {  	[tilespmem:s30+$0x4000] =	vst v1  }
0x1f3: {  	_ =	swait.ge [sflag:s22], $0xD00  }
0x1f4: {  	[sflag:s22] =	ssyncset.done $0x0  }
0x1f5: {  	s29 =	simm.s32 $0x0;
	[sflag:s22] =	ssyncadd.s32 $0xFFFFF300  }
0x1f6: {  	v1 =	vld [tilespmem:s29+$0x8380];
	_ =	sdelay $0x1  }
0x1f7: {  	v2 =	vld [tilespmem:s29+$0x8400];
	_ =	sdelay $0x1  }
0x1f8: {  	v3 =	vld [tilespmem:s29+$0x8480]  }
0x1f9: {  	v1 =	vadd.f32 v1, v0  }
0x1fa: {  	v4 =	vld [tilespmem:s29+$0x8500]  }
0x1fb: {  	v1 =	vadd.f32 v2, v1  }
0x1fc: {  	v2 =	vld [tilespmem:s29+$0x8580]  }
0x1fd: {  	v1 =	vadd.f32 v3, v1  }
0x1fe: {  	v3 =	vld [tilespmem:s29+$0x8600]  }
0x1ff: {  	v1 =	vadd.f32 v4, v1  }
0x200: {  	v4 =	vld [tilespmem:s29+$0x8680]  }
0x201: {  	v1 =	vadd.f32 v2, v1  }
0x202: {  	v2 =	vld [tilespmem:s29+$0x8700]  }
0x203: {  	v1 =	vadd.f32 v3, v1  }
0x204: {  	v3 =	vld [tilespmem:s29+$0x8780]  }
0x205: {  	v1 =	vadd.f32 v4, v1  }
0x206: {  	v4 =	vld [tilespmem:s29+$0x8800]  }
0x207: {  	v1 =	vadd.f32 v2, v1  }
0x208: {  	v2 =	vld [tilespmem:s29+$0x8880]  }
0x209: {  	v1 =	vadd.f32 v3, v1  }
0x20a: {  	v3 =	vld [tilespmem:s29+$0x8900]  }
0x20b: {  	v1 =	vadd.f32 v4, v1  }
0x20c: {  	s28 =	simm.s32 $0x10;
	v4 =	vld [tilespmem:s29+$0x8980]  }
0x20d: {  	v5 =	vld [tilespmem:s28+$0x8380];
	v1 =	vadd.f32 v2, v1  }
0x20e: {  	v2 =	vld [tilespmem:s29+$0x8A00]  }
0x20f: {  	v6 =	vld [tilespmem:s28+$0x8400];
	v1 =	vadd.f32 v3, v1  }
0x210: {  	v3 =	vld [tilespmem:s29+$0x8A80]  }
0x211: {  	v7 =	vld [tilespmem:s28+$0x8480];
	v1 =	vadd.f32 v4, v1  }
0x212: {  	v4 =	vld [tilespmem:s29+$0x8B00]  }
0x213: {  	v8 =	vld [tilespmem:s28+$0x8500];
	v5 =	vadd.f32 v5, v0;
	v1 =	vadd.f32 v2, v1  }
0x214: {  	v2 =	vld [tilespmem:s29+$0x8B80]  }
0x215: {  	v5 =	vadd.f32 v6, v5;
	v6 =	vld [tilespmem:s28+$0x8580];
	v1 =	vadd.f32 v3, v1  }
0x216: {  	v3 =	vld [tilespmem:s29+$0x8C00]  }
0x217: {  	v5 =	vadd.f32 v7, v5;
	v7 =	vld [tilespmem:s28+$0x8600];
	v1 =	vadd.f32 v4, v1  }
0x218: {  	v4 =	vld [tilespmem:s29+$0x8C80]  }
0x219: {  	v5 =	vadd.f32 v8, v5;
	v8 =	vld [tilespmem:s28+$0x8680];
	v1 =	vadd.f32 v2, v1  }
0x21a: {  	v2 =	vld [tilespmem:s29+$0x8D00]  }
0x21b: {  	v5 =	vadd.f32 v6, v5;
	v6 =	vld [tilespmem:s28+$0x8700];
	v1 =	vadd.f32 v3, v1  }
0x21c: {  	v3 =	vld [tilespmem:s29+$0x8D80]  }
0x21d: {  	v5 =	vadd.f32 v7, v5;
	v7 =	vld [tilespmem:s28+$0x8780];
	v1 =	vadd.f32 v4, v1  }
0x21e: {  	v4 =	vld [tilespmem:s29+$0x8E00]  }
0x21f: {  	v5 =	vadd.f32 v8, v5;
	v8 =	vld [tilespmem:s28+$0x8800];
	v1 =	vadd.f32 v2, v1  }
0x220: {  	v2 =	vld [tilespmem:s29+$0x8E80]  }
0x221: {  	v63 =	vld [tilespmem:s29+$0x8F00];
	v5 =	vadd.f32 v6, v5;
	v1 =	vadd.f32 v3, v1  }
0x222: {  	v3 =	vld [tilespmem:s28+$0x8880]  }
0x223: {  	v5 =	vadd.f32 v7, v5;
	v6 =	vadd.f32 v4, v1;
	v1 =	vld [tilespmem:s29+$0x8F80]  }
0x224: {  	v4 =	vld [tilespmem:s28+$0x8900]  }
0x225: {  	v7 =	vadd.f32 v8, v5;
	v5 =	vld [tilespmem:s28+$0x8980];
	v8 =	vadd.f32 v2, v6  }
0x226: {  	v2 =	vld [tilespmem:s29+$0x9000]  }
0x227: {  	s31 =	simm.s32 $0xC0;
	s30 =	simm.s32 $0x20;
	v6 =	vadd.f32 v3, v7;
	v3 =	vld [tilespmem:s28+$0x8A00];
	v7 =	vadd.f32 v63, v8  }
.LBB2_12:
0x228: {  	p0 =	sne.s32 s31, $0x1C0;
	v8 =	vld [tilespmem:s30+$0x8380]  }
0x229: {  	v4 =	vadd.f32 v4, v6;
	v6 =	vld [tilespmem:s28+$0x8A80];
	v1 =	vadd.f32 v1, v7  }
0x22a: {  	v7 =	vld [tilespmem:s30+$0x8400]  }
0x22b: {  	v4 =	vadd.f32 v5, v4;
	v5 =	vld [tilespmem:s28+$0x8B00];
	v1 =	vadd.f32 v2, v1  }
0x22c: {  	v2 =	vld [tilespmem:s30+$0x8480]  }
0x22d: {  	v8 =	vadd.f32 v8, v0;
	v3 =	vadd.f32 v3, v4;
	v4 =	vld [tilespmem:s28+$0x8B80];
	[tilespmem:s29+$0x4080] =	vst v1;
	s29 =	smov.u32 s28;
	s28 =	smov.u32 s30  }
0x22e: {  	v1 =	vld [tilespmem:s28+$0x8500]  }
0x22f: {  	v7 =	vadd.f32 v7, v8;
	v3 =	vadd.f32 v6, v3;
	v6 =	vld [tilespmem:s29+$0x8C00]  }
0x230: {  	v8 =	vld [tilespmem:s28+$0x8580]  }
0x231: {  	v2 =	vadd.f32 v2, v7;
	v3 =	vadd.f32 v5, v3;
	v5 =	vld [tilespmem:s29+$0x8C80]  }
0x232: {  	v7 =	vld [tilespmem:s28+$0x8600]  }
0x233: {  	v1 =	vadd.f32 v1, v2;
	v2 =	vadd.f32 v4, v3;
	v3 =	vld [tilespmem:s29+$0x8D00]  }
0x234: {  	v4 =	vld [tilespmem:s28+$0x8680]  }
0x235: {  	v1 =	vadd.f32 v8, v1;
	v2 =	vadd.f32 v6, v2;
	v6 =	vld [tilespmem:s29+$0x8D80]  }
0x236: {  	v8 =	vld [tilespmem:s28+$0x8700]  }
0x237: {  	v1 =	vadd.f32 v7, v1;
	v2 =	vadd.f32 v5, v2;
	v5 =	vld [tilespmem:s29+$0x8E00]  }
0x238: {  	v7 =	vld [tilespmem:s28+$0x8780]  }
0x239: {  	v1 =	vadd.f32 v4, v1;
	v2 =	vadd.f32 v3, v2;
	v3 =	vld [tilespmem:s29+$0x8E80]  }
0x23a: {  	v9 =	vld [tilespmem:s28+$0x8800]  }
0x23b: {  	v1 =	vadd.f32 v8, v1;
	v2 =	vadd.f32 v6, v2;
	v8 =	vld [tilespmem:s29+$0x8F00]  }
0x23c: {  	v6 =	vld [tilespmem:s28+$0x8880]  }
.Ltmp5:
0x23d: {  	v7 =	vadd.f32 v7, v1;
	v2 =	vadd.f32 v5, v2;
	v1 =	vld [tilespmem:s29+$0x8F80];
	(pc) =	sbr.rel @p0 .LBB2_12-.Ltmp5, $4  }
0x23e: {  	v4 =	vld [tilespmem:s28+$0x8900]  }
0x23f: {  	v7 =	vadd.f32 v9, v7;
	v9 =	vadd.f32 v3, v2;
	v2 =	vld [tilespmem:s29+$0x9000]  }
0x240: {  	v5 =	vld [tilespmem:s28+$0x8980]  }
0x241: {  	s30 =	sshra.s32 s31, $0x2;
	s31 =	sadd.s32 $0x40, s31;
	v6 =	vadd.f32 v6, v7;
	v3 =	vld [tilespmem:s28+$0x8A00];
	v7 =	vadd.f32 v8, v9  }
0x242: {  	v8 =	vld [tilespmem:s30+$0x8380]  }
0x243: {  	v9 =	vld [tilespmem:s28+$0x8A80];
	v1 =	vadd.f32 v1, v7  }
0x244: {  	v7 =	vld [tilespmem:s30+$0x8400]  }
0x245: {  	v10 =	vld [tilespmem:s28+$0x8B00];
	v4 =	vadd.f32 v4, v6;
	v1 =	vadd.f32 v2, v1  }
0x246: {  	v2 =	vld [tilespmem:s30+$0x8480]  }
0x247: {  	v6 =	vld [tilespmem:s28+$0x8B80];
	v4 =	vadd.f32 v5, v4;
	v5 =	vadd.f32 v8, v0;
	[tilespmem:s29+$0x4080] =	vst v1  }
0x248: {  	v1 =	vld [tilespmem:s30+$0x8500]  }
0x249: {  	v3 =	vadd.f32 v3, v4;
	v4 =	vadd.f32 v7, v5  }
0x24a: {  	v5 =	vld [tilespmem:s30+$0x8580]  }
0x24b: {  	v3 =	vadd.f32 v9, v3;
	v7 =	vld [tilespmem:s28+$0x8C00];
	v2 =	vadd.f32 v2, v4  }
0x24c: {  	v4 =	vld [tilespmem:s30+$0x8600]  }
0x24d: {  	v8 =	vld [tilespmem:s28+$0x8C80];
	v3 =	vadd.f32 v10, v3;
	v1 =	vadd.f32 v1, v2  }
0x24e: {  	v2 =	vld [tilespmem:s30+$0x8680]  }
0x24f: {  	v3 =	vadd.f32 v6, v3;
	v6 =	vld [tilespmem:s28+$0x8D00];
	v1 =	vadd.f32 v5, v1  }
0x250: {  	v5 =	vld [tilespmem:s30+$0x8700]  }
0x251: {  	v3 =	vadd.f32 v7, v3;
	v7 =	vld [tilespmem:s28+$0x8D80];
	v1 =	vadd.f32 v4, v1  }
0x252: {  	v4 =	vld [tilespmem:s30+$0x8780]  }
0x253: {  	v3 =	vadd.f32 v8, v3;
	v8 =	vld [tilespmem:s28+$0x8E00];
	v1 =	vadd.f32 v2, v1  }
0x254: {  	v2 =	vld [tilespmem:s30+$0x8800]  }
0x255: {  	v3 =	vadd.f32 v6, v3;
	v6 =	vld [tilespmem:s28+$0x8E80];
	v1 =	vadd.f32 v5, v1  }
0x256: {  	v5 =	vld [tilespmem:s30+$0x8880]  }
0x257: {  	v3 =	vadd.f32 v7, v3;
	v7 =	vld [tilespmem:s28+$0x8F00];
	v1 =	vadd.f32 v4, v1  }
0x258: {  	v4 =	vld [tilespmem:s30+$0x8900]  }
0x259: {  	v3 =	vadd.f32 v8, v3;
	v8 =	vld [tilespmem:s28+$0x8F80];
	v1 =	vadd.f32 v2, v1  }
0x25a: {  	v2 =	vld [tilespmem:s30+$0x8980]  }
0x25b: {  	v3 =	vadd.f32 v6, v3;
	v6 =	vld [tilespmem:s28+$0x9000];
	v1 =	vadd.f32 v5, v1  }
0x25c: {  	v5 =	vld [tilespmem:s30+$0x8A00]  }
0x25d: {  	v3 =	vadd.f32 v7, v3;
	v1 =	vadd.f32 v4, v1  }
0x25e: {  	v4 =	vld [tilespmem:s30+$0x8A80]  }
0x25f: {  	v3 =	vadd.f32 v8, v3;
	v1 =	vadd.f32 v2, v1  }
0x260: {  	v2 =	vld [tilespmem:s30+$0x8B00]  }
0x261: {  	v3 =	vadd.f32 v6, v3;
	v1 =	vadd.f32 v5, v1  }
0x262: {  	v5 =	vld [tilespmem:s30+$0x8B80]  }
0x263: {  	[tilespmem:s28+$0x4080] =	vst v3;
	v1 =	vadd.f32 v4, v1  }
0x264: {  	v3 =	vld [tilespmem:s30+$0x8C00]  }
0x265: {  	v1 =	vadd.f32 v2, v1  }
0x266: {  	v2 =	vld [tilespmem:s30+$0x8C80]  }
0x267: {  	v1 =	vadd.f32 v5, v1  }
0x268: {  	v4 =	vld [tilespmem:s30+$0x8D00]  }
0x269: {  	v1 =	vadd.f32 v3, v1  }
0x26a: {  	v3 =	vld [tilespmem:s30+$0x8D80]  }
0x26b: {  	v1 =	vadd.f32 v2, v1  }
0x26c: {  	v2 =	vld [tilespmem:s30+$0x8E00]  }
0x26d: {  	v1 =	vadd.f32 v4, v1  }
0x26e: {  	v4 =	vld [tilespmem:s30+$0x8E80]  }
0x26f: {  	v1 =	vadd.f32 v3, v1  }
0x270: {  	v3 =	vld [tilespmem:s30+$0x8F00]  }
0x271: {  	v1 =	vadd.f32 v2, v1  }
0x272: {  	v2 =	vld [tilespmem:s30+$0x8F80]  }
0x273: {  	v1 =	vadd.f32 v4, v1  }
0x274: {  	v4 =	vld [tilespmem:s30+$0x9000]  }
0x275: {  	v1 =	vadd.f32 v3, v1;
	_ =	sdelay $0x1  }
0x276: {  	v1 =	vadd.f32 v2, v1;
	_ =	sdelay $0x1  }
0x277: {  	v1 =	vadd.f32 v4, v1;
	_ =	sdelay $0x1  }
0x278: {  	[tilespmem:s30+$0x4080] =	vst v1  }
0x279: {  	_ =	swait.ge [sflag:s23], $0xD00  }
0x27a: {  	[sflag:s23] =	ssyncset.done $0x0  }
0x27b: {  	s29 =	simm.s32 $0x0;
	[sflag:s23] =	ssyncadd.s32 $0xFFFFF300  }
0x27c: {  	v1 =	vld [tilespmem:s29+$0x9080];
	_ =	sdelay $0x1  }
0x27d: {  	v2 =	vld [tilespmem:s29+$0x9100];
	_ =	sdelay $0x1  }
0x27e: {  	v3 =	vld [tilespmem:s29+$0x9180]  }
0x27f: {  	v1 =	vadd.f32 v1, v0  }
0x280: {  	v4 =	vld [tilespmem:s29+$0x9200]  }
0x281: {  	v1 =	vadd.f32 v2, v1  }
0x282: {  	v2 =	vld [tilespmem:s29+$0x9280]  }
0x283: {  	v1 =	vadd.f32 v3, v1  }
0x284: {  	v3 =	vld [tilespmem:s29+$0x9300]  }
0x285: {  	v1 =	vadd.f32 v4, v1  }
0x286: {  	v4 =	vld [tilespmem:s29+$0x9380]  }
0x287: {  	v1 =	vadd.f32 v2, v1  }
0x288: {  	v2 =	vld [tilespmem:s29+$0x9400]  }
0x289: {  	v1 =	vadd.f32 v3, v1  }
0x28a: {  	v3 =	vld [tilespmem:s29+$0x9480]  }
0x28b: {  	v1 =	vadd.f32 v4, v1  }
0x28c: {  	v4 =	vld [tilespmem:s29+$0x9500]  }
0x28d: {  	v1 =	vadd.f32 v2, v1  }
0x28e: {  	v2 =	vld [tilespmem:s29+$0x9580]  }
0x28f: {  	v1 =	vadd.f32 v3, v1  }
0x290: {  	v3 =	vld [tilespmem:s29+$0x9600]  }
0x291: {  	v1 =	vadd.f32 v4, v1  }
0x292: {  	s28 =	simm.s32 $0x10;
	v4 =	vld [tilespmem:s29+$0x9680]  }
0x293: {  	v5 =	vld [tilespmem:s28+$0x9080];
	v1 =	vadd.f32 v2, v1  }
0x294: {  	v2 =	vld [tilespmem:s29+$0x9700]  }
0x295: {  	v6 =	vld [tilespmem:s28+$0x9100];
	v1 =	vadd.f32 v3, v1  }
0x296: {  	v3 =	vld [tilespmem:s29+$0x9780]  }
0x297: {  	v7 =	vld [tilespmem:s28+$0x9180];
	v1 =	vadd.f32 v4, v1  }
0x298: {  	v4 =	vld [tilespmem:s29+$0x9800]  }
0x299: {  	v8 =	vld [tilespmem:s28+$0x9200];
	v5 =	vadd.f32 v5, v0;
	v1 =	vadd.f32 v2, v1  }
0x29a: {  	v2 =	vld [tilespmem:s29+$0x9880]  }
0x29b: {  	v5 =	vadd.f32 v6, v5;
	v6 =	vld [tilespmem:s28+$0x9280];
	v1 =	vadd.f32 v3, v1  }
0x29c: {  	v3 =	vld [tilespmem:s29+$0x9900]  }
0x29d: {  	v5 =	vadd.f32 v7, v5;
	v7 =	vld [tilespmem:s28+$0x9300];
	v1 =	vadd.f32 v4, v1  }
0x29e: {  	v4 =	vld [tilespmem:s29+$0x9980]  }
0x29f: {  	v5 =	vadd.f32 v8, v5;
	v8 =	vld [tilespmem:s28+$0x9380];
	v1 =	vadd.f32 v2, v1  }
0x2a0: {  	v2 =	vld [tilespmem:s29+$0x9A00]  }
0x2a1: {  	v5 =	vadd.f32 v6, v5;
	v6 =	vld [tilespmem:s28+$0x9400];
	v1 =	vadd.f32 v3, v1  }
0x2a2: {  	v3 =	vld [tilespmem:s29+$0x9A80]  }
0x2a3: {  	v5 =	vadd.f32 v7, v5;
	v7 =	vld [tilespmem:s28+$0x9480];
	v1 =	vadd.f32 v4, v1  }
0x2a4: {  	v4 =	vld [tilespmem:s29+$0x9B00]  }
0x2a5: {  	v5 =	vadd.f32 v8, v5;
	v8 =	vld [tilespmem:s28+$0x9500];
	v1 =	vadd.f32 v2, v1  }
0x2a6: {  	v2 =	vld [tilespmem:s29+$0x9B80]  }
0x2a7: {  	v63 =	vld [tilespmem:s29+$0x9C00];
	v5 =	vadd.f32 v6, v5;
	v1 =	vadd.f32 v3, v1  }
0x2a8: {  	v3 =	vld [tilespmem:s28+$0x9580]  }
0x2a9: {  	v5 =	vadd.f32 v7, v5;
	v6 =	vadd.f32 v4, v1;
	v1 =	vld [tilespmem:s29+$0x9C80]  }
0x2aa: {  	v4 =	vld [tilespmem:s28+$0x9600]  }
0x2ab: {  	v7 =	vadd.f32 v8, v5;
	v5 =	vld [tilespmem:s28+$0x9680];
	v8 =	vadd.f32 v2, v6  }
0x2ac: {  	v2 =	vld [tilespmem:s29+$0x9D00]  }
0x2ad: {  	s31 =	simm.s32 $0xC0;
	s30 =	simm.s32 $0x20;
	v6 =	vadd.f32 v3, v7;
	v3 =	vld [tilespmem:s28+$0x9700];
	v7 =	vadd.f32 v63, v8  }
.LBB2_14:
0x2ae: {  	p0 =	sne.s32 s31, $0x1C0;
	v8 =	vld [tilespmem:s30+$0x9080]  }
0x2af: {  	v4 =	vadd.f32 v4, v6;
	v6 =	vld [tilespmem:s28+$0x9780];
	v1 =	vadd.f32 v1, v7  }
0x2b0: {  	v7 =	vld [tilespmem:s30+$0x9100]  }
0x2b1: {  	v4 =	vadd.f32 v5, v4;
	v5 =	vld [tilespmem:s28+$0x9800];
	v1 =	vadd.f32 v2, v1  }
0x2b2: {  	v2 =	vld [tilespmem:s30+$0x9180]  }
0x2b3: {  	v8 =	vadd.f32 v8, v0;
	v3 =	vadd.f32 v3, v4;
	v4 =	vld [tilespmem:s28+$0x9880];
	[tilespmem:s29+$0x4100] =	vst v1;
	s29 =	smov.u32 s28;
	s28 =	smov.u32 s30  }
0x2b4: {  	v1 =	vld [tilespmem:s28+$0x9200]  }
0x2b5: {  	v7 =	vadd.f32 v7, v8;
	v3 =	vadd.f32 v6, v3;
	v6 =	vld [tilespmem:s29+$0x9900]  }
0x2b6: {  	v8 =	vld [tilespmem:s28+$0x9280]  }
0x2b7: {  	v2 =	vadd.f32 v2, v7;
	v3 =	vadd.f32 v5, v3;
	v5 =	vld [tilespmem:s29+$0x9980]  }
0x2b8: {  	v7 =	vld [tilespmem:s28+$0x9300]  }
0x2b9: {  	v1 =	vadd.f32 v1, v2;
	v2 =	vadd.f32 v4, v3;
	v3 =	vld [tilespmem:s29+$0x9A00]  }
0x2ba: {  	v4 =	vld [tilespmem:s28+$0x9380]  }
0x2bb: {  	v1 =	vadd.f32 v8, v1;
	v2 =	vadd.f32 v6, v2;
	v6 =	vld [tilespmem:s29+$0x9A80]  }
0x2bc: {  	v8 =	vld [tilespmem:s28+$0x9400]  }
0x2bd: {  	v1 =	vadd.f32 v7, v1;
	v2 =	vadd.f32 v5, v2;
	v5 =	vld [tilespmem:s29+$0x9B00]  }
0x2be: {  	v7 =	vld [tilespmem:s28+$0x9480]  }
0x2bf: {  	v1 =	vadd.f32 v4, v1;
	v2 =	vadd.f32 v3, v2;
	v3 =	vld [tilespmem:s29+$0x9B80]  }
0x2c0: {  	v9 =	vld [tilespmem:s28+$0x9500]  }
0x2c1: {  	v1 =	vadd.f32 v8, v1;
	v2 =	vadd.f32 v6, v2;
	v8 =	vld [tilespmem:s29+$0x9C00]  }
0x2c2: {  	v6 =	vld [tilespmem:s28+$0x9580]  }
.Ltmp6:
0x2c3: {  	v7 =	vadd.f32 v7, v1;
	v2 =	vadd.f32 v5, v2;
	v1 =	vld [tilespmem:s29+$0x9C80];
	(pc) =	sbr.rel @p0 .LBB2_14-.Ltmp6, $4  }
0x2c4: {  	v4 =	vld [tilespmem:s28+$0x9600]  }
0x2c5: {  	v7 =	vadd.f32 v9, v7;
	v9 =	vadd.f32 v3, v2;
	v2 =	vld [tilespmem:s29+$0x9D00]  }
0x2c6: {  	v5 =	vld [tilespmem:s28+$0x9680]  }
0x2c7: {  	s30 =	sshra.s32 s31, $0x2;
	s31 =	sadd.s32 $0x40, s31;
	v6 =	vadd.f32 v6, v7;
	v3 =	vld [tilespmem:s28+$0x9700];
	v7 =	vadd.f32 v8, v9  }
0x2c8: {  	v8 =	vld [tilespmem:s30+$0x9080]  }
0x2c9: {  	v9 =	vld [tilespmem:s28+$0x9780];
	v1 =	vadd.f32 v1, v7  }
0x2ca: {  	v7 =	vld [tilespmem:s30+$0x9100]  }
0x2cb: {  	v10 =	vld [tilespmem:s28+$0x9800];
	v4 =	vadd.f32 v4, v6;
	v1 =	vadd.f32 v2, v1  }
0x2cc: {  	v2 =	vld [tilespmem:s30+$0x9180]  }
0x2cd: {  	v6 =	vld [tilespmem:s28+$0x9880];
	v4 =	vadd.f32 v5, v4;
	v5 =	vadd.f32 v8, v0;
	[tilespmem:s29+$0x4100] =	vst v1  }
0x2ce: {  	v1 =	vld [tilespmem:s30+$0x9200]  }
0x2cf: {  	v3 =	vadd.f32 v3, v4;
	v4 =	vadd.f32 v7, v5  }
0x2d0: {  	v5 =	vld [tilespmem:s30+$0x9280]  }
0x2d1: {  	v3 =	vadd.f32 v9, v3;
	v7 =	vld [tilespmem:s28+$0x9900];
	v2 =	vadd.f32 v2, v4  }
0x2d2: {  	v4 =	vld [tilespmem:s30+$0x9300]  }
0x2d3: {  	v8 =	vld [tilespmem:s28+$0x9980];
	v3 =	vadd.f32 v10, v3;
	v1 =	vadd.f32 v1, v2  }
0x2d4: {  	v2 =	vld [tilespmem:s30+$0x9380]  }
0x2d5: {  	v3 =	vadd.f32 v6, v3;
	v6 =	vld [tilespmem:s28+$0x9A00];
	v1 =	vadd.f32 v5, v1  }
0x2d6: {  	v5 =	vld [tilespmem:s30+$0x9400]  }
0x2d7: {  	v3 =	vadd.f32 v7, v3;
	v7 =	vld [tilespmem:s28+$0x9A80];
	v1 =	vadd.f32 v4, v1  }
0x2d8: {  	v4 =	vld [tilespmem:s30+$0x9480]  }
0x2d9: {  	v3 =	vadd.f32 v8, v3;
	v8 =	vld [tilespmem:s28+$0x9B00];
	v1 =	vadd.f32 v2, v1  }
0x2da: {  	v2 =	vld [tilespmem:s30+$0x9500]  }
0x2db: {  	v3 =	vadd.f32 v6, v3;
	v6 =	vld [tilespmem:s28+$0x9B80];
	v1 =	vadd.f32 v5, v1  }
0x2dc: {  	v5 =	vld [tilespmem:s30+$0x9580]  }
0x2dd: {  	v3 =	vadd.f32 v7, v3;
	v7 =	vld [tilespmem:s28+$0x9C00];
	v1 =	vadd.f32 v4, v1  }
0x2de: {  	v4 =	vld [tilespmem:s30+$0x9600]  }
0x2df: {  	v3 =	vadd.f32 v8, v3;
	v8 =	vld [tilespmem:s28+$0x9C80];
	v1 =	vadd.f32 v2, v1  }
0x2e0: {  	v2 =	vld [tilespmem:s30+$0x9680]  }
0x2e1: {  	v3 =	vadd.f32 v6, v3;
	v6 =	vld [tilespmem:s28+$0x9D00];
	v1 =	vadd.f32 v5, v1  }
0x2e2: {  	v5 =	vld [tilespmem:s30+$0x9700]  }
0x2e3: {  	v3 =	vadd.f32 v7, v3;
	v1 =	vadd.f32 v4, v1  }
0x2e4: {  	v4 =	vld [tilespmem:s30+$0x9780]  }
0x2e5: {  	v3 =	vadd.f32 v8, v3;
	v1 =	vadd.f32 v2, v1  }
0x2e6: {  	v2 =	vld [tilespmem:s30+$0x9800]  }
0x2e7: {  	v3 =	vadd.f32 v6, v3;
	v1 =	vadd.f32 v5, v1  }
0x2e8: {  	v5 =	vld [tilespmem:s30+$0x9880]  }
0x2e9: {  	[tilespmem:s28+$0x4100] =	vst v3;
	v1 =	vadd.f32 v4, v1  }
0x2ea: {  	v3 =	vld [tilespmem:s30+$0x9900]  }
0x2eb: {  	v1 =	vadd.f32 v2, v1  }
0x2ec: {  	v2 =	vld [tilespmem:s30+$0x9980]  }
0x2ed: {  	v1 =	vadd.f32 v5, v1  }
0x2ee: {  	v4 =	vld [tilespmem:s30+$0x9A00]  }
0x2ef: {  	v1 =	vadd.f32 v3, v1  }
0x2f0: {  	v3 =	vld [tilespmem:s30+$0x9A80]  }
0x2f1: {  	v1 =	vadd.f32 v2, v1  }
0x2f2: {  	v2 =	vld [tilespmem:s30+$0x9B00]  }
0x2f3: {  	v1 =	vadd.f32 v4, v1  }
0x2f4: {  	v4 =	vld [tilespmem:s30+$0x9B80]  }
0x2f5: {  	v1 =	vadd.f32 v3, v1  }
0x2f6: {  	v3 =	vld [tilespmem:s30+$0x9C00]  }
0x2f7: {  	v1 =	vadd.f32 v2, v1  }
0x2f8: {  	v2 =	vld [tilespmem:s30+$0x9C80]  }
0x2f9: {  	v1 =	vadd.f32 v4, v1  }
0x2fa: {  	v4 =	vld [tilespmem:s30+$0x9D00]  }
0x2fb: {  	v1 =	vadd.f32 v3, v1;
	_ =	sdelay $0x1  }
0x2fc: {  	v1 =	vadd.f32 v2, v1;
	_ =	sdelay $0x1  }
0x2fd: {  	v1 =	vadd.f32 v4, v1;
	_ =	sdelay $0x1  }
0x2fe: {  	[tilespmem:s30+$0x4100] =	vst v1  }
0x2ff: {  	_ =	swait.ge [sflag:s24], $0xD00  }
0x300: {  	[sflag:s24] =	ssyncset.done $0x0  }
0x301: {  	s29 =	simm.s32 $0x0;
	[sflag:s24] =	ssyncadd.s32 $0xFFFFF300  }
0x302: {  	v1 =	vld [tilespmem:s29+$0x9D80];
	_ =	sdelay $0x1  }
0x303: {  	v2 =	vld [tilespmem:s29+$0x9E00];
	_ =	sdelay $0x1  }
0x304: {  	v3 =	vld [tilespmem:s29+$0x9E80]  }
0x305: {  	v1 =	vadd.f32 v1, v0  }
0x306: {  	v4 =	vld [tilespmem:s29+$0x9F00]  }
0x307: {  	v1 =	vadd.f32 v2, v1  }
0x308: {  	v2 =	vld [tilespmem:s29+$0x9F80]  }
0x309: {  	v1 =	vadd.f32 v3, v1  }
0x30a: {  	v3 =	vld [tilespmem:s29+$0xA000]  }
0x30b: {  	v1 =	vadd.f32 v4, v1  }
0x30c: {  	v4 =	vld [tilespmem:s29+$0xA080]  }
0x30d: {  	v1 =	vadd.f32 v2, v1  }
0x30e: {  	v2 =	vld [tilespmem:s29+$0xA100]  }
0x30f: {  	v1 =	vadd.f32 v3, v1  }
0x310: {  	v3 =	vld [tilespmem:s29+$0xA180]  }
0x311: {  	v1 =	vadd.f32 v4, v1  }
0x312: {  	v4 =	vld [tilespmem:s29+$0xA200]  }
0x313: {  	v1 =	vadd.f32 v2, v1  }
0x314: {  	v2 =	vld [tilespmem:s29+$0xA280]  }
0x315: {  	v1 =	vadd.f32 v3, v1  }
0x316: {  	v3 =	vld [tilespmem:s29+$0xA300]  }
0x317: {  	v1 =	vadd.f32 v4, v1  }
0x318: {  	s28 =	simm.s32 $0x10;
	v4 =	vld [tilespmem:s29+$0xA380]  }
0x319: {  	v5 =	vld [tilespmem:s28+$0x9D80];
	v1 =	vadd.f32 v2, v1  }
0x31a: {  	v2 =	vld [tilespmem:s29+$0xA400]  }
0x31b: {  	v6 =	vld [tilespmem:s28+$0x9E00];
	v1 =	vadd.f32 v3, v1  }
0x31c: {  	v3 =	vld [tilespmem:s29+$0xA480]  }
0x31d: {  	v7 =	vld [tilespmem:s28+$0x9E80];
	v1 =	vadd.f32 v4, v1  }
0x31e: {  	v4 =	vld [tilespmem:s29+$0xA500]  }
0x31f: {  	v8 =	vld [tilespmem:s28+$0x9F00];
	v5 =	vadd.f32 v5, v0;
	v1 =	vadd.f32 v2, v1  }
0x320: {  	v2 =	vld [tilespmem:s29+$0xA580]  }
0x321: {  	v5 =	vadd.f32 v6, v5;
	v6 =	vld [tilespmem:s28+$0x9F80];
	v1 =	vadd.f32 v3, v1  }
0x322: {  	v3 =	vld [tilespmem:s29+$0xA600]  }
0x323: {  	v5 =	vadd.f32 v7, v5;
	v7 =	vld [tilespmem:s28+$0xA000];
	v1 =	vadd.f32 v4, v1  }
0x324: {  	v4 =	vld [tilespmem:s29+$0xA680]  }
0x325: {  	v5 =	vadd.f32 v8, v5;
	v8 =	vld [tilespmem:s28+$0xA080];
	v1 =	vadd.f32 v2, v1  }
0x326: {  	v2 =	vld [tilespmem:s29+$0xA700]  }
0x327: {  	v5 =	vadd.f32 v6, v5;
	v6 =	vld [tilespmem:s28+$0xA100];
	v1 =	vadd.f32 v3, v1  }
0x328: {  	v3 =	vld [tilespmem:s29+$0xA780]  }
0x329: {  	v5 =	vadd.f32 v7, v5;
	v7 =	vld [tilespmem:s28+$0xA180];
	v1 =	vadd.f32 v4, v1  }
0x32a: {  	v4 =	vld [tilespmem:s29+$0xA800]  }
0x32b: {  	v5 =	vadd.f32 v8, v5;
	v8 =	vld [tilespmem:s28+$0xA200];
	v1 =	vadd.f32 v2, v1  }
0x32c: {  	v2 =	vld [tilespmem:s29+$0xA880]  }
0x32d: {  	v63 =	vld [tilespmem:s29+$0xA900];
	v5 =	vadd.f32 v6, v5;
	v1 =	vadd.f32 v3, v1  }
0x32e: {  	v3 =	vld [tilespmem:s28+$0xA280]  }
0x32f: {  	v5 =	vadd.f32 v7, v5;
	v6 =	vadd.f32 v4, v1;
	v1 =	vld [tilespmem:s29+$0xA980]  }
0x330: {  	v4 =	vld [tilespmem:s28+$0xA300]  }
0x331: {  	v7 =	vadd.f32 v8, v5;
	v5 =	vld [tilespmem:s28+$0xA380];
	v8 =	vadd.f32 v2, v6  }
0x332: {  	v2 =	vld [tilespmem:s29+$0xAA00]  }
0x333: {  	s31 =	simm.s32 $0xC0;
	s30 =	simm.s32 $0x20;
	v6 =	vadd.f32 v3, v7;
	v3 =	vld [tilespmem:s28+$0xA400];
	v7 =	vadd.f32 v63, v8  }
.LBB2_16:
0x334: {  	p0 =	sne.s32 s31, $0x1C0;
	v8 =	vld [tilespmem:s30+$0x9D80]  }
0x335: {  	v4 =	vadd.f32 v4, v6;
	v6 =	vld [tilespmem:s28+$0xA480];
	v1 =	vadd.f32 v1, v7  }
0x336: {  	v7 =	vld [tilespmem:s30+$0x9E00]  }
0x337: {  	v4 =	vadd.f32 v5, v4;
	v5 =	vld [tilespmem:s28+$0xA500];
	v1 =	vadd.f32 v2, v1  }
0x338: {  	v2 =	vld [tilespmem:s30+$0x9E80]  }
0x339: {  	v8 =	vadd.f32 v8, v0;
	v3 =	vadd.f32 v3, v4;
	v4 =	vld [tilespmem:s28+$0xA580];
	[tilespmem:s29+$0x4180] =	vst v1;
	s29 =	smov.u32 s28;
	s28 =	smov.u32 s30  }
0x33a: {  	v1 =	vld [tilespmem:s28+$0x9F00]  }
0x33b: {  	v7 =	vadd.f32 v7, v8;
	v3 =	vadd.f32 v6, v3;
	v6 =	vld [tilespmem:s29+$0xA600]  }
0x33c: {  	v8 =	vld [tilespmem:s28+$0x9F80]  }
0x33d: {  	v2 =	vadd.f32 v2, v7;
	v3 =	vadd.f32 v5, v3;
	v5 =	vld [tilespmem:s29+$0xA680]  }
0x33e: {  	v7 =	vld [tilespmem:s28+$0xA000]  }
0x33f: {  	v1 =	vadd.f32 v1, v2;
	v2 =	vadd.f32 v4, v3;
	v3 =	vld [tilespmem:s29+$0xA700]  }
0x340: {  	v4 =	vld [tilespmem:s28+$0xA080]  }
0x341: {  	v1 =	vadd.f32 v8, v1;
	v2 =	vadd.f32 v6, v2;
	v6 =	vld [tilespmem:s29+$0xA780]  }
0x342: {  	v8 =	vld [tilespmem:s28+$0xA100]  }
0x343: {  	v1 =	vadd.f32 v7, v1;
	v2 =	vadd.f32 v5, v2;
	v5 =	vld [tilespmem:s29+$0xA800]  }
0x344: {  	v7 =	vld [tilespmem:s28+$0xA180]  }
0x345: {  	v1 =	vadd.f32 v4, v1;
	v2 =	vadd.f32 v3, v2;
	v3 =	vld [tilespmem:s29+$0xA880]  }
0x346: {  	v9 =	vld [tilespmem:s28+$0xA200]  }
0x347: {  	v1 =	vadd.f32 v8, v1;
	v2 =	vadd.f32 v6, v2;
	v8 =	vld [tilespmem:s29+$0xA900]  }
0x348: {  	v6 =	vld [tilespmem:s28+$0xA280]  }
.Ltmp7:
0x349: {  	v7 =	vadd.f32 v7, v1;
	v2 =	vadd.f32 v5, v2;
	v1 =	vld [tilespmem:s29+$0xA980];
	(pc) =	sbr.rel @p0 .LBB2_16-.Ltmp7, $4  }
0x34a: {  	v4 =	vld [tilespmem:s28+$0xA300]  }
0x34b: {  	v7 =	vadd.f32 v9, v7;
	v9 =	vadd.f32 v3, v2;
	v2 =	vld [tilespmem:s29+$0xAA00]  }
0x34c: {  	v5 =	vld [tilespmem:s28+$0xA380]  }
0x34d: {  	s30 =	sshra.s32 s31, $0x2;
	s31 =	sadd.s32 $0x40, s31;
	v6 =	vadd.f32 v6, v7;
	v3 =	vld [tilespmem:s28+$0xA400];
	v7 =	vadd.f32 v8, v9  }
0x34e: {  	v8 =	vld [tilespmem:s30+$0x9D80]  }
0x34f: {  	v9 =	vld [tilespmem:s28+$0xA480];
	v1 =	vadd.f32 v1, v7  }
0x350: {  	v31 =	vld [tilespmem:s30+$0x9E00]  }
0x351: {  	v10 =	vld [tilespmem:s28+$0xA500];
	v4 =	vadd.f32 v4, v6;
	v1 =	vadd.f32 v2, v1  }
0x352: {  	v32 =	vld [tilespmem:s30+$0x9E80]  }
0x353: {  	v33 =	vld [tilespmem:s28+$0xA580];
	v4 =	vadd.f32 v5, v4;
	v0 =	vadd.f32 v8, v0;
	[tilespmem:s29+$0x4180] =	vst v1  }
0x354: {  	v1 =	vld [tilespmem:s30+$0x9F00]  }
0x355: {  	v3 =	vadd.f32 v3, v4;
	v0 =	vadd.f32 v31, v0  }
0x356: {  	v34 =	vld [tilespmem:s30+$0x9F80]  }
0x357: {  	v35 =	vld [tilespmem:s28+$0xA600];
	v3 =	vadd.f32 v9, v3;
	v0 =	vadd.f32 v32, v0  }
0x358: {  	v36 =	vld [tilespmem:s30+$0xA000]  }
0x359: {  	v37 =	vld [tilespmem:s28+$0xA680];
	v3 =	vadd.f32 v10, v3;
	v0 =	vadd.f32 v1, v0  }
0x35a: {  	v38 =	vld [tilespmem:s30+$0xA080]  }
0x35b: {  	v39 =	vld [tilespmem:s28+$0xA700];
	v3 =	vadd.f32 v33, v3;
	v0 =	vadd.f32 v34, v0  }
0x35c: {  	v40 =	vld [tilespmem:s30+$0xA100]  }
0x35d: {  	v41 =	vld [tilespmem:s28+$0xA780];
	v3 =	vadd.f32 v35, v3;
	v0 =	vadd.f32 v36, v0  }
0x35e: {  	v42 =	vld [tilespmem:s30+$0xA180]  }
0x35f: {  	v43 =	vld [tilespmem:s28+$0xA800];
	v3 =	vadd.f32 v37, v3;
	v0 =	vadd.f32 v38, v0  }
0x360: {  	v44 =	vld [tilespmem:s30+$0xA200]  }
0x361: {  	v45 =	vld [tilespmem:s28+$0xA880];
	v3 =	vadd.f32 v39, v3;
	v0 =	vadd.f32 v40, v0  }
0x362: {  	v46 =	vld [tilespmem:s30+$0xA280]  }
0x363: {  	v47 =	vld [tilespmem:s28+$0xA900];
	v3 =	vadd.f32 v41, v3;
	v0 =	vadd.f32 v42, v0  }
0x364: {  	v48 =	vld [tilespmem:s30+$0xA300]  }
0x365: {  	v49 =	vld [tilespmem:s28+$0xA980];
	v3 =	vadd.f32 v43, v3;
	v0 =	vadd.f32 v44, v0  }
0x366: {  	v50 =	vld [tilespmem:s30+$0xA380]  }
0x367: {  	v51 =	vld [tilespmem:s28+$0xAA00];
	v3 =	vadd.f32 v45, v3;
	v0 =	vadd.f32 v46, v0  }
0x368: {  	v52 =	vld [tilespmem:s30+$0xA400]  }
0x369: {  	v3 =	vadd.f32 v47, v3;
	v0 =	vadd.f32 v48, v0  }
0x36a: {  	v53 =	vld [tilespmem:s30+$0xA480]  }
0x36b: {  	v3 =	vadd.f32 v49, v3;
	v0 =	vadd.f32 v50, v0  }
0x36c: {  	v54 =	vld [tilespmem:s30+$0xA500]  }
0x36d: {  	v3 =	vadd.f32 v51, v3;
	v0 =	vadd.f32 v52, v0  }
0x36e: {  	v55 =	vld [tilespmem:s30+$0xA580]  }
0x36f: {  	[tilespmem:s28+$0x4180] =	vst v3;
	v0 =	vadd.f32 v53, v0  }
0x370: {  	v56 =	vld [tilespmem:s30+$0xA600]  }
0x371: {  	v0 =	vadd.f32 v54, v0  }
0x372: {  	v57 =	vld [tilespmem:s30+$0xA680]  }
0x373: {  	v0 =	vadd.f32 v55, v0  }
0x374: {  	v3 =	vld [tilespmem:s30+$0xA700]  }
0x375: {  	v0 =	vadd.f32 v56, v0  }
0x376: {  	v58 =	vld [tilespmem:s30+$0xA780]  }
0x377: {  	v0 =	vadd.f32 v57, v0  }
0x378: {  	v59 =	vld [tilespmem:s30+$0xA800]  }
0x379: {  	v0 =	vadd.f32 v3, v0  }
0x37a: {  	v60 =	vld [tilespmem:s30+$0xA880]  }
0x37b: {  	v0 =	vadd.f32 v58, v0  }
0x37c: {  	v61 =	vld [tilespmem:s30+$0xA900]  }
0x37d: {  	v0 =	vadd.f32 v59, v0  }
0x37e: {  	v62 =	vld [tilespmem:s30+$0xA980]  }
0x37f: {  	v0 =	vadd.f32 v60, v0  }
0x380: {  	v63 =	vld [tilespmem:s30+$0xAA00]  }
0x381: {  	v0 =	vadd.f32 v61, v0;
	_ =	sdelay $0x1  }
0x382: {  	v0 =	vadd.f32 v62, v0;
	_ =	sdelay $0x1  }
0x383: {  	s26 =	sadd.s32 $0x1, s26;
	v0 =	vadd.f32 v63, v0  }
0x384: {  	p0 =	sne.s32 s26, s7  }
.Ltmp8:
0x385: {  	[tilespmem:s30+$0x4180] =	vst v0;
	(pc) =	sbr.rel @p0 .LBB2_1-.Ltmp8, $4  }
0x386: {  	[hbm4b:s6+s1] =	stream.linear.scatter [tilespmem:s25], [sflag:$0x5], $0x200, $0x38;
	[tilespmem:$0xAA80] =	vst v63  }
0x387: {  	_ =	swait.ge [sflag:s10], $0x200  }
0x388: {  	[sflag:s10] =	ssyncset.done $0x0  }
0x389: {  	[sflag:s10] =	ssyncadd.s32 $0xFFFFFE00  }
0x38a: {  	_ =	sfence.sel $0x180000  }
0x38b: {  	[bflag:$0x0] =	sbarrier.arrive $0xFFFF  }
0x38c: {  	p0 =	sne.s32 s2, $0x0;
	_ =	strace $0x90000047  }
0x38d: {  	s0 =	sadd.s32 @!p0 $0x100000, s0;
	[bflag:$0x2] =	sbarrier.arrive $0xFFFF  }
0x38e: {  	[sflag:s0] =	ssyncadd.tile.s32 @!p0 $0x1;
	_ =	shalt  }
.Lfunc_end2:
_tile_overlayer_lowered:
.L_overlay_start_2:
0x38f: {  	(tag) =	ssettag $0x2  }
0x390: {  	s0 =	rddreg [dreg:$0x0];
	s2 =	stileid.u32  }
0x391: {  	s1 =	rddreg [dreg:$0x1];
	p0 =	sne.s32 s2, $0x0  }
0x392: {  	s3 =	rddreg [dreg:$0x2];
	[bflag:$0x3] =	sbarrier.arrive $0xFFFF;
	s2 =	simm.s32 @!p0 $0x1C05  }
0x393: {  	[timem:s3], [sflag:s2] =	dma.local @!p0 [hbm:s0], s1  }
0x394: {  	s0 =	simm.s32 @!p0 $0x5  }
0x395: {  	_ =	swait.ge @!p0 [sflag:s0], s1  }
0x396: {  	s1 =	ssub.s32 @!p0 $0x0, s1;
	[sflag:s0] =	ssyncset.done @!p0 $0x0  }
0x397: {  	[sflag:s0] =	ssyncadd.s32 @!p0 s1  }
0x398: {  	[bflag:$0x3] =	sbarrier.arrive $0xFFFF  }
0x399: {  	_ =	shalt  }

</sc_bundles>
